<compile_context>
chip_gen: v7x
topology: tpu7x:2x2x1
jax: 0.10.2.dev20260603
libtpu: 0.0.44.dev20260713+nightly
codegen_flags: <defaults>
</compile_context>

<pallas_src>
import functools

import jax
import jax.numpy as jnp
from jax import lax
from jax.experimental import pallas as pl
from jax.experimental.pallas import tpu as pltpu
from jax.experimental.pallas import tpu_sc as plsc

EMBED = 32
BATCH = 16384
ROW = EMBED * EMBED

NC = 2
NS = 16
NW = NC * NS
BPW = BATCH // NW
C = 32
NCHUNK = BPW // C
L = 16


def _splat(vec, i):
    idx = jnp.full((L, 1), i, jnp.int32)
    dn = lax.GatherDimensionNumbers(
        offset_dims=(), collapsed_slice_dims=(0,), start_index_map=(0,))
    return lax.gather(vec, idx, dn, (1,),
                      mode=lax.GatherScatterMode.PROMISE_IN_BOUNDS)


def _sc_body(noun_hbm, func_hbm, ctx_hbm, xa_hbm, xf_hbm, xc_hbm, out_hbm,
             idxa, idxf, idxc,
             a128, c128, fbuf0, fbuf1, pbuf, obuf,
             sem_f0, sem_f1, sem_ac0, sem_ac1):
    wid = lax.axis_index("s") * NC + lax.axis_index("c")
    base = wid * BPW

    pltpu.sync_copy(xa_hbm.at[wid], idxa)
    pltpu.sync_copy(xf_hbm.at[wid], idxf)
    pltpu.sync_copy(xc_hbm.at[wid], idxc)

    lane = lax.iota(jnp.int32, L)
    fbufs = (fbuf0, fbuf1)
    sems_f = (sem_f0, sem_f1)
    sems_ac = (sem_ac0, sem_ac1)

    def start_chunk(g, par):
        cs = pl.ds(g * C, C)
        a_sl = pl.ds(par * C, C)
        pltpu.make_async_copy(
            func_hbm.at[idxf.at[cs]], fbufs[par], sems_f[par]).start()
        pltpu.make_async_copy(
            noun_hbm.at[idxa.at[cs]], a128.at[a_sl], sems_ac[par]).start()
        pltpu.make_async_copy(
            ctx_hbm.at[idxc.at[cs]], c128.at[a_sl], sems_ac[par]).start()

    def wait_chunk(par):
        a_sl = pl.ds(par * C, C)
        pltpu.make_async_copy(
            func_hbm.at[idxf.at[pl.ds(0, C)]], fbufs[par], sems_f[par]).wait()
        pltpu.make_async_copy(
            noun_hbm.at[idxa.at[pl.ds(0, C)]], a128.at[a_sl],
            sems_ac[par]).wait()
        pltpu.make_async_copy(
            ctx_hbm.at[idxc.at[pl.ds(0, C)]], c128.at[a_sl],
            sems_ac[par]).wait()

    def run_chunk(g, par):
        fbuf = fbufs[par]
        wait_chunk(par)

        def body(b, _):
            br = par * C + b
            a0 = a128[br, pl.ds(0, L)]
            a1 = a128[br, pl.ds(L, L)]
            c0 = c128[br, pl.ds(EMBED, L)]
            c1 = c128[br, pl.ds(EMBED + L, L)]
            w0 = jnp.zeros((L,), jnp.float32)
            w1 = jnp.zeros((L,), jnp.float32)
            for i in range(EMBED):
                cv = _splat(c0 if i < L else c1, i % L)
                w0 = w0 + cv * fbuf[b, pl.ds(i * EMBED, L)]
                w1 = w1 + cv * fbuf[b, pl.ds(i * EMBED + L, L)]
            pbuf[b, :] = w0 * a0 + w1 * a1
            return 0

        lax.fori_loop(0, C, body, 0)

        for grp in range(C // L):
            row_idx = grp * L + lane
            acc = jnp.zeros((L,), jnp.float32)
            for k in range(L):
                col_idx = jnp.full((L,), k, jnp.int32)
                acc = acc + plsc.load_gather(pbuf, [row_idx, col_idx])
            obuf[pl.ds(g * C + grp * L, L)] = acc

    start_chunk(0, 0)

    def pair_body(h, _):
        for par in range(2):
            g = 2 * h + par
            nxt = g + 1

            @pl.when(nxt < NCHUNK)
            def _():
                start_chunk(nxt, 1 - par)

            run_chunk(g, par)
        return 0

    lax.fori_loop(0, NCHUNK // 2, pair_body, 0)

    pltpu.sync_copy(obuf, out_hbm.at[pl.ds(base, BPW)])


@jax.jit
def _sc_call(noun128, functor_table, ctx128, xa, xf, xc):
    mesh = plsc.VectorSubcoreMesh(core_axis_name="c", subcore_axis_name="s")
    f = pl.kernel(
        _sc_body,
        out_type=jax.ShapeDtypeStruct((BATCH,), jnp.float32),
        mesh=mesh,
        scratch_types=[
            pltpu.VMEM((BPW,), jnp.int32),
            pltpu.VMEM((BPW,), jnp.int32),
            pltpu.VMEM((BPW,), jnp.int32),
            pltpu.VMEM((2 * C, 128), jnp.float32),
            pltpu.VMEM((2 * C, 128), jnp.float32),
            pltpu.VMEM((C, ROW), jnp.float32),
            pltpu.VMEM((C, ROW), jnp.float32),
            pltpu.VMEM((C, L), jnp.float32),
            pltpu.VMEM((BPW,), jnp.float32),
            pltpu.SemaphoreType.DMA,
            pltpu.SemaphoreType.DMA,
            pltpu.SemaphoreType.DMA,
            pltpu.SemaphoreType.DMA,
        ],
        compiler_params=pltpu.CompilerParams(needs_layout_passes=False),
    )
    return f(noun128, functor_table, ctx128, xa, xf, xc)


def kernel(nounMatrix, functor_table, context_table, X_argument, X_functor, X_context):
    combo = jnp.concatenate(
        [nounMatrix, context_table,
         jnp.zeros((100000, 128 - 2 * EMBED), jnp.float32)], axis=1)
    xa = X_argument.astype(jnp.int32).reshape(NW, BPW)
    xf = X_functor.astype(jnp.int32).reshape(NW, BPW)
    xc = X_context.astype(jnp.int32).reshape(NW, BPW)
    return _sc_call(combo, functor_table, combo, xa, xf, xc)

# --- scband reference (transcript-rebuilt; emitter-appended) ---
"""Pipeline reference for scband-matrix-skipgram-47330539602036 (READ-ONLY COPY).

The authoritative reference and input builder live on the scoring server;
editing this copy changes nothing except your own understanding.
"""

import jax, jax.numpy as jnp
import numpy as np

NOUN_VOCAB = 100000
FUNCTOR_VOCAB = 100000
CONTEXT_VOCAB = 100000
EMBED = 32
BATCH = 16384

def setup_inputs(seed: int = 0) -> dict:
    key = jax.random.key(seed)
    k1, k2, k3, k4, k5, k6 = jax.random.split(key, 6)
    X_argument = jax.random.randint(k1, (BATCH,), 0, NOUN_VOCAB, dtype=jnp.int64) if jax.config.jax_enable_x64 else jax.random.randint(k1, (BATCH,), 0, NOUN_VOCAB, dtype=jnp.int32)
    X_functor = jax.random.randint(k2, (BATCH,), 0, FUNCTOR_VOCAB, dtype=jnp.int32)
    X_context = jax.random.randint(k3, (BATCH,), 0, CONTEXT_VOCAB, dtype=jnp.int32)
    nounMatrix = jax.random.normal(k4, (NOUN_VOCAB, EMBED), dtype=jnp.float32)
    functor_table = jax.random.normal(k5, (FUNCTOR_VOCAB, EMBED * EMBED), dtype=jnp.float32)
    context_table = jax.random.normal(k6, (CONTEXT_VOCAB, EMBED), dtype=jnp.float32)
    return {
        "nounMatrix": nounMatrix,
        "functor_table": functor_table,
        "context_table": context_table,
        "X_argument": X_argument,
        "X_functor": X_functor,
        "X_context": X_context,
    }

def reference(nounMatrix, functor_table, context_table, X_argument, X_functor, X_context):
    # Embedding lookups (gathers)
    arg_vecs = jnp.take(nounMatrix, X_argument, axis=0)          # [B, E]
    func_vecs = jnp.take(functor_table, X_functor, axis=0)       # [B, E*E]
    context_vecs = jnp.take(context_table, X_context, axis=0)    # [B, E]
    func_mats = func_vecs.reshape(-1, EMBED, EMBED)              # [B, E, E]
    funcarg_vecs = jnp.squeeze(jnp.matmul(func_mats, arg_vecs[:, :, None]), axis=-1)  # [B, E]
    batch_dot = jnp.sum(funcarg_vecs * context_vecs, axis=1)     # [B]
    return batch_dot

if __name__ == "__main__":
    import jax
    _d = setup_inputs()
    print(jax.jit(kernel)(*tuple(_d.values())))

</pallas_src>

<mosaic_0001>
#map = affine_map<(d0, d1) -> (0, 0)>
#map1 = affine_map<(d0, d1) -> (0)>
module attributes {stable_mosaic.version = 14 : i64} {
  func.func @_sc_body(%arg0: i32, %arg1: i32, %arg2: memref<100000x128xf32, #tpu.memory_space<hbm>>, %arg3: memref<100000x1024xf32, #tpu.memory_space<hbm>>, %arg4: memref<100000x128xf32, #tpu.memory_space<hbm>>, %arg5: memref<32x512xi32, #tpu.memory_space<hbm>>, %arg6: memref<32x512xi32, #tpu.memory_space<hbm>>, %arg7: memref<32x512xi32, #tpu.memory_space<hbm>>, %arg8: memref<16384xf32, #tpu.memory_space<hbm>>, %arg9: memref<512xi32, #tpu.memory_space<vmem>>, %arg10: memref<512xi32, #tpu.memory_space<vmem>>, %arg11: memref<512xi32, #tpu.memory_space<vmem>>, %arg12: memref<64x128xf32, #tpu.memory_space<vmem>>, %arg13: memref<64x128xf32, #tpu.memory_space<vmem>>, %arg14: memref<32x1024xf32, #tpu.memory_space<vmem>>, %arg15: memref<32x1024xf32, #tpu.memory_space<vmem>>, %arg16: memref<32x16xf32, #tpu.memory_space<vmem>>, %arg17: memref<512xf32, #tpu.memory_space<vmem>>, %arg18: memref<!tpu.dma_semaphore, #tpu.memory_space<semaphore_mem>>, %arg19: memref<!tpu.dma_semaphore, #tpu.memory_space<semaphore_mem>>, %arg20: memref<!tpu.dma_semaphore, #tpu.memory_space<semaphore_mem>>, %arg21: memref<!tpu.dma_semaphore, #tpu.memory_space<semaphore_mem>>) attributes {dimension_semantics = [#tpu.dimension_semantics<core_parallel>, #tpu.dimension_semantics<subcore_parallel>], iteration_bounds = array<i64: 2, 16>, scalar_prefetch = 0 : i64, scratch_operands = 13 : i64, tpu.core_type = #tpu.core_type<sc_vector_subcore>, window_params = [{transform_indices = #map}, {transform_indices = #map}, {transform_indices = #map}, {transform_indices = #map}, {transform_indices = #map}, {transform_indices = #map}, {transform_indices = #map1}]} {
    %mul3A = arith.constant 2 : i32
    %mul3A_0 = arith.muli %arg1, %mul3A : i32
    %add3A = arith.addi %mul3A_0, %arg0 : i32
    %mul3A_1 = arith.constant 512 : i32
    %mul3A_2 = arith.muli %add3A, %mul3A_1 : i32
    "tpu.region"() ({
      %run_scoped3A = tpu.sem_alloc : memref<!tpu.dma_semaphore, #tpu.memory_space<semaphore_mem>>
      %dma_start3A_29 = arith.constant 0 : i32
      %dma_start3A_30 = tpu.memref_slice %arg5[%add3A, %dma_start3A_29] : memref<32x512xi32, #tpu.memory_space<hbm>> -> memref<1x512xi32, #tpu.memory_space<hbm>>
      %dma_start3A_31 = tpu.memref_squeeze %dma_start3A_30 : memref<1x512xi32, #tpu.memory_space<hbm>> -> memref<512xi32, #tpu.memory_space<hbm>>
      %dma_start3A_32 = arith.constant 0 : i32
      %dma_start3A_33 = tpu.memref_slice %arg5[%add3A, %dma_start3A_32] : memref<32x512xi32, #tpu.memory_space<hbm>> -> memref<1x512xi32, #tpu.memory_space<hbm>>
      %dma_start3A_34 = tpu.memref_squeeze %dma_start3A_33 : memref<1x512xi32, #tpu.memory_space<hbm>> -> memref<512xi32, #tpu.memory_space<hbm>>
      tpu.enqueue_dma source(%dma_start3A_34 : memref<512xi32, #tpu.memory_space<hbm>>) target(%arg9 : memref<512xi32, #tpu.memory_space<vmem>>) target_semaphore(%run_scoped3A : memref<!tpu.dma_semaphore, #tpu.memory_space<semaphore_mem>>)
      %dma_wait3A = arith.constant 0 : i32
      %dma_wait3A_35 = tpu.memref_slice %arg5[%add3A, %dma_wait3A] : memref<32x512xi32, #tpu.memory_space<hbm>> -> memref<1x512xi32, #tpu.memory_space<hbm>>
      %dma_wait3A_36 = tpu.memref_squeeze %dma_wait3A_35 : memref<1x512xi32, #tpu.memory_space<hbm>> -> memref<512xi32, #tpu.memory_space<hbm>>
      %dma_wait3A_37 = arith.constant 0 : i32
      %dma_wait3A_38 = tpu.memref_slice %arg5[%add3A, %dma_wait3A_37] : memref<32x512xi32, #tpu.memory_space<hbm>> -> memref<1x512xi32, #tpu.memory_space<hbm>>
      %dma_wait3A_39 = tpu.memref_squeeze %dma_wait3A_38 : memref<1x512xi32, #tpu.memory_space<hbm>> -> memref<512xi32, #tpu.memory_space<hbm>>
      tpu.wait_dma2 semaphore(%run_scoped3A : memref<!tpu.dma_semaphore, #tpu.memory_space<semaphore_mem>>) src(%dma_wait3A_39 : memref<512xi32, #tpu.memory_space<hbm>>) dst(%arg9 : memref<512xi32, #tpu.memory_space<vmem>>)
      tpu.yield
    }) : () -> ()
    "tpu.region"() ({
      %run_scoped3A = tpu.sem_alloc : memref<!tpu.dma_semaphore, #tpu.memory_space<semaphore_mem>>
      %dma_start3A_29 = arith.constant 0 : i32
      %dma_start3A_30 = tpu.memref_slice %arg6[%add3A, %dma_start3A_29] : memref<32x512xi32, #tpu.memory_space<hbm>> -> memref<1x512xi32, #tpu.memory_space<hbm>>
      %dma_start3A_31 = tpu.memref_squeeze %dma_start3A_30 : memref<1x512xi32, #tpu.memory_space<hbm>> -> memref<512xi32, #tpu.memory_space<hbm>>
      %dma_start3A_32 = arith.constant 0 : i32
      %dma_start3A_33 = tpu.memref_slice %arg6[%add3A, %dma_start3A_32] : memref<32x512xi32, #tpu.memory_space<hbm>> -> memref<1x512xi32, #tpu.memory_space<hbm>>
      %dma_start3A_34 = tpu.memref_squeeze %dma_start3A_33 : memref<1x512xi32, #tpu.memory_space<hbm>> -> memref<512xi32, #tpu.memory_space<hbm>>
      tpu.enqueue_dma source(%dma_start3A_34 : memref<512xi32, #tpu.memory_space<hbm>>) target(%arg10 : memref<512xi32, #tpu.memory_space<vmem>>) target_semaphore(%run_scoped3A : memref<!tpu.dma_semaphore, #tpu.memory_space<semaphore_mem>>)
      %dma_wait3A = arith.constant 0 : i32
      %dma_wait3A_35 = tpu.memref_slice %arg6[%add3A, %dma_wait3A] : memref<32x512xi32, #tpu.memory_space<hbm>> -> memref<1x512xi32, #tpu.memory_space<hbm>>
      %dma_wait3A_36 = tpu.memref_squeeze %dma_wait3A_35 : memref<1x512xi32, #tpu.memory_space<hbm>> -> memref<512xi32, #tpu.memory_space<hbm>>
      %dma_wait3A_37 = arith.constant 0 : i32
      %dma_wait3A_38 = tpu.memref_slice %arg6[%add3A, %dma_wait3A_37] : memref<32x512xi32, #tpu.memory_space<hbm>> -> memref<1x512xi32, #tpu.memory_space<hbm>>
      %dma_wait3A_39 = tpu.memref_squeeze %dma_wait3A_38 : memref<1x512xi32, #tpu.memory_space<hbm>> -> memref<512xi32, #tpu.memory_space<hbm>>
      tpu.wait_dma2 semaphore(%run_scoped3A : memref<!tpu.dma_semaphore, #tpu.memory_space<semaphore_mem>>) src(%dma_wait3A_39 : memref<512xi32, #tpu.memory_space<hbm>>) dst(%arg10 : memref<512xi32, #tpu.memory_space<vmem>>)
      tpu.yield
    }) : () -> ()
    "tpu.region"() ({
      %run_scoped3A = tpu.sem_alloc : memref<!tpu.dma_semaphore, #tpu.memory_space<semaphore_mem>>
      %dma_start3A_29 = arith.constant 0 : i32
      %dma_start3A_30 = tpu.memref_slice %arg7[%add3A, %dma_start3A_29] : memref<32x512xi32, #tpu.memory_space<hbm>> -> memref<1x512xi32, #tpu.memory_space<hbm>>
      %dma_start3A_31 = tpu.memref_squeeze %dma_start3A_30 : memref<1x512xi32, #tpu.memory_space<hbm>> -> memref<512xi32, #tpu.memory_space<hbm>>
      %dma_start3A_32 = arith.constant 0 : i32
      %dma_start3A_33 = tpu.memref_slice %arg7[%add3A, %dma_start3A_32] : memref<32x512xi32, #tpu.memory_space<hbm>> -> memref<1x512xi32, #tpu.memory_space<hbm>>
      %dma_start3A_34 = tpu.memref_squeeze %dma_start3A_33 : memref<1x512xi32, #tpu.memory_space<hbm>> -> memref<512xi32, #tpu.memory_space<hbm>>
      tpu.enqueue_dma source(%dma_start3A_34 : memref<512xi32, #tpu.memory_space<hbm>>) target(%arg11 : memref<512xi32, #tpu.memory_space<vmem>>) target_semaphore(%run_scoped3A : memref<!tpu.dma_semaphore, #tpu.memory_space<semaphore_mem>>)
      %dma_wait3A = arith.constant 0 : i32
      %dma_wait3A_35 = tpu.memref_slice %arg7[%add3A, %dma_wait3A] : memref<32x512xi32, #tpu.memory_space<hbm>> -> memref<1x512xi32, #tpu.memory_space<hbm>>
      %dma_wait3A_36 = tpu.memref_squeeze %dma_wait3A_35 : memref<1x512xi32, #tpu.memory_space<hbm>> -> memref<512xi32, #tpu.memory_space<hbm>>
      %dma_wait3A_37 = arith.constant 0 : i32
      %dma_wait3A_38 = tpu.memref_slice %arg7[%add3A, %dma_wait3A_37] : memref<32x512xi32, #tpu.memory_space<hbm>> -> memref<1x512xi32, #tpu.memory_space<hbm>>
      %dma_wait3A_39 = tpu.memref_squeeze %dma_wait3A_38 : memref<1x512xi32, #tpu.memory_space<hbm>> -> memref<512xi32, #tpu.memory_space<hbm>>
      tpu.wait_dma2 semaphore(%run_scoped3A : memref<!tpu.dma_semaphore, #tpu.memory_space<semaphore_mem>>) src(%dma_wait3A_39 : memref<512xi32, #tpu.memory_space<hbm>>) dst(%arg11 : memref<512xi32, #tpu.memory_space<vmem>>)
      tpu.yield
    }) : () -> ()
    %iota3A = tpu.iota {dimensions = array<i32: 0>} : vector<16xi32>
    %dma_start3A = arith.constant 0 : i32
    %dma_start3A_3 = tpu.memref_slice %arg10[%dma_start3A] : memref<512xi32, #tpu.memory_space<vmem>> -> memref<32xi32, #tpu.memory_space<vmem>>
    %dma_start3A_4 = arith.constant 0 : i32
    %dma_start3A_5 = arith.constant 0 : i32
    %dma_start3A_6 = tpu.memref_slice %arg3[%dma_start3A_4, %dma_start3A_5] : memref<100000x1024xf32, #tpu.memory_space<hbm>> -> memref<100000x1024xf32, #tpu.memory_space<hbm>>
    tpu.enqueue_indirect_dma source(%dma_start3A_6 : memref<100000x1024xf32, #tpu.memory_space<hbm>>) target(%arg14 : memref<32x1024xf32, #tpu.memory_space<vmem>>) offsets(%dma_start3A_3 : memref<32xi32, #tpu.memory_space<vmem>>) semaphore(%arg18 : memref<!tpu.dma_semaphore, #tpu.memory_space<semaphore_mem>>)
    %dma_start3A_7 = arith.constant 0 : i32
    %dma_start3A_8 = arith.constant 0 : i32
    %dma_start3A_9 = tpu.memref_slice %arg12[%dma_start3A_7, %dma_start3A_8] : memref<64x128xf32, #tpu.memory_space<vmem>> -> memref<32x128xf32, #tpu.memory_space<vmem>>
    %dma_start3A_10 = arith.constant 0 : i32
    %dma_start3A_11 = tpu.memref_slice %arg9[%dma_start3A_10] : memref<512xi32, #tpu.memory_space<vmem>> -> memref<32xi32, #tpu.memory_space<vmem>>
    %dma_start3A_12 = arith.constant 0 : i32
    %dma_start3A_13 = arith.constant 0 : i32
    %dma_start3A_14 = tpu.memref_slice %arg2[%dma_start3A_12, %dma_start3A_13] : memref<100000x128xf32, #tpu.memory_space<hbm>> -> memref<100000x128xf32, #tpu.memory_space<hbm>>
    tpu.enqueue_indirect_dma source(%dma_start3A_14 : memref<100000x128xf32, #tpu.memory_space<hbm>>) target(%dma_start3A_9 : memref<32x128xf32, #tpu.memory_space<vmem>>) offsets(%dma_start3A_11 : memref<32xi32, #tpu.memory_space<vmem>>) semaphore(%arg20 : memref<!tpu.dma_semaphore, #tpu.memory_space<semaphore_mem>>)
    %dma_start3A_15 = arith.constant 0 : i32
    %dma_start3A_16 = arith.constant 0 : i32
    %dma_start3A_17 = tpu.memref_slice %arg13[%dma_start3A_15, %dma_start3A_16] : memref<64x128xf32, #tpu.memory_space<vmem>> -> memref<32x128xf32, #tpu.memory_space<vmem>>
    %dma_start3A_18 = arith.constant 0 : i32
    %dma_start3A_19 = tpu.memref_slice %arg11[%dma_start3A_18] : memref<512xi32, #tpu.memory_space<vmem>> -> memref<32xi32, #tpu.memory_space<vmem>>
    %dma_start3A_20 = arith.constant 0 : i32
    %dma_start3A_21 = arith.constant 0 : i32
    %dma_start3A_22 = tpu.memref_slice %arg4[%dma_start3A_20, %dma_start3A_21] : memref<100000x128xf32, #tpu.memory_space<hbm>> -> memref<100000x128xf32, #tpu.memory_space<hbm>>
    tpu.enqueue_indirect_dma source(%dma_start3A_22 : memref<100000x128xf32, #tpu.memory_space<hbm>>) target(%dma_start3A_17 : memref<32x128xf32, #tpu.memory_space<vmem>>) offsets(%dma_start3A_19 : memref<32xi32, #tpu.memory_space<vmem>>) semaphore(%arg20 : memref<!tpu.dma_semaphore, #tpu.memory_space<semaphore_mem>>)
    %scan3A = arith.constant 0 : i32
    %scan3A_23 = arith.constant 0 : i32
    %scan3A_24 = arith.constant 8 : i32
    %scan3A_25 = arith.addi %scan3A_23, %scan3A_24 : i32
    %scan3A_26 = arith.constant 1 : i32
    %scan3A_27 = scf.for %scan3A_29 = %scan3A_23 to %scan3A_25 step %scan3A_26 iter_args(%scan3A_30 = %scan3A) -> (i32)  : i32 {
      %mul3A_31 = arith.constant 2 : i32
      %mul3A_32 = arith.muli %mul3A_31, %scan3A_29 : i32
      %add3A_33 = arith.constant 0 : i32
      %add3A_34 = arith.addi %mul3A_32, %add3A_33 : i32
      %add3A_35 = arith.constant 1 : i32
      %add3A_36 = arith.addi %add3A_34, %add3A_35 : i32
      %lt3A = arith.constant 16 : i32
      %lt3A_37 = arith.cmpi slt, %add3A_36, %lt3A : i32
      %convert_element_type3A = arith.extui %lt3A_37 : i1 to i32
      %cond3A = arith.constant 0 : i32
      %cond3A_38 = arith.cmpi ne, %convert_element_type3A, %cond3A : i32
      scf.if %cond3A_38 {
        %mul3A_403 = arith.constant 32 : i32
        %mul3A_404 = arith.muli %add3A_36, %mul3A_403 : i32
        %dma_start3A_405 = tpu.memref_slice %arg10[%mul3A_404] : memref<512xi32, #tpu.memory_space<vmem>> -> memref<32xi32, #tpu.memory_space<vmem>>
        %dma_start3A_406 = arith.constant 0 : i32
        %dma_start3A_407 = arith.constant 0 : i32
        %dma_start3A_408 = tpu.memref_slice %arg3[%dma_start3A_406, %dma_start3A_407] : memref<100000x1024xf32, #tpu.memory_space<hbm>> -> memref<100000x1024xf32, #tpu.memory_space<hbm>>
        tpu.enqueue_indirect_dma source(%dma_start3A_408 : memref<100000x1024xf32, #tpu.memory_space<hbm>>) target(%arg15 : memref<32x1024xf32, #tpu.memory_space<vmem>>) offsets(%dma_start3A_405 : memref<32xi32, #tpu.memory_space<vmem>>) semaphore(%arg19 : memref<!tpu.dma_semaphore, #tpu.memory_space<semaphore_mem>>)
        %dma_start3A_409 = arith.constant 32 : i32
        %dma_start3A_410 = arith.constant 0 : i32
        %dma_start3A_411 = tpu.memref_slice %arg12[%dma_start3A_409, %dma_start3A_410] : memref<64x128xf32, #tpu.memory_space<vmem>> -> memref<32x128xf32, #tpu.memory_space<vmem>>
        %dma_start3A_412 = tpu.memref_slice %arg9[%mul3A_404] : memref<512xi32, #tpu.memory_space<vmem>> -> memref<32xi32, #tpu.memory_space<vmem>>
        %dma_start3A_413 = arith.constant 0 : i32
        %dma_start3A_414 = arith.constant 0 : i32
        %dma_start3A_415 = tpu.memref_slice %arg2[%dma_start3A_413, %dma_start3A_414] : memref<100000x128xf32, #tpu.memory_space<hbm>> -> memref<100000x128xf32, #tpu.memory_space<hbm>>
        tpu.enqueue_indirect_dma source(%dma_start3A_415 : memref<100000x128xf32, #tpu.memory_space<hbm>>) target(%dma_start3A_411 : memref<32x128xf32, #tpu.memory_space<vmem>>) offsets(%dma_start3A_412 : memref<32xi32, #tpu.memory_space<vmem>>) semaphore(%arg21 : memref<!tpu.dma_semaphore, #tpu.memory_space<semaphore_mem>>)
        %dma_start3A_416 = arith.constant 32 : i32
        %dma_start3A_417 = arith.constant 0 : i32
        %dma_start3A_418 = tpu.memref_slice %arg13[%dma_start3A_416, %dma_start3A_417] : memref<64x128xf32, #tpu.memory_space<vmem>> -> memref<32x128xf32, #tpu.memory_space<vmem>>
        %dma_start3A_419 = tpu.memref_slice %arg11[%mul3A_404] : memref<512xi32, #tpu.memory_space<vmem>> -> memref<32xi32, #tpu.memory_space<vmem>>
        %dma_start3A_420 = arith.constant 0 : i32
        %dma_start3A_421 = arith.constant 0 : i32
        %dma_start3A_422 = tpu.memref_slice %arg4[%dma_start3A_420, %dma_start3A_421] : memref<100000x128xf32, #tpu.memory_space<hbm>> -> memref<100000x128xf32, #tpu.memory_space<hbm>>
        tpu.enqueue_indirect_dma source(%dma_start3A_422 : memref<100000x128xf32, #tpu.memory_space<hbm>>) target(%dma_start3A_418 : memref<32x128xf32, #tpu.memory_space<vmem>>) offsets(%dma_start3A_419 : memref<32xi32, #tpu.memory_space<vmem>>) semaphore(%arg21 : memref<!tpu.dma_semaphore, #tpu.memory_space<semaphore_mem>>)
      } else {
      }
      %dma_wait3A = arith.constant 0 : i32
      %dma_wait3A_39 = tpu.memref_slice %arg10[%dma_wait3A] : memref<512xi32, #tpu.memory_space<vmem>> -> memref<32xi32, #tpu.memory_space<vmem>>
      %dma_wait3A_40 = arith.constant 0 : i32
      %dma_wait3A_41 = arith.constant 0 : i32
      %dma_wait3A_42 = tpu.memref_slice %arg3[%dma_wait3A_40, %dma_wait3A_41] : memref<100000x1024xf32, #tpu.memory_space<hbm>> -> memref<100000x1024xf32, #tpu.memory_space<hbm>>
      tpu.wait_indirect_dma semaphore(%arg18 : memref<!tpu.dma_semaphore, #tpu.memory_space<semaphore_mem>>) src(%dma_wait3A_42 : memref<100000x1024xf32, #tpu.memory_space<hbm>>) dst(%arg14 : memref<32x1024xf32, #tpu.memory_space<vmem>>)
      %dma_wait3A_43 = arith.constant 0 : i32
      %dma_wait3A_44 = arith.constant 0 : i32
      %dma_wait3A_45 = tpu.memref_slice %arg12[%dma_wait3A_43, %dma_wait3A_44] : memref<64x128xf32, #tpu.memory_space<vmem>> -> memref<32x128xf32, #tpu.memory_space<vmem>>
      %dma_wait3A_46 = arith.constant 0 : i32
      %dma_wait3A_47 = tpu.memref_slice %arg9[%dma_wait3A_46] : memref<512xi32, #tpu.memory_space<vmem>> -> memref<32xi32, #tpu.memory_space<vmem>>
      %dma_wait3A_48 = arith.constant 0 : i32
      %dma_wait3A_49 = arith.constant 0 : i32
      %dma_wait3A_50 = tpu.memref_slice %arg2[%dma_wait3A_48, %dma_wait3A_49] : memref<100000x128xf32, #tpu.memory_space<hbm>> -> memref<100000x128xf32, #tpu.memory_space<hbm>>
      tpu.wait_indirect_dma semaphore(%arg20 : memref<!tpu.dma_semaphore, #tpu.memory_space<semaphore_mem>>) src(%dma_wait3A_50 : memref<100000x128xf32, #tpu.memory_space<hbm>>) dst(%dma_wait3A_45 : memref<32x128xf32, #tpu.memory_space<vmem>>)
      %dma_wait3A_51 = arith.constant 0 : i32
      %dma_wait3A_52 = arith.constant 0 : i32
      %dma_wait3A_53 = tpu.memref_slice %arg13[%dma_wait3A_51, %dma_wait3A_52] : memref<64x128xf32, #tpu.memory_space<vmem>> -> memref<32x128xf32, #tpu.memory_space<vmem>>
      %dma_wait3A_54 = arith.constant 0 : i32
      %dma_wait3A_55 = tpu.memref_slice %arg11[%dma_wait3A_54] : memref<512xi32, #tpu.memory_space<vmem>> -> memref<32xi32, #tpu.memory_space<vmem>>
      %dma_wait3A_56 = arith.constant 0 : i32
      %dma_wait3A_57 = arith.constant 0 : i32
      %dma_wait3A_58 = tpu.memref_slice %arg4[%dma_wait3A_56, %dma_wait3A_57] : memref<100000x128xf32, #tpu.memory_space<hbm>> -> memref<100000x128xf32, #tpu.memory_space<hbm>>
      tpu.wait_indirect_dma semaphore(%arg20 : memref<!tpu.dma_semaphore, #tpu.memory_space<semaphore_mem>>) src(%dma_wait3A_58 : memref<100000x128xf32, #tpu.memory_space<hbm>>) dst(%dma_wait3A_53 : memref<32x128xf32, #tpu.memory_space<vmem>>)
      %scan3A_59 = arith.constant 0 : i32
      %scan3A_60 = arith.constant 0 : i32
      %scan3A_61 = arith.constant 32 : i32
      %scan3A_62 = arith.addi %scan3A_60, %scan3A_61 : i32
      %scan3A_63 = arith.constant 1 : i32
      %scan3A_64 = scf.for %scan3A_403 = %scan3A_60 to %scan3A_62 step %scan3A_63 iter_args(%scan3A_404 = %scan3A_59) -> (i32)  : i32 {
        %add3A_405 = arith.constant 0 : i32
        %add3A_406 = arith.addi %add3A_405, %scan3A_403 : i32
        %get3A = arith.index_cast %add3A_406 : i32 to index
        %get3A_407 = arith.constant 0 : index
        %get3A_408 = tpu.vector_load %arg12[%get3A, %get3A_407] {strides = array<i32>} : memref<64x128xf32, #tpu.memory_space<vmem>>, vector<16xf32>,
        %get3A_409 = arith.index_cast %add3A_406 : i32 to index
        %get3A_410 = arith.constant 16 : index
        %get3A_411 = tpu.vector_load %arg12[%get3A_409, %get3A_410] {strides = array<i32>} : memref<64x128xf32, #tpu.memory_space<vmem>>, vector<16xf32>,
        %get3A_412 = arith.index_cast %add3A_406 : i32 to index
        %get3A_413 = arith.constant 32 : index
        %get3A_414 = tpu.vector_load %arg13[%get3A_412, %get3A_413] {strides = array<i32>} : memref<64x128xf32, #tpu.memory_space<vmem>>, vector<16xf32>,
        %get3A_415 = arith.index_cast %add3A_406 : i32 to index
        %get3A_416 = arith.constant 48 : index
        %get3A_417 = tpu.vector_load %arg13[%get3A_415, %get3A_416] {strides = array<i32>} : memref<64x128xf32, #tpu.memory_space<vmem>>, vector<16xf32>,
        %broadcast_in_dim3A_418 = arith.constant 0.000000e+00 : f32
        %broadcast_in_dim3A_419 = vector.broadcast %broadcast_in_dim3A_418 : f32 to vector<16xf32>
        %broadcast_in_dim3A_420 = arith.constant 0.000000e+00 : f32
        %broadcast_in_dim3A_421 = vector.broadcast %broadcast_in_dim3A_420 : f32 to vector<16xf32>
        %broadcast_in_dim3A_422 = arith.constant 0 : i32
        %broadcast_in_dim3A_423 = vector.broadcast %broadcast_in_dim3A_422 : i32 to vector<16x1xi32>
        %gather3A_424 = vector.shape_cast %broadcast_in_dim3A_423 : vector<16x1xi32> to vector<16xi32>
        %gather3A_425 = tpu.dynamic_gather %get3A_414[%gather3A_424] in [0] : vector<16xf32>, vector<16xi32> -> vector<16xf32>
        %get3A_426 = arith.index_cast %scan3A_403 : i32 to index
        %get3A_427 = arith.constant 0 : index
        %get3A_428 = tpu.vector_load %arg14[%get3A_426, %get3A_427] {strides = array<i32>} : memref<32x1024xf32, #tpu.memory_space<vmem>>, vector<16xf32>,
        %mul3A_429 = arith.mulf %gather3A_425, %get3A_428 : vector<16xf32>
        %add3A_430 = arith.addf %broadcast_in_dim3A_419, %mul3A_429 : vector<16xf32>
        %get3A_431 = arith.index_cast %scan3A_403 : i32 to index
        %get3A_432 = arith.constant 16 : index
        %get3A_433 = tpu.vector_load %arg14[%get3A_431, %get3A_432] {strides = array<i32>} : memref<32x1024xf32, #tpu.memory_space<vmem>>, vector<16xf32>,
        %mul3A_434 = arith.mulf %gather3A_425, %get3A_433 : vector<16xf32>
        %add3A_435 = arith.addf %broadcast_in_dim3A_421, %mul3A_434 : vector<16xf32>
        %broadcast_in_dim3A_436 = arith.constant 1 : i32
        %broadcast_in_dim3A_437 = vector.broadcast %broadcast_in_dim3A_436 : i32 to vector<16x1xi32>
        %gather3A_438 = vector.shape_cast %broadcast_in_dim3A_437 : vector<16x1xi32> to vector<16xi32>
        %gather3A_439 = tpu.dynamic_gather %get3A_414[%gather3A_438] in [0] : vector<16xf32>, vector<16xi32> -> vector<16xf32>
        %get3A_440 = arith.index_cast %scan3A_403 : i32 to index
        %get3A_441 = arith.constant 32 : index
        %get3A_442 = tpu.vector_load %arg14[%get3A_440, %get3A_441] {strides = array<i32>} : memref<32x1024xf32, #tpu.memory_space<vmem>>, vector<16xf32>,
        %mul3A_443 = arith.mulf %gather3A_439, %get3A_442 : vector<16xf32>
        %add3A_444 = arith.addf %add3A_430, %mul3A_443 : vector<16xf32>
        %get3A_445 = arith.index_cast %scan3A_403 : i32 to index
        %get3A_446 = arith.constant 48 : index
        %get3A_447 = tpu.vector_load %arg14[%get3A_445, %get3A_446] {strides = array<i32>} : memref<32x1024xf32, #tpu.memory_space<vmem>>, vector<16xf32>,
        %mul3A_448 = arith.mulf %gather3A_439, %get3A_447 : vector<16xf32>
        %add3A_449 = arith.addf %add3A_435, %mul3A_448 : vector<16xf32>
        %broadcast_in_dim3A_450 = arith.constant 2 : i32
        %broadcast_in_dim3A_451 = vector.broadcast %broadcast_in_dim3A_450 : i32 to vector<16x1xi32>
        %gather3A_452 = vector.shape_cast %broadcast_in_dim3A_451 : vector<16x1xi32> to vector<16xi32>
        %gather3A_453 = tpu.dynamic_gather %get3A_414[%gather3A_452] in [0] : vector<16xf32>, vector<16xi32> -> vector<16xf32>
        %get3A_454 = arith.index_cast %scan3A_403 : i32 to index
        %get3A_455 = arith.constant 64 : index
        %get3A_456 = tpu.vector_load %arg14[%get3A_454, %get3A_455] {strides = array<i32>} : memref<32x1024xf32, #tpu.memory_space<vmem>>, vector<16xf32>,
        %mul3A_457 = arith.mulf %gather3A_453, %get3A_456 : vector<16xf32>
        %add3A_458 = arith.addf %add3A_444, %mul3A_457 : vector<16xf32>
        %get3A_459 = arith.index_cast %scan3A_403 : i32 to index
        %get3A_460 = arith.constant 80 : index
        %get3A_461 = tpu.vector_load %arg14[%get3A_459, %get3A_460] {strides = array<i32>} : memref<32x1024xf32, #tpu.memory_space<vmem>>, vector<16xf32>,
        %mul3A_462 = arith.mulf %gather3A_453, %get3A_461 : vector<16xf32>
        %add3A_463 = arith.addf %add3A_449, %mul3A_462 : vector<16xf32>
        %broadcast_in_dim3A_464 = arith.constant 3 : i32
        %broadcast_in_dim3A_465 = vector.broadcast %broadcast_in_dim3A_464 : i32 to vector<16x1xi32>
        %gather3A_466 = vector.shape_cast %broadcast_in_dim3A_465 : vector<16x1xi32> to vector<16xi32>
        %gather3A_467 = tpu.dynamic_gather %get3A_414[%gather3A_466] in [0] : vector<16xf32>, vector<16xi32> -> vector<16xf32>
        %get3A_468 = arith.index_cast %scan3A_403 : i32 to index
        %get3A_469 = arith.constant 96 : index
        %get3A_470 = tpu.vector_load %arg14[%get3A_468, %get3A_469] {strides = array<i32>} : memref<32x1024xf32, #tpu.memory_space<vmem>>, vector<16xf32>,
        %mul3A_471 = arith.mulf %gather3A_467, %get3A_470 : vector<16xf32>
        %add3A_472 = arith.addf %add3A_458, %mul3A_471 : vector<16xf32>
        %get3A_473 = arith.index_cast %scan3A_403 : i32 to index
        %get3A_474 = arith.constant 112 : index
        %get3A_475 = tpu.vector_load %arg14[%get3A_473, %get3A_474] {strides = array<i32>} : memref<32x1024xf32, #tpu.memory_space<vmem>>, vector<16xf32>,
        %mul3A_476 = arith.mulf %gather3A_467, %get3A_475 : vector<16xf32>
        %add3A_477 = arith.addf %add3A_463, %mul3A_476 : vector<16xf32>
        %broadcast_in_dim3A_478 = arith.constant 4 : i32
        %broadcast_in_dim3A_479 = vector.broadcast %broadcast_in_dim3A_478 : i32 to vector<16x1xi32>
        %gather3A_480 = vector.shape_cast %broadcast_in_dim3A_479 : vector<16x1xi32> to vector<16xi32>
        %gather3A_481 = tpu.dynamic_gather %get3A_414[%gather3A_480] in [0] : vector<16xf32>, vector<16xi32> -> vector<16xf32>
        %get3A_482 = arith.index_cast %scan3A_403 : i32 to index
        %get3A_483 = arith.constant 128 : index
        %get3A_484 = tpu.vector_load %arg14[%get3A_482, %get3A_483] {strides = array<i32>} : memref<32x1024xf32, #tpu.memory_space<vmem>>, vector<16xf32>,
        %mul3A_485 = arith.mulf %gather3A_481, %get3A_484 : vector<16xf32>
        %add3A_486 = arith.addf %add3A_472, %mul3A_485 : vector<16xf32>
        %get3A_487 = arith.index_cast %scan3A_403 : i32 to index
        %get3A_488 = arith.constant 144 : index
        %get3A_489 = tpu.vector_load %arg14[%get3A_487, %get3A_488] {strides = array<i32>} : memref<32x1024xf32, #tpu.memory_space<vmem>>, vector<16xf32>,
        %mul3A_490 = arith.mulf %gather3A_481, %get3A_489 : vector<16xf32>
        %add3A_491 = arith.addf %add3A_477, %mul3A_490 : vector<16xf32>
        %broadcast_in_dim3A_492 = arith.constant 5 : i32
        %broadcast_in_dim3A_493 = vector.broadcast %broadcast_in_dim3A_492 : i32 to vector<16x1xi32>
        %gather3A_494 = vector.shape_cast %broadcast_in_dim3A_493 : vector<16x1xi32> to vector<16xi32>
        %gather3A_495 = tpu.dynamic_gather %get3A_414[%gather3A_494] in [0] : vector<16xf32>, vector<16xi32> -> vector<16xf32>
        %get3A_496 = arith.index_cast %scan3A_403 : i32 to index
        %get3A_497 = arith.constant 160 : index
        %get3A_498 = tpu.vector_load %arg14[%get3A_496, %get3A_497] {strides = array<i32>} : memref<32x1024xf32, #tpu.memory_space<vmem>>, vector<16xf32>,
        %mul3A_499 = arith.mulf %gather3A_495, %get3A_498 : vector<16xf32>
        %add3A_500 = arith.addf %add3A_486, %mul3A_499 : vector<16xf32>
        %get3A_501 = arith.index_cast %scan3A_403 : i32 to index
        %get3A_502 = arith.constant 176 : index
        %get3A_503 = tpu.vector_load %arg14[%get3A_501, %get3A_502] {strides = array<i32>} : memref<32x1024xf32, #tpu.memory_space<vmem>>, vector<16xf32>,
        %mul3A_504 = arith.mulf %gather3A_495, %get3A_503 : vector<16xf32>
        %add3A_505 = arith.addf %add3A_491, %mul3A_504 : vector<16xf32>
        %broadcast_in_dim3A_506 = arith.constant 6 : i32
        %broadcast_in_dim3A_507 = vector.broadcast %broadcast_in_dim3A_506 : i32 to vector<16x1xi32>
        %gather3A_508 = vector.shape_cast %broadcast_in_dim3A_507 : vector<16x1xi32> to vector<16xi32>
        %gather3A_509 = tpu.dynamic_gather %get3A_414[%gather3A_508] in [0] : vector<16xf32>, vector<16xi32> -> vector<16xf32>
        %get3A_510 = arith.index_cast %scan3A_403 : i32 to index
        %get3A_511 = arith.constant 192 : index
        %get3A_512 = tpu.vector_load %arg14[%get3A_510, %get3A_511] {strides = array<i32>} : memref<32x1024xf32, #tpu.memory_space<vmem>>, vector<16xf32>,
        %mul3A_513 = arith.mulf %gather3A_509, %get3A_512 : vector<16xf32>
        %add3A_514 = arith.addf %add3A_500, %mul3A_513 : vector<16xf32>
        %get3A_515 = arith.index_cast %scan3A_403 : i32 to index
        %get3A_516 = arith.constant 208 : index
        %get3A_517 = tpu.vector_load %arg14[%get3A_515, %get3A_516] {strides = array<i32>} : memref<32x1024xf32, #tpu.memory_space<vmem>>, vector<16xf32>,
        %mul3A_518 = arith.mulf %gather3A_509, %get3A_517 : vector<16xf32>
        %add3A_519 = arith.addf %add3A_505, %mul3A_518 : vector<16xf32>
        %broadcast_in_dim3A_520 = arith.constant 7 : i32
        %broadcast_in_dim3A_521 = vector.broadcast %broadcast_in_dim3A_520 : i32 to vector<16x1xi32>
        %gather3A_522 = vector.shape_cast %broadcast_in_dim3A_521 : vector<16x1xi32> to vector<16xi32>
        %gather3A_523 = tpu.dynamic_gather %get3A_414[%gather3A_522] in [0] : vector<16xf32>, vector<16xi32> -> vector<16xf32>
        %get3A_524 = arith.index_cast %scan3A_403 : i32 to index
        %get3A_525 = arith.constant 224 : index
        %get3A_526 = tpu.vector_load %arg14[%get3A_524, %get3A_525] {strides = array<i32>} : memref<32x1024xf32, #tpu.memory_space<vmem>>, vector<16xf32>,
        %mul3A_527 = arith.mulf %gather3A_523, %get3A_526 : vector<16xf32>
        %add3A_528 = arith.addf %add3A_514, %mul3A_527 : vector<16xf32>
        %get3A_529 = arith.index_cast %scan3A_403 : i32 to index
        %get3A_530 = arith.constant 240 : index
        %get3A_531 = tpu.vector_load %arg14[%get3A_529, %get3A_530] {strides = array<i32>} : memref<32x1024xf32, #tpu.memory_space<vmem>>, vector<16xf32>,
        %mul3A_532 = arith.mulf %gather3A_523, %get3A_531 : vector<16xf32>
        %add3A_533 = arith.addf %add3A_519, %mul3A_532 : vector<16xf32>
        %broadcast_in_dim3A_534 = arith.constant 8 : i32
        %broadcast_in_dim3A_535 = vector.broadcast %broadcast_in_dim3A_534 : i32 to vector<16x1xi32>
        %gather3A_536 = vector.shape_cast %broadcast_in_dim3A_535 : vector<16x1xi32> to vector<16xi32>
        %gather3A_537 = tpu.dynamic_gather %get3A_414[%gather3A_536] in [0] : vector<16xf32>, vector<16xi32> -> vector<16xf32>
        %get3A_538 = arith.index_cast %scan3A_403 : i32 to index
        %get3A_539 = arith.constant 256 : index
        %get3A_540 = tpu.vector_load %arg14[%get3A_538, %get3A_539] {strides = array<i32>} : memref<32x1024xf32, #tpu.memory_space<vmem>>, vector<16xf32>,
        %mul3A_541 = arith.mulf %gather3A_537, %get3A_540 : vector<16xf32>
        %add3A_542 = arith.addf %add3A_528, %mul3A_541 : vector<16xf32>
        %get3A_543 = arith.index_cast %scan3A_403 : i32 to index
        %get3A_544 = arith.constant 272 : index
        %get3A_545 = tpu.vector_load %arg14[%get3A_543, %get3A_544] {strides = array<i32>} : memref<32x1024xf32, #tpu.memory_space<vmem>>, vector<16xf32>,
        %mul3A_546 = arith.mulf %gather3A_537, %get3A_545 : vector<16xf32>
        %add3A_547 = arith.addf %add3A_533, %mul3A_546 : vector<16xf32>
        %broadcast_in_dim3A_548 = arith.constant 9 : i32
        %broadcast_in_dim3A_549 = vector.broadcast %broadcast_in_dim3A_548 : i32 to vector<16x1xi32>
        %gather3A_550 = vector.shape_cast %broadcast_in_dim3A_549 : vector<16x1xi32> to vector<16xi32>
        %gather3A_551 = tpu.dynamic_gather %get3A_414[%gather3A_550] in [0] : vector<16xf32>, vector<16xi32> -> vector<16xf32>
        %get3A_552 = arith.index_cast %scan3A_403 : i32 to index
        %get3A_553 = arith.constant 288 : index
        %get3A_554 = tpu.vector_load %arg14[%get3A_552, %get3A_553] {strides = array<i32>} : memref<32x1024xf32, #tpu.memory_space<vmem>>, vector<16xf32>,
        %mul3A_555 = arith.mulf %gather3A_551, %get3A_554 : vector<16xf32>
        %add3A_556 = arith.addf %add3A_542, %mul3A_555 : vector<16xf32>
        %get3A_557 = arith.index_cast %scan3A_403 : i32 to index
        %get3A_558 = arith.constant 304 : index
        %get3A_559 = tpu.vector_load %arg14[%get3A_557, %get3A_558] {strides = array<i32>} : memref<32x1024xf32, #tpu.memory_space<vmem>>, vector<16xf32>,
        %mul3A_560 = arith.mulf %gather3A_551, %get3A_559 : vector<16xf32>
        %add3A_561 = arith.addf %add3A_547, %mul3A_560 : vector<16xf32>
        %broadcast_in_dim3A_562 = arith.constant 10 : i32
        %broadcast_in_dim3A_563 = vector.broadcast %broadcast_in_dim3A_562 : i32 to vector<16x1xi32>
        %gather3A_564 = vector.shape_cast %broadcast_in_dim3A_563 : vector<16x1xi32> to vector<16xi32>
        %gather3A_565 = tpu.dynamic_gather %get3A_414[%gather3A_564] in [0] : vector<16xf32>, vector<16xi32> -> vector<16xf32>
        %get3A_566 = arith.index_cast %scan3A_403 : i32 to index
        %get3A_567 = arith.constant 320 : index
        %get3A_568 = tpu.vector_load %arg14[%get3A_566, %get3A_567] {strides = array<i32>} : memref<32x1024xf32, #tpu.memory_space<vmem>>, vector<16xf32>,
        %mul3A_569 = arith.mulf %gather3A_565, %get3A_568 : vector<16xf32>
        %add3A_570 = arith.addf %add3A_556, %mul3A_569 : vector<16xf32>
        %get3A_571 = arith.index_cast %scan3A_403 : i32 to index
        %get3A_572 = arith.constant 336 : index
        %get3A_573 = tpu.vector_load %arg14[%get3A_571, %get3A_572] {strides = array<i32>} : memref<32x1024xf32, #tpu.memory_space<vmem>>, vector<16xf32>,
        %mul3A_574 = arith.mulf %gather3A_565, %get3A_573 : vector<16xf32>
        %add3A_575 = arith.addf %add3A_561, %mul3A_574 : vector<16xf32>
        %broadcast_in_dim3A_576 = arith.constant 11 : i32
        %broadcast_in_dim3A_577 = vector.broadcast %broadcast_in_dim3A_576 : i32 to vector<16x1xi32>
        %gather3A_578 = vector.shape_cast %broadcast_in_dim3A_577 : vector<16x1xi32> to vector<16xi32>
        %gather3A_579 = tpu.dynamic_gather %get3A_414[%gather3A_578] in [0] : vector<16xf32>, vector<16xi32> -> vector<16xf32>
        %get3A_580 = arith.index_cast %scan3A_403 : i32 to index
        %get3A_581 = arith.constant 352 : index
        %get3A_582 = tpu.vector_load %arg14[%get3A_580, %get3A_581] {strides = array<i32>} : memref<32x1024xf32, #tpu.memory_space<vmem>>, vector<16xf32>,
        %mul3A_583 = arith.mulf %gather3A_579, %get3A_582 : vector<16xf32>
        %add3A_584 = arith.addf %add3A_570, %mul3A_583 : vector<16xf32>
        %get3A_585 = arith.index_cast %scan3A_403 : i32 to index
        %get3A_586 = arith.constant 368 : index
        %get3A_587 = tpu.vector_load %arg14[%get3A_585, %get3A_586] {strides = array<i32>} : memref<32x1024xf32, #tpu.memory_space<vmem>>, vector<16xf32>,
        %mul3A_588 = arith.mulf %gather3A_579, %get3A_587 : vector<16xf32>
        %add3A_589 = arith.addf %add3A_575, %mul3A_588 : vector<16xf32>
        %broadcast_in_dim3A_590 = arith.constant 12 : i32
        %broadcast_in_dim3A_591 = vector.broadcast %broadcast_in_dim3A_590 : i32 to vector<16x1xi32>
        %gather3A_592 = vector.shape_cast %broadcast_in_dim3A_591 : vector<16x1xi32> to vector<16xi32>
        %gather3A_593 = tpu.dynamic_gather %get3A_414[%gather3A_592] in [0] : vector<16xf32>, vector<16xi32> -> vector<16xf32>
        %get3A_594 = arith.index_cast %scan3A_403 : i32 to index
        %get3A_595 = arith.constant 384 : index
        %get3A_596 = tpu.vector_load %arg14[%get3A_594, %get3A_595] {strides = array<i32>} : memref<32x1024xf32, #tpu.memory_space<vmem>>, vector<16xf32>,
        %mul3A_597 = arith.mulf %gather3A_593, %get3A_596 : vector<16xf32>
        %add3A_598 = arith.addf %add3A_584, %mul3A_597 : vector<16xf32>
        %get3A_599 = arith.index_cast %scan3A_403 : i32 to index
        %get3A_600 = arith.constant 400 : index
        %get3A_601 = tpu.vector_load %arg14[%get3A_599, %get3A_600] {strides = array<i32>} : memref<32x1024xf32, #tpu.memory_space<vmem>>, vector<16xf32>,
        %mul3A_602 = arith.mulf %gather3A_593, %get3A_601 : vector<16xf32>
        %add3A_603 = arith.addf %add3A_589, %mul3A_602 : vector<16xf32>
        %broadcast_in_dim3A_604 = arith.constant 13 : i32
        %broadcast_in_dim3A_605 = vector.broadcast %broadcast_in_dim3A_604 : i32 to vector<16x1xi32>
        %gather3A_606 = vector.shape_cast %broadcast_in_dim3A_605 : vector<16x1xi32> to vector<16xi32>
        %gather3A_607 = tpu.dynamic_gather %get3A_414[%gather3A_606] in [0] : vector<16xf32>, vector<16xi32> -> vector<16xf32>
        %get3A_608 = arith.index_cast %scan3A_403 : i32 to index
        %get3A_609 = arith.constant 416 : index
        %get3A_610 = tpu.vector_load %arg14[%get3A_608, %get3A_609] {strides = array<i32>} : memref<32x1024xf32, #tpu.memory_space<vmem>>, vector<16xf32>,
        %mul3A_611 = arith.mulf %gather3A_607, %get3A_610 : vector<16xf32>
        %add3A_612 = arith.addf %add3A_598, %mul3A_611 : vector<16xf32>
        %get3A_613 = arith.index_cast %scan3A_403 : i32 to index
        %get3A_614 = arith.constant 432 : index
        %get3A_615 = tpu.vector_load %arg14[%get3A_613, %get3A_614] {strides = array<i32>} : memref<32x1024xf32, #tpu.memory_space<vmem>>, vector<16xf32>,
        %mul3A_616 = arith.mulf %gather3A_607, %get3A_615 : vector<16xf32>
        %add3A_617 = arith.addf %add3A_603, %mul3A_616 : vector<16xf32>
        %broadcast_in_dim3A_618 = arith.constant 14 : i32
        %broadcast_in_dim3A_619 = vector.broadcast %broadcast_in_dim3A_618 : i32 to vector<16x1xi32>
        %gather3A_620 = vector.shape_cast %broadcast_in_dim3A_619 : vector<16x1xi32> to vector<16xi32>
        %gather3A_621 = tpu.dynamic_gather %get3A_414[%gather3A_620] in [0] : vector<16xf32>, vector<16xi32> -> vector<16xf32>
        %get3A_622 = arith.index_cast %scan3A_403 : i32 to index
        %get3A_623 = arith.constant 448 : index
        %get3A_624 = tpu.vector_load %arg14[%get3A_622, %get3A_623] {strides = array<i32>} : memref<32x1024xf32, #tpu.memory_space<vmem>>, vector<16xf32>,
        %mul3A_625 = arith.mulf %gather3A_621, %get3A_624 : vector<16xf32>
        %add3A_626 = arith.addf %add3A_612, %mul3A_625 : vector<16xf32>
        %get3A_627 = arith.index_cast %scan3A_403 : i32 to index
        %get3A_628 = arith.constant 464 : index
        %get3A_629 = tpu.vector_load %arg14[%get3A_627, %get3A_628] {strides = array<i32>} : memref<32x1024xf32, #tpu.memory_space<vmem>>, vector<16xf32>,
        %mul3A_630 = arith.mulf %gather3A_621, %get3A_629 : vector<16xf32>
        %add3A_631 = arith.addf %add3A_617, %mul3A_630 : vector<16xf32>
        %broadcast_in_dim3A_632 = arith.constant 15 : i32
        %broadcast_in_dim3A_633 = vector.broadcast %broadcast_in_dim3A_632 : i32 to vector<16x1xi32>
        %gather3A_634 = vector.shape_cast %broadcast_in_dim3A_633 : vector<16x1xi32> to vector<16xi32>
        %gather3A_635 = tpu.dynamic_gather %get3A_414[%gather3A_634] in [0] : vector<16xf32>, vector<16xi32> -> vector<16xf32>
        %get3A_636 = arith.index_cast %scan3A_403 : i32 to index
        %get3A_637 = arith.constant 480 : index
        %get3A_638 = tpu.vector_load %arg14[%get3A_636, %get3A_637] {strides = array<i32>} : memref<32x1024xf32, #tpu.memory_space<vmem>>, vector<16xf32>,
        %mul3A_639 = arith.mulf %gather3A_635, %get3A_638 : vector<16xf32>
        %add3A_640 = arith.addf %add3A_626, %mul3A_639 : vector<16xf32>
        %get3A_641 = arith.index_cast %scan3A_403 : i32 to index
        %get3A_642 = arith.constant 496 : index
        %get3A_643 = tpu.vector_load %arg14[%get3A_641, %get3A_642] {strides = array<i32>} : memref<32x1024xf32, #tpu.memory_space<vmem>>, vector<16xf32>,
        %mul3A_644 = arith.mulf %gather3A_635, %get3A_643 : vector<16xf32>
        %add3A_645 = arith.addf %add3A_631, %mul3A_644 : vector<16xf32>
        %broadcast_in_dim3A_646 = arith.constant 0 : i32
        %broadcast_in_dim3A_647 = vector.broadcast %broadcast_in_dim3A_646 : i32 to vector<16x1xi32>
        %gather3A_648 = vector.shape_cast %broadcast_in_dim3A_647 : vector<16x1xi32> to vector<16xi32>
        %gather3A_649 = tpu.dynamic_gather %get3A_417[%gather3A_648] in [0] : vector<16xf32>, vector<16xi32> -> vector<16xf32>
        %get3A_650 = arith.index_cast %scan3A_403 : i32 to index
        %get3A_651 = arith.constant 512 : index
        %get3A_652 = tpu.vector_load %arg14[%get3A_650, %get3A_651] {strides = array<i32>} : memref<32x1024xf32, #tpu.memory_space<vmem>>, vector<16xf32>,
        %mul3A_653 = arith.mulf %gather3A_649, %get3A_652 : vector<16xf32>
        %add3A_654 = arith.addf %add3A_640, %mul3A_653 : vector<16xf32>
        %get3A_655 = arith.index_cast %scan3A_403 : i32 to index
        %get3A_656 = arith.constant 528 : index
        %get3A_657 = tpu.vector_load %arg14[%get3A_655, %get3A_656] {strides = array<i32>} : memref<32x1024xf32, #tpu.memory_space<vmem>>, vector<16xf32>,
        %mul3A_658 = arith.mulf %gather3A_649, %get3A_657 : vector<16xf32>
        %add3A_659 = arith.addf %add3A_645, %mul3A_658 : vector<16xf32>
        %broadcast_in_dim3A_660 = arith.constant 1 : i32
        %broadcast_in_dim3A_661 = vector.broadcast %broadcast_in_dim3A_660 : i32 to vector<16x1xi32>
        %gather3A_662 = vector.shape_cast %broadcast_in_dim3A_661 : vector<16x1xi32> to vector<16xi32>
        %gather3A_663 = tpu.dynamic_gather %get3A_417[%gather3A_662] in [0] : vector<16xf32>, vector<16xi32> -> vector<16xf32>
        %get3A_664 = arith.index_cast %scan3A_403 : i32 to index
        %get3A_665 = arith.constant 544 : index
        %get3A_666 = tpu.vector_load %arg14[%get3A_664, %get3A_665] {strides = array<i32>} : memref<32x1024xf32, #tpu.memory_space<vmem>>, vector<16xf32>,
        %mul3A_667 = arith.mulf %gather3A_663, %get3A_666 : vector<16xf32>
        %add3A_668 = arith.addf %add3A_654, %mul3A_667 : vector<16xf32>
        %get3A_669 = arith.index_cast %scan3A_403 : i32 to index
        %get3A_670 = arith.constant 560 : index
        %get3A_671 = tpu.vector_load %arg14[%get3A_669, %get3A_670] {strides = array<i32>} : memref<32x1024xf32, #tpu.memory_space<vmem>>, vector<16xf32>,
        %mul3A_672 = arith.mulf %gather3A_663, %get3A_671 : vector<16xf32>
        %add3A_673 = arith.addf %add3A_659, %mul3A_672 : vector<16xf32>
        %broadcast_in_dim3A_674 = arith.constant 2 : i32
        %broadcast_in_dim3A_675 = vector.broadcast %broadcast_in_dim3A_674 : i32 to vector<16x1xi32>
        %gather3A_676 = vector.shape_cast %broadcast_in_dim3A_675 : vector<16x1xi32> to vector<16xi32>
        %gather3A_677 = tpu.dynamic_gather %get3A_417[%gather3A_676] in [0] : vector<16xf32>, vector<16xi32> -> vector<16xf32>
        %get3A_678 = arith.index_cast %scan3A_403 : i32 to index
        %get3A_679 = arith.constant 576 : index
        %get3A_680 = tpu.vector_load %arg14[%get3A_678, %get3A_679] {strides = array<i32>} : memref<32x1024xf32, #tpu.memory_space<vmem>>, vector<16xf32>,
        %mul3A_681 = arith.mulf %gather3A_677, %get3A_680 : vector<16xf32>
        %add3A_682 = arith.addf %add3A_668, %mul3A_681 : vector<16xf32>
        %get3A_683 = arith.index_cast %scan3A_403 : i32 to index
        %get3A_684 = arith.constant 592 : index
        %get3A_685 = tpu.vector_load %arg14[%get3A_683, %get3A_684] {strides = array<i32>} : memref<32x1024xf32, #tpu.memory_space<vmem>>, vector<16xf32>,
        %mul3A_686 = arith.mulf %gather3A_677, %get3A_685 : vector<16xf32>
        %add3A_687 = arith.addf %add3A_673, %mul3A_686 : vector<16xf32>
        %broadcast_in_dim3A_688 = arith.constant 3 : i32
        %broadcast_in_dim3A_689 = vector.broadcast %broadcast_in_dim3A_688 : i32 to vector<16x1xi32>
        %gather3A_690 = vector.shape_cast %broadcast_in_dim3A_689 : vector<16x1xi32> to vector<16xi32>
        %gather3A_691 = tpu.dynamic_gather %get3A_417[%gather3A_690] in [0] : vector<16xf32>, vector<16xi32> -> vector<16xf32>
        %get3A_692 = arith.index_cast %scan3A_403 : i32 to index
        %get3A_693 = arith.constant 608 : index
        %get3A_694 = tpu.vector_load %arg14[%get3A_692, %get3A_693] {strides = array<i32>} : memref<32x1024xf32, #tpu.memory_space<vmem>>, vector<16xf32>,
        %mul3A_695 = arith.mulf %gather3A_691, %get3A_694 : vector<16xf32>
        %add3A_696 = arith.addf %add3A_682, %mul3A_695 : vector<16xf32>
        %get3A_697 = arith.index_cast %scan3A_403 : i32 to index
        %get3A_698 = arith.constant 624 : index
        %get3A_699 = tpu.vector_load %arg14[%get3A_697, %get3A_698] {strides = array<i32>} : memref<32x1024xf32, #tpu.memory_space<vmem>>, vector<16xf32>,
        %mul3A_700 = arith.mulf %gather3A_691, %get3A_699 : vector<16xf32>
        %add3A_701 = arith.addf %add3A_687, %mul3A_700 : vector<16xf32>
        %broadcast_in_dim3A_702 = arith.constant 4 : i32
        %broadcast_in_dim3A_703 = vector.broadcast %broadcast_in_dim3A_702 : i32 to vector<16x1xi32>
        %gather3A_704 = vector.shape_cast %broadcast_in_dim3A_703 : vector<16x1xi32> to vector<16xi32>
        %gather3A_705 = tpu.dynamic_gather %get3A_417[%gather3A_704] in [0] : vector<16xf32>, vector<16xi32> -> vector<16xf32>
        %get3A_706 = arith.index_cast %scan3A_403 : i32 to index
        %get3A_707 = arith.constant 640 : index
        %get3A_708 = tpu.vector_load %arg14[%get3A_706, %get3A_707] {strides = array<i32>} : memref<32x1024xf32, #tpu.memory_space<vmem>>, vector<16xf32>,
        %mul3A_709 = arith.mulf %gather3A_705, %get3A_708 : vector<16xf32>
        %add3A_710 = arith.addf %add3A_696, %mul3A_709 : vector<16xf32>
        %get3A_711 = arith.index_cast %scan3A_403 : i32 to index
        %get3A_712 = arith.constant 656 : index
        %get3A_713 = tpu.vector_load %arg14[%get3A_711, %get3A_712] {strides = array<i32>} : memref<32x1024xf32, #tpu.memory_space<vmem>>, vector<16xf32>,
        %mul3A_714 = arith.mulf %gather3A_705, %get3A_713 : vector<16xf32>
        %add3A_715 = arith.addf %add3A_701, %mul3A_714 : vector<16xf32>
        %broadcast_in_dim3A_716 = arith.constant 5 : i32
        %broadcast_in_dim3A_717 = vector.broadcast %broadcast_in_dim3A_716 : i32 to vector<16x1xi32>
        %gather3A_718 = vector.shape_cast %broadcast_in_dim3A_717 : vector<16x1xi32> to vector<16xi32>
        %gather3A_719 = tpu.dynamic_gather %get3A_417[%gather3A_718] in [0] : vector<16xf32>, vector<16xi32> -> vector<16xf32>
        %get3A_720 = arith.index_cast %scan3A_403 : i32 to index
        %get3A_721 = arith.constant 672 : index
        %get3A_722 = tpu.vector_load %arg14[%get3A_720, %get3A_721] {strides = array<i32>} : memref<32x1024xf32, #tpu.memory_space<vmem>>, vector<16xf32>,
        %mul3A_723 = arith.mulf %gather3A_719, %get3A_722 : vector<16xf32>
        %add3A_724 = arith.addf %add3A_710, %mul3A_723 : vector<16xf32>
        %get3A_725 = arith.index_cast %scan3A_403 : i32 to index
        %get3A_726 = arith.constant 688 : index
        %get3A_727 = tpu.vector_load %arg14[%get3A_725, %get3A_726] {strides = array<i32>} : memref<32x1024xf32, #tpu.memory_space<vmem>>, vector<16xf32>,
        %mul3A_728 = arith.mulf %gather3A_719, %get3A_727 : vector<16xf32>
        %add3A_729 = arith.addf %add3A_715, %mul3A_728 : vector<16xf32>
        %broadcast_in_dim3A_730 = arith.constant 6 : i32
        %broadcast_in_dim3A_731 = vector.broadcast %broadcast_in_dim3A_730 : i32 to vector<16x1xi32>
        %gather3A_732 = vector.shape_cast %broadcast_in_dim3A_731 : vector<16x1xi32> to vector<16xi32>
        %gather3A_733 = tpu.dynamic_gather %get3A_417[%gather3A_732] in [0] : vector<16xf32>, vector<16xi32> -> vector<16xf32>
        %get3A_734 = arith.index_cast %scan3A_403 : i32 to index
        %get3A_735 = arith.constant 704 : index
        %get3A_736 = tpu.vector_load %arg14[%get3A_734, %get3A_735] {strides = array<i32>} : memref<32x1024xf32, #tpu.memory_space<vmem>>, vector<16xf32>,
        %mul3A_737 = arith.mulf %gather3A_733, %get3A_736 : vector<16xf32>
        %add3A_738 = arith.addf %add3A_724, %mul3A_737 : vector<16xf32>
        %get3A_739 = arith.index_cast %scan3A_403 : i32 to index
        %get3A_740 = arith.constant 720 : index
        %get3A_741 = tpu.vector_load %arg14[%get3A_739, %get3A_740] {strides = array<i32>} : memref<32x1024xf32, #tpu.memory_space<vmem>>, vector<16xf32>,
        %mul3A_742 = arith.mulf %gather3A_733, %get3A_741 : vector<16xf32>
        %add3A_743 = arith.addf %add3A_729, %mul3A_742 : vector<16xf32>
        %broadcast_in_dim3A_744 = arith.constant 7 : i32
        %broadcast_in_dim3A_745 = vector.broadcast %broadcast_in_dim3A_744 : i32 to vector<16x1xi32>
        %gather3A_746 = vector.shape_cast %broadcast_in_dim3A_745 : vector<16x1xi32> to vector<16xi32>
        %gather3A_747 = tpu.dynamic_gather %get3A_417[%gather3A_746] in [0] : vector<16xf32>, vector<16xi32> -> vector<16xf32>
        %get3A_748 = arith.index_cast %scan3A_403 : i32 to index
        %get3A_749 = arith.constant 736 : index
        %get3A_750 = tpu.vector_load %arg14[%get3A_748, %get3A_749] {strides = array<i32>} : memref<32x1024xf32, #tpu.memory_space<vmem>>, vector<16xf32>,
        %mul3A_751 = arith.mulf %gather3A_747, %get3A_750 : vector<16xf32>
        %add3A_752 = arith.addf %add3A_738, %mul3A_751 : vector<16xf32>
        %get3A_753 = arith.index_cast %scan3A_403 : i32 to index
        %get3A_754 = arith.constant 752 : index
        %get3A_755 = tpu.vector_load %arg14[%get3A_753, %get3A_754] {strides = array<i32>} : memref<32x1024xf32, #tpu.memory_space<vmem>>, vector<16xf32>,
        %mul3A_756 = arith.mulf %gather3A_747, %get3A_755 : vector<16xf32>
        %add3A_757 = arith.addf %add3A_743, %mul3A_756 : vector<16xf32>
        %broadcast_in_dim3A_758 = arith.constant 8 : i32
        %broadcast_in_dim3A_759 = vector.broadcast %broadcast_in_dim3A_758 : i32 to vector<16x1xi32>
        %gather3A_760 = vector.shape_cast %broadcast_in_dim3A_759 : vector<16x1xi32> to vector<16xi32>
        %gather3A_761 = tpu.dynamic_gather %get3A_417[%gather3A_760] in [0] : vector<16xf32>, vector<16xi32> -> vector<16xf32>
        %get3A_762 = arith.index_cast %scan3A_403 : i32 to index
        %get3A_763 = arith.constant 768 : index
        %get3A_764 = tpu.vector_load %arg14[%get3A_762, %get3A_763] {strides = array<i32>} : memref<32x1024xf32, #tpu.memory_space<vmem>>, vector<16xf32>,
        %mul3A_765 = arith.mulf %gather3A_761, %get3A_764 : vector<16xf32>
        %add3A_766 = arith.addf %add3A_752, %mul3A_765 : vector<16xf32>
        %get3A_767 = arith.index_cast %scan3A_403 : i32 to index
        %get3A_768 = arith.constant 784 : index
        %get3A_769 = tpu.vector_load %arg14[%get3A_767, %get3A_768] {strides = array<i32>} : memref<32x1024xf32, #tpu.memory_space<vmem>>, vector<16xf32>,
        %mul3A_770 = arith.mulf %gather3A_761, %get3A_769 : vector<16xf32>
        %add3A_771 = arith.addf %add3A_757, %mul3A_770 : vector<16xf32>
        %broadcast_in_dim3A_772 = arith.constant 9 : i32
        %broadcast_in_dim3A_773 = vector.broadcast %broadcast_in_dim3A_772 : i32 to vector<16x1xi32>
        %gather3A_774 = vector.shape_cast %broadcast_in_dim3A_773 : vector<16x1xi32> to vector<16xi32>
        %gather3A_775 = tpu.dynamic_gather %get3A_417[%gather3A_774] in [0] : vector<16xf32>, vector<16xi32> -> vector<16xf32>
        %get3A_776 = arith.index_cast %scan3A_403 : i32 to index
        %get3A_777 = arith.constant 800 : index
        %get3A_778 = tpu.vector_load %arg14[%get3A_776, %get3A_777] {strides = array<i32>} : memref<32x1024xf32, #tpu.memory_space<vmem>>, vector<16xf32>,
        %mul3A_779 = arith.mulf %gather3A_775, %get3A_778 : vector<16xf32>
        %add3A_780 = arith.addf %add3A_766, %mul3A_779 : vector<16xf32>
        %get3A_781 = arith.index_cast %scan3A_403 : i32 to index
        %get3A_782 = arith.constant 816 : index
        %get3A_783 = tpu.vector_load %arg14[%get3A_781, %get3A_782] {strides = array<i32>} : memref<32x1024xf32, #tpu.memory_space<vmem>>, vector<16xf32>,
        %mul3A_784 = arith.mulf %gather3A_775, %get3A_783 : vector<16xf32>
        %add3A_785 = arith.addf %add3A_771, %mul3A_784 : vector<16xf32>
        %broadcast_in_dim3A_786 = arith.constant 10 : i32
        %broadcast_in_dim3A_787 = vector.broadcast %broadcast_in_dim3A_786 : i32 to vector<16x1xi32>
        %gather3A_788 = vector.shape_cast %broadcast_in_dim3A_787 : vector<16x1xi32> to vector<16xi32>
        %gather3A_789 = tpu.dynamic_gather %get3A_417[%gather3A_788] in [0] : vector<16xf32>, vector<16xi32> -> vector<16xf32>
        %get3A_790 = arith.index_cast %scan3A_403 : i32 to index
        %get3A_791 = arith.constant 832 : index
        %get3A_792 = tpu.vector_load %arg14[%get3A_790, %get3A_791] {strides = array<i32>} : memref<32x1024xf32, #tpu.memory_space<vmem>>, vector<16xf32>,
        %mul3A_793 = arith.mulf %gather3A_789, %get3A_792 : vector<16xf32>
        %add3A_794 = arith.addf %add3A_780, %mul3A_793 : vector<16xf32>
        %get3A_795 = arith.index_cast %scan3A_403 : i32 to index
        %get3A_796 = arith.constant 848 : index
        %get3A_797 = tpu.vector_load %arg14[%get3A_795, %get3A_796] {strides = array<i32>} : memref<32x1024xf32, #tpu.memory_space<vmem>>, vector<16xf32>,
        %mul3A_798 = arith.mulf %gather3A_789, %get3A_797 : vector<16xf32>
        %add3A_799 = arith.addf %add3A_785, %mul3A_798 : vector<16xf32>
        %broadcast_in_dim3A_800 = arith.constant 11 : i32
        %broadcast_in_dim3A_801 = vector.broadcast %broadcast_in_dim3A_800 : i32 to vector<16x1xi32>
        %gather3A_802 = vector.shape_cast %broadcast_in_dim3A_801 : vector<16x1xi32> to vector<16xi32>
        %gather3A_803 = tpu.dynamic_gather %get3A_417[%gather3A_802] in [0] : vector<16xf32>, vector<16xi32> -> vector<16xf32>
        %get3A_804 = arith.index_cast %scan3A_403 : i32 to index
        %get3A_805 = arith.constant 864 : index
        %get3A_806 = tpu.vector_load %arg14[%get3A_804, %get3A_805] {strides = array<i32>} : memref<32x1024xf32, #tpu.memory_space<vmem>>, vector<16xf32>,
        %mul3A_807 = arith.mulf %gather3A_803, %get3A_806 : vector<16xf32>
        %add3A_808 = arith.addf %add3A_794, %mul3A_807 : vector<16xf32>
        %get3A_809 = arith.index_cast %scan3A_403 : i32 to index
        %get3A_810 = arith.constant 880 : index
        %get3A_811 = tpu.vector_load %arg14[%get3A_809, %get3A_810] {strides = array<i32>} : memref<32x1024xf32, #tpu.memory_space<vmem>>, vector<16xf32>,
        %mul3A_812 = arith.mulf %gather3A_803, %get3A_811 : vector<16xf32>
        %add3A_813 = arith.addf %add3A_799, %mul3A_812 : vector<16xf32>
        %broadcast_in_dim3A_814 = arith.constant 12 : i32
        %broadcast_in_dim3A_815 = vector.broadcast %broadcast_in_dim3A_814 : i32 to vector<16x1xi32>
        %gather3A_816 = vector.shape_cast %broadcast_in_dim3A_815 : vector<16x1xi32> to vector<16xi32>
        %gather3A_817 = tpu.dynamic_gather %get3A_417[%gather3A_816] in [0] : vector<16xf32>, vector<16xi32> -> vector<16xf32>
        %get3A_818 = arith.index_cast %scan3A_403 : i32 to index
        %get3A_819 = arith.constant 896 : index
        %get3A_820 = tpu.vector_load %arg14[%get3A_818, %get3A_819] {strides = array<i32>} : memref<32x1024xf32, #tpu.memory_space<vmem>>, vector<16xf32>,
        %mul3A_821 = arith.mulf %gather3A_817, %get3A_820 : vector<16xf32>
        %add3A_822 = arith.addf %add3A_808, %mul3A_821 : vector<16xf32>
        %get3A_823 = arith.index_cast %scan3A_403 : i32 to index
        %get3A_824 = arith.constant 912 : index
        %get3A_825 = tpu.vector_load %arg14[%get3A_823, %get3A_824] {strides = array<i32>} : memref<32x1024xf32, #tpu.memory_space<vmem>>, vector<16xf32>,
        %mul3A_826 = arith.mulf %gather3A_817, %get3A_825 : vector<16xf32>
        %add3A_827 = arith.addf %add3A_813, %mul3A_826 : vector<16xf32>
        %broadcast_in_dim3A_828 = arith.constant 13 : i32
        %broadcast_in_dim3A_829 = vector.broadcast %broadcast_in_dim3A_828 : i32 to vector<16x1xi32>
        %gather3A_830 = vector.shape_cast %broadcast_in_dim3A_829 : vector<16x1xi32> to vector<16xi32>
        %gather3A_831 = tpu.dynamic_gather %get3A_417[%gather3A_830] in [0] : vector<16xf32>, vector<16xi32> -> vector<16xf32>
        %get3A_832 = arith.index_cast %scan3A_403 : i32 to index
        %get3A_833 = arith.constant 928 : index
        %get3A_834 = tpu.vector_load %arg14[%get3A_832, %get3A_833] {strides = array<i32>} : memref<32x1024xf32, #tpu.memory_space<vmem>>, vector<16xf32>,
        %mul3A_835 = arith.mulf %gather3A_831, %get3A_834 : vector<16xf32>
        %add3A_836 = arith.addf %add3A_822, %mul3A_835 : vector<16xf32>
        %get3A_837 = arith.index_cast %scan3A_403 : i32 to index
        %get3A_838 = arith.constant 944 : index
        %get3A_839 = tpu.vector_load %arg14[%get3A_837, %get3A_838] {strides = array<i32>} : memref<32x1024xf32, #tpu.memory_space<vmem>>, vector<16xf32>,
        %mul3A_840 = arith.mulf %gather3A_831, %get3A_839 : vector<16xf32>
        %add3A_841 = arith.addf %add3A_827, %mul3A_840 : vector<16xf32>
        %broadcast_in_dim3A_842 = arith.constant 14 : i32
        %broadcast_in_dim3A_843 = vector.broadcast %broadcast_in_dim3A_842 : i32 to vector<16x1xi32>
        %gather3A_844 = vector.shape_cast %broadcast_in_dim3A_843 : vector<16x1xi32> to vector<16xi32>
        %gather3A_845 = tpu.dynamic_gather %get3A_417[%gather3A_844] in [0] : vector<16xf32>, vector<16xi32> -> vector<16xf32>
        %get3A_846 = arith.index_cast %scan3A_403 : i32 to index
        %get3A_847 = arith.constant 960 : index
        %get3A_848 = tpu.vector_load %arg14[%get3A_846, %get3A_847] {strides = array<i32>} : memref<32x1024xf32, #tpu.memory_space<vmem>>, vector<16xf32>,
        %mul3A_849 = arith.mulf %gather3A_845, %get3A_848 : vector<16xf32>
        %add3A_850 = arith.addf %add3A_836, %mul3A_849 : vector<16xf32>
        %get3A_851 = arith.index_cast %scan3A_403 : i32 to index
        %get3A_852 = arith.constant 976 : index
        %get3A_853 = tpu.vector_load %arg14[%get3A_851, %get3A_852] {strides = array<i32>} : memref<32x1024xf32, #tpu.memory_space<vmem>>, vector<16xf32>,
        %mul3A_854 = arith.mulf %gather3A_845, %get3A_853 : vector<16xf32>
        %add3A_855 = arith.addf %add3A_841, %mul3A_854 : vector<16xf32>
        %broadcast_in_dim3A_856 = arith.constant 15 : i32
        %broadcast_in_dim3A_857 = vector.broadcast %broadcast_in_dim3A_856 : i32 to vector<16x1xi32>
        %gather3A_858 = vector.shape_cast %broadcast_in_dim3A_857 : vector<16x1xi32> to vector<16xi32>
        %gather3A_859 = tpu.dynamic_gather %get3A_417[%gather3A_858] in [0] : vector<16xf32>, vector<16xi32> -> vector<16xf32>
        %get3A_860 = arith.index_cast %scan3A_403 : i32 to index
        %get3A_861 = arith.constant 992 : index
        %get3A_862 = tpu.vector_load %arg14[%get3A_860, %get3A_861] {strides = array<i32>} : memref<32x1024xf32, #tpu.memory_space<vmem>>, vector<16xf32>,
        %mul3A_863 = arith.mulf %gather3A_859, %get3A_862 : vector<16xf32>
        %add3A_864 = arith.addf %add3A_850, %mul3A_863 : vector<16xf32>
        %get3A_865 = arith.index_cast %scan3A_403 : i32 to index
        %get3A_866 = arith.constant 1008 : index
        %get3A_867 = tpu.vector_load %arg14[%get3A_865, %get3A_866] {strides = array<i32>} : memref<32x1024xf32, #tpu.memory_space<vmem>>, vector<16xf32>,
        %mul3A_868 = arith.mulf %gather3A_859, %get3A_867 : vector<16xf32>
        %add3A_869 = arith.addf %add3A_855, %mul3A_868 : vector<16xf32>
        %mul3A_870 = arith.mulf %add3A_864, %get3A_408 : vector<16xf32>
        %mul3A_871 = arith.mulf %add3A_869, %get3A_411 : vector<16xf32>
        %add3A_872 = arith.addf %mul3A_870, %mul3A_871 : vector<16xf32>
        %swap3A_873 = arith.index_cast %scan3A_403 : i32 to index
        %swap3A_874 = arith.constant 0 : index
        %swap3A_875 = tpu.vector_load %arg16[%swap3A_873, %swap3A_874] {strides = array<i32>} : memref<32x16xf32, #tpu.memory_space<vmem>>, vector<16xf32>,
        tpu.vector_store %arg16[%swap3A_873, %swap3A_874], %add3A_872 {strides = array<i32>} : memref<32x16xf32, #tpu.memory_space<vmem>>, vector<16xf32>,
        %scan3A_876 = arith.constant 0 : i32
        scf.yield %scan3A_876 : i32
      }
      %scan3A_65 = arith.constant 32 : i32
      %add3A_66 = arith.constant 0 : i32
      %add3A_67 = vector.broadcast %add3A_66 : i32 to vector<16xi32>
      %add3A_68 = arith.addi %add3A_67, %iota3A : vector<16xi32>
      %broadcast_in_dim3A = arith.constant 0.000000e+00 : f32
      %broadcast_in_dim3A_69 = vector.broadcast %broadcast_in_dim3A : f32 to vector<16xf32>
      %broadcast_in_dim3A_70 = arith.constant 0 : i32
      %broadcast_in_dim3A_71 = vector.broadcast %broadcast_in_dim3A_70 : i32 to vector<16xi32>
      %gather3A = tpu.vector_load_idx %arg16[%add3A_68, %broadcast_in_dim3A_71] : memref<32x16xf32, #tpu.memory_space<vmem>>[vector<16xi32>, vector<16xi32>], vector<16xf32>,
      %add3A_72 = arith.addf %broadcast_in_dim3A_69, %gather3A : vector<16xf32>
      %broadcast_in_dim3A_73 = arith.constant 1 : i32
      %broadcast_in_dim3A_74 = vector.broadcast %broadcast_in_dim3A_73 : i32 to vector<16xi32>
      %gather3A_75 = tpu.vector_load_idx %arg16[%add3A_68, %broadcast_in_dim3A_74] : memref<32x16xf32, #tpu.memory_space<vmem>>[vector<16xi32>, vector<16xi32>], vector<16xf32>,
      %add3A_76 = arith.addf %add3A_72, %gather3A_75 : vector<16xf32>
      %broadcast_in_dim3A_77 = arith.constant 2 : i32
      %broadcast_in_dim3A_78 = vector.broadcast %broadcast_in_dim3A_77 : i32 to vector<16xi32>
      %gather3A_79 = tpu.vector_load_idx %arg16[%add3A_68, %broadcast_in_dim3A_78] : memref<32x16xf32, #tpu.memory_space<vmem>>[vector<16xi32>, vector<16xi32>], vector<16xf32>,
      %add3A_80 = arith.addf %add3A_76, %gather3A_79 : vector<16xf32>
      %broadcast_in_dim3A_81 = arith.constant 3 : i32
      %broadcast_in_dim3A_82 = vector.broadcast %broadcast_in_dim3A_81 : i32 to vector<16xi32>
      %gather3A_83 = tpu.vector_load_idx %arg16[%add3A_68, %broadcast_in_dim3A_82] : memref<32x16xf32, #tpu.memory_space<vmem>>[vector<16xi32>, vector<16xi32>], vector<16xf32>,
      %add3A_84 = arith.addf %add3A_80, %gather3A_83 : vector<16xf32>
      %broadcast_in_dim3A_85 = arith.constant 4 : i32
      %broadcast_in_dim3A_86 = vector.broadcast %broadcast_in_dim3A_85 : i32 to vector<16xi32>
      %gather3A_87 = tpu.vector_load_idx %arg16[%add3A_68, %broadcast_in_dim3A_86] : memref<32x16xf32, #tpu.memory_space<vmem>>[vector<16xi32>, vector<16xi32>], vector<16xf32>,
      %add3A_88 = arith.addf %add3A_84, %gather3A_87 : vector<16xf32>
      %broadcast_in_dim3A_89 = arith.constant 5 : i32
      %broadcast_in_dim3A_90 = vector.broadcast %broadcast_in_dim3A_89 : i32 to vector<16xi32>
      %gather3A_91 = tpu.vector_load_idx %arg16[%add3A_68, %broadcast_in_dim3A_90] : memref<32x16xf32, #tpu.memory_space<vmem>>[vector<16xi32>, vector<16xi32>], vector<16xf32>,
      %add3A_92 = arith.addf %add3A_88, %gather3A_91 : vector<16xf32>
      %broadcast_in_dim3A_93 = arith.constant 6 : i32
      %broadcast_in_dim3A_94 = vector.broadcast %broadcast_in_dim3A_93 : i32 to vector<16xi32>
      %gather3A_95 = tpu.vector_load_idx %arg16[%add3A_68, %broadcast_in_dim3A_94] : memref<32x16xf32, #tpu.memory_space<vmem>>[vector<16xi32>, vector<16xi32>], vector<16xf32>,
      %add3A_96 = arith.addf %add3A_92, %gather3A_95 : vector<16xf32>
      %broadcast_in_dim3A_97 = arith.constant 7 : i32
      %broadcast_in_dim3A_98 = vector.broadcast %broadcast_in_dim3A_97 : i32 to vector<16xi32>
      %gather3A_99 = tpu.vector_load_idx %arg16[%add3A_68, %broadcast_in_dim3A_98] : memref<32x16xf32, #tpu.memory_space<vmem>>[vector<16xi32>, vector<16xi32>], vector<16xf32>,
      %add3A_100 = arith.addf %add3A_96, %gather3A_99 : vector<16xf32>
      %broadcast_in_dim3A_101 = arith.constant 8 : i32
      %broadcast_in_dim3A_102 = vector.broadcast %broadcast_in_dim3A_101 : i32 to vector<16xi32>
      %gather3A_103 = tpu.vector_load_idx %arg16[%add3A_68, %broadcast_in_dim3A_102] : memref<32x16xf32, #tpu.memory_space<vmem>>[vector<16xi32>, vector<16xi32>], vector<16xf32>,
      %add3A_104 = arith.addf %add3A_100, %gather3A_103 : vector<16xf32>
      %broadcast_in_dim3A_105 = arith.constant 9 : i32
      %broadcast_in_dim3A_106 = vector.broadcast %broadcast_in_dim3A_105 : i32 to vector<16xi32>
      %gather3A_107 = tpu.vector_load_idx %arg16[%add3A_68, %broadcast_in_dim3A_106] : memref<32x16xf32, #tpu.memory_space<vmem>>[vector<16xi32>, vector<16xi32>], vector<16xf32>,
      %add3A_108 = arith.addf %add3A_104, %gather3A_107 : vector<16xf32>
      %broadcast_in_dim3A_109 = arith.constant 10 : i32
      %broadcast_in_dim3A_110 = vector.broadcast %broadcast_in_dim3A_109 : i32 to vector<16xi32>
      %gather3A_111 = tpu.vector_load_idx %arg16[%add3A_68, %broadcast_in_dim3A_110] : memref<32x16xf32, #tpu.memory_space<vmem>>[vector<16xi32>, vector<16xi32>], vector<16xf32>,
      %add3A_112 = arith.addf %add3A_108, %gather3A_111 : vector<16xf32>
      %broadcast_in_dim3A_113 = arith.constant 11 : i32
      %broadcast_in_dim3A_114 = vector.broadcast %broadcast_in_dim3A_113 : i32 to vector<16xi32>
      %gather3A_115 = tpu.vector_load_idx %arg16[%add3A_68, %broadcast_in_dim3A_114] : memref<32x16xf32, #tpu.memory_space<vmem>>[vector<16xi32>, vector<16xi32>], vector<16xf32>,
      %add3A_116 = arith.addf %add3A_112, %gather3A_115 : vector<16xf32>
      %broadcast_in_dim3A_117 = arith.constant 12 : i32
      %broadcast_in_dim3A_118 = vector.broadcast %broadcast_in_dim3A_117 : i32 to vector<16xi32>
      %gather3A_119 = tpu.vector_load_idx %arg16[%add3A_68, %broadcast_in_dim3A_118] : memref<32x16xf32, #tpu.memory_space<vmem>>[vector<16xi32>, vector<16xi32>], vector<16xf32>,
      %add3A_120 = arith.addf %add3A_116, %gather3A_119 : vector<16xf32>
      %broadcast_in_dim3A_121 = arith.constant 13 : i32
      %broadcast_in_dim3A_122 = vector.broadcast %broadcast_in_dim3A_121 : i32 to vector<16xi32>
      %gather3A_123 = tpu.vector_load_idx %arg16[%add3A_68, %broadcast_in_dim3A_122] : memref<32x16xf32, #tpu.memory_space<vmem>>[vector<16xi32>, vector<16xi32>], vector<16xf32>,
      %add3A_124 = arith.addf %add3A_120, %gather3A_123 : vector<16xf32>
      %broadcast_in_dim3A_125 = arith.constant 14 : i32
      %broadcast_in_dim3A_126 = vector.broadcast %broadcast_in_dim3A_125 : i32 to vector<16xi32>
      %gather3A_127 = tpu.vector_load_idx %arg16[%add3A_68, %broadcast_in_dim3A_126] : memref<32x16xf32, #tpu.memory_space<vmem>>[vector<16xi32>, vector<16xi32>], vector<16xf32>,
      %add3A_128 = arith.addf %add3A_124, %gather3A_127 : vector<16xf32>
      %broadcast_in_dim3A_129 = arith.constant 15 : i32
      %broadcast_in_dim3A_130 = vector.broadcast %broadcast_in_dim3A_129 : i32 to vector<16xi32>
      %gather3A_131 = tpu.vector_load_idx %arg16[%add3A_68, %broadcast_in_dim3A_130] : memref<32x16xf32, #tpu.memory_space<vmem>>[vector<16xi32>, vector<16xi32>], vector<16xf32>,
      %add3A_132 = arith.addf %add3A_128, %gather3A_131 : vector<16xf32>
      %mul3A_133 = arith.constant 32 : i32
      %mul3A_134 = arith.muli %add3A_34, %mul3A_133 : i32
      %add3A_135 = arith.constant 0 : i32
      %add3A_136 = arith.addi %mul3A_134, %add3A_135 : i32
      %swap3A = arith.index_cast %add3A_136 : i32 to index
      %swap3A_137 = tpu.vector_load %arg17[%swap3A] {strides = array<i32>} : memref<512xf32, #tpu.memory_space<vmem>>, vector<16xf32>,
      tpu.vector_store %arg17[%swap3A], %add3A_132 {strides = array<i32>} : memref<512xf32, #tpu.memory_space<vmem>>, vector<16xf32>,
      %add3A_138 = arith.constant 16 : i32
      %add3A_139 = vector.broadcast %add3A_138 : i32 to vector<16xi32>
      %add3A_140 = arith.addi %add3A_139, %iota3A : vector<16xi32>
      %broadcast_in_dim3A_141 = arith.constant 0.000000e+00 : f32
      %broadcast_in_dim3A_142 = vector.broadcast %broadcast_in_dim3A_141 : f32 to vector<16xf32>
      %broadcast_in_dim3A_143 = arith.constant 0 : i32
      %broadcast_in_dim3A_144 = vector.broadcast %broadcast_in_dim3A_143 : i32 to vector<16xi32>
      %gather3A_145 = tpu.vector_load_idx %arg16[%add3A_140, %broadcast_in_dim3A_144] : memref<32x16xf32, #tpu.memory_space<vmem>>[vector<16xi32>, vector<16xi32>], vector<16xf32>,
      %add3A_146 = arith.addf %broadcast_in_dim3A_142, %gather3A_145 : vector<16xf32>
      %broadcast_in_dim3A_147 = arith.constant 1 : i32
      %broadcast_in_dim3A_148 = vector.broadcast %broadcast_in_dim3A_147 : i32 to vector<16xi32>
      %gather3A_149 = tpu.vector_load_idx %arg16[%add3A_140, %broadcast_in_dim3A_148] : memref<32x16xf32, #tpu.memory_space<vmem>>[vector<16xi32>, vector<16xi32>], vector<16xf32>,
      %add3A_150 = arith.addf %add3A_146, %gather3A_149 : vector<16xf32>
      %broadcast_in_dim3A_151 = arith.constant 2 : i32
      %broadcast_in_dim3A_152 = vector.broadcast %broadcast_in_dim3A_151 : i32 to vector<16xi32>
      %gather3A_153 = tpu.vector_load_idx %arg16[%add3A_140, %broadcast_in_dim3A_152] : memref<32x16xf32, #tpu.memory_space<vmem>>[vector<16xi32>, vector<16xi32>], vector<16xf32>,
      %add3A_154 = arith.addf %add3A_150, %gather3A_153 : vector<16xf32>
      %broadcast_in_dim3A_155 = arith.constant 3 : i32
      %broadcast_in_dim3A_156 = vector.broadcast %broadcast_in_dim3A_155 : i32 to vector<16xi32>
      %gather3A_157 = tpu.vector_load_idx %arg16[%add3A_140, %broadcast_in_dim3A_156] : memref<32x16xf32, #tpu.memory_space<vmem>>[vector<16xi32>, vector<16xi32>], vector<16xf32>,
      %add3A_158 = arith.addf %add3A_154, %gather3A_157 : vector<16xf32>
      %broadcast_in_dim3A_159 = arith.constant 4 : i32
      %broadcast_in_dim3A_160 = vector.broadcast %broadcast_in_dim3A_159 : i32 to vector<16xi32>
      %gather3A_161 = tpu.vector_load_idx %arg16[%add3A_140, %broadcast_in_dim3A_160] : memref<32x16xf32, #tpu.memory_space<vmem>>[vector<16xi32>, vector<16xi32>], vector<16xf32>,
      %add3A_162 = arith.addf %add3A_158, %gather3A_161 : vector<16xf32>
      %broadcast_in_dim3A_163 = arith.constant 5 : i32
      %broadcast_in_dim3A_164 = vector.broadcast %broadcast_in_dim3A_163 : i32 to vector<16xi32>
      %gather3A_165 = tpu.vector_load_idx %arg16[%add3A_140, %broadcast_in_dim3A_164] : memref<32x16xf32, #tpu.memory_space<vmem>>[vector<16xi32>, vector<16xi32>], vector<16xf32>,
      %add3A_166 = arith.addf %add3A_162, %gather3A_165 : vector<16xf32>
      %broadcast_in_dim3A_167 = arith.constant 6 : i32
      %broadcast_in_dim3A_168 = vector.broadcast %broadcast_in_dim3A_167 : i32 to vector<16xi32>
      %gather3A_169 = tpu.vector_load_idx %arg16[%add3A_140, %broadcast_in_dim3A_168] : memref<32x16xf32, #tpu.memory_space<vmem>>[vector<16xi32>, vector<16xi32>], vector<16xf32>,
      %add3A_170 = arith.addf %add3A_166, %gather3A_169 : vector<16xf32>
      %broadcast_in_dim3A_171 = arith.constant 7 : i32
      %broadcast_in_dim3A_172 = vector.broadcast %broadcast_in_dim3A_171 : i32 to vector<16xi32>
      %gather3A_173 = tpu.vector_load_idx %arg16[%add3A_140, %broadcast_in_dim3A_172] : memref<32x16xf32, #tpu.memory_space<vmem>>[vector<16xi32>, vector<16xi32>], vector<16xf32>,
      %add3A_174 = arith.addf %add3A_170, %gather3A_173 : vector<16xf32>
      %broadcast_in_dim3A_175 = arith.constant 8 : i32
      %broadcast_in_dim3A_176 = vector.broadcast %broadcast_in_dim3A_175 : i32 to vector<16xi32>
      %gather3A_177 = tpu.vector_load_idx %arg16[%add3A_140, %broadcast_in_dim3A_176] : memref<32x16xf32, #tpu.memory_space<vmem>>[vector<16xi32>, vector<16xi32>], vector<16xf32>,
      %add3A_178 = arith.addf %add3A_174, %gather3A_177 : vector<16xf32>
      %broadcast_in_dim3A_179 = arith.constant 9 : i32
      %broadcast_in_dim3A_180 = vector.broadcast %broadcast_in_dim3A_179 : i32 to vector<16xi32>
      %gather3A_181 = tpu.vector_load_idx %arg16[%add3A_140, %broadcast_in_dim3A_180] : memref<32x16xf32, #tpu.memory_space<vmem>>[vector<16xi32>, vector<16xi32>], vector<16xf32>,
      %add3A_182 = arith.addf %add3A_178, %gather3A_181 : vector<16xf32>
      %broadcast_in_dim3A_183 = arith.constant 10 : i32
      %broadcast_in_dim3A_184 = vector.broadcast %broadcast_in_dim3A_183 : i32 to vector<16xi32>
      %gather3A_185 = tpu.vector_load_idx %arg16[%add3A_140, %broadcast_in_dim3A_184] : memref<32x16xf32, #tpu.memory_space<vmem>>[vector<16xi32>, vector<16xi32>], vector<16xf32>,
      %add3A_186 = arith.addf %add3A_182, %gather3A_185 : vector<16xf32>
      %broadcast_in_dim3A_187 = arith.constant 11 : i32
      %broadcast_in_dim3A_188 = vector.broadcast %broadcast_in_dim3A_187 : i32 to vector<16xi32>
      %gather3A_189 = tpu.vector_load_idx %arg16[%add3A_140, %broadcast_in_dim3A_188] : memref<32x16xf32, #tpu.memory_space<vmem>>[vector<16xi32>, vector<16xi32>], vector<16xf32>,
      %add3A_190 = arith.addf %add3A_186, %gather3A_189 : vector<16xf32>
      %broadcast_in_dim3A_191 = arith.constant 12 : i32
      %broadcast_in_dim3A_192 = vector.broadcast %broadcast_in_dim3A_191 : i32 to vector<16xi32>
      %gather3A_193 = tpu.vector_load_idx %arg16[%add3A_140, %broadcast_in_dim3A_192] : memref<32x16xf32, #tpu.memory_space<vmem>>[vector<16xi32>, vector<16xi32>], vector<16xf32>,
      %add3A_194 = arith.addf %add3A_190, %gather3A_193 : vector<16xf32>
      %broadcast_in_dim3A_195 = arith.constant 13 : i32
      %broadcast_in_dim3A_196 = vector.broadcast %broadcast_in_dim3A_195 : i32 to vector<16xi32>
      %gather3A_197 = tpu.vector_load_idx %arg16[%add3A_140, %broadcast_in_dim3A_196] : memref<32x16xf32, #tpu.memory_space<vmem>>[vector<16xi32>, vector<16xi32>], vector<16xf32>,
      %add3A_198 = arith.addf %add3A_194, %gather3A_197 : vector<16xf32>
      %broadcast_in_dim3A_199 = arith.constant 14 : i32
      %broadcast_in_dim3A_200 = vector.broadcast %broadcast_in_dim3A_199 : i32 to vector<16xi32>
      %gather3A_201 = tpu.vector_load_idx %arg16[%add3A_140, %broadcast_in_dim3A_200] : memref<32x16xf32, #tpu.memory_space<vmem>>[vector<16xi32>, vector<16xi32>], vector<16xf32>,
      %add3A_202 = arith.addf %add3A_198, %gather3A_201 : vector<16xf32>
      %broadcast_in_dim3A_203 = arith.constant 15 : i32
      %broadcast_in_dim3A_204 = vector.broadcast %broadcast_in_dim3A_203 : i32 to vector<16xi32>
      %gather3A_205 = tpu.vector_load_idx %arg16[%add3A_140, %broadcast_in_dim3A_204] : memref<32x16xf32, #tpu.memory_space<vmem>>[vector<16xi32>, vector<16xi32>], vector<16xf32>,
      %add3A_206 = arith.addf %add3A_202, %gather3A_205 : vector<16xf32>
      %mul3A_207 = arith.constant 32 : i32
      %mul3A_208 = arith.muli %add3A_34, %mul3A_207 : i32
      %add3A_209 = arith.constant 16 : i32
      %add3A_210 = arith.addi %mul3A_208, %add3A_209 : i32
      %swap3A_211 = arith.index_cast %add3A_210 : i32 to index
      %swap3A_212 = tpu.vector_load %arg17[%swap3A_211] {strides = array<i32>} : memref<512xf32, #tpu.memory_space<vmem>>, vector<16xf32>,
      tpu.vector_store %arg17[%swap3A_211], %add3A_206 {strides = array<i32>} : memref<512xf32, #tpu.memory_space<vmem>>, vector<16xf32>,
      %mul3A_213 = arith.constant 2 : i32
      %mul3A_214 = arith.muli %mul3A_213, %scan3A_29 : i32
      %add3A_215 = arith.constant 1 : i32
      %add3A_216 = arith.addi %mul3A_214, %add3A_215 : i32
      %add3A_217 = arith.constant 1 : i32
      %add3A_218 = arith.addi %add3A_216, %add3A_217 : i32
      %lt3A_219 = arith.constant 16 : i32
      %lt3A_220 = arith.cmpi slt, %add3A_218, %lt3A_219 : i32
      %convert_element_type3A_221 = arith.extui %lt3A_220 : i1 to i32
      %cond3A_222 = arith.constant 0 : i32
      %cond3A_223 = arith.cmpi ne, %convert_element_type3A_221, %cond3A_222 : i32
      scf.if %cond3A_223 {
        %mul3A_403 = arith.constant 32 : i32
        %mul3A_404 = arith.muli %add3A_218, %mul3A_403 : i32
        %dma_start3A_405 = tpu.memref_slice %arg10[%mul3A_404] : memref<512xi32, #tpu.memory_space<vmem>> -> memref<32xi32, #tpu.memory_space<vmem>>
        %dma_start3A_406 = arith.constant 0 : i32
        %dma_start3A_407 = arith.constant 0 : i32
        %dma_start3A_408 = tpu.memref_slice %arg3[%dma_start3A_406, %dma_start3A_407] : memref<100000x1024xf32, #tpu.memory_space<hbm>> -> memref<100000x1024xf32, #tpu.memory_space<hbm>>
        tpu.enqueue_indirect_dma source(%dma_start3A_408 : memref<100000x1024xf32, #tpu.memory_space<hbm>>) target(%arg14 : memref<32x1024xf32, #tpu.memory_space<vmem>>) offsets(%dma_start3A_405 : memref<32xi32, #tpu.memory_space<vmem>>) semaphore(%arg18 : memref<!tpu.dma_semaphore, #tpu.memory_space<semaphore_mem>>)
        %dma_start3A_409 = arith.constant 0 : i32
        %dma_start3A_410 = arith.constant 0 : i32
        %dma_start3A_411 = tpu.memref_slice %arg12[%dma_start3A_409, %dma_start3A_410] : memref<64x128xf32, #tpu.memory_space<vmem>> -> memref<32x128xf32, #tpu.memory_space<vmem>>
        %dma_start3A_412 = tpu.memref_slice %arg9[%mul3A_404] : memref<512xi32, #tpu.memory_space<vmem>> -> memref<32xi32, #tpu.memory_space<vmem>>
        %dma_start3A_413 = arith.constant 0 : i32
        %dma_start3A_414 = arith.constant 0 : i32
        %dma_start3A_415 = tpu.memref_slice %arg2[%dma_start3A_413, %dma_start3A_414] : memref<100000x128xf32, #tpu.memory_space<hbm>> -> memref<100000x128xf32, #tpu.memory_space<hbm>>
        tpu.enqueue_indirect_dma source(%dma_start3A_415 : memref<100000x128xf32, #tpu.memory_space<hbm>>) target(%dma_start3A_411 : memref<32x128xf32, #tpu.memory_space<vmem>>) offsets(%dma_start3A_412 : memref<32xi32, #tpu.memory_space<vmem>>) semaphore(%arg20 : memref<!tpu.dma_semaphore, #tpu.memory_space<semaphore_mem>>)
        %dma_start3A_416 = arith.constant 0 : i32
        %dma_start3A_417 = arith.constant 0 : i32
        %dma_start3A_418 = tpu.memref_slice %arg13[%dma_start3A_416, %dma_start3A_417] : memref<64x128xf32, #tpu.memory_space<vmem>> -> memref<32x128xf32, #tpu.memory_space<vmem>>
        %dma_start3A_419 = tpu.memref_slice %arg11[%mul3A_404] : memref<512xi32, #tpu.memory_space<vmem>> -> memref<32xi32, #tpu.memory_space<vmem>>
        %dma_start3A_420 = arith.constant 0 : i32
        %dma_start3A_421 = arith.constant 0 : i32
        %dma_start3A_422 = tpu.memref_slice %arg4[%dma_start3A_420, %dma_start3A_421] : memref<100000x128xf32, #tpu.memory_space<hbm>> -> memref<100000x128xf32, #tpu.memory_space<hbm>>
        tpu.enqueue_indirect_dma source(%dma_start3A_422 : memref<100000x128xf32, #tpu.memory_space<hbm>>) target(%dma_start3A_418 : memref<32x128xf32, #tpu.memory_space<vmem>>) offsets(%dma_start3A_419 : memref<32xi32, #tpu.memory_space<vmem>>) semaphore(%arg20 : memref<!tpu.dma_semaphore, #tpu.memory_space<semaphore_mem>>)
      } else {
      }
      %dma_wait3A_224 = arith.constant 0 : i32
      %dma_wait3A_225 = tpu.memref_slice %arg10[%dma_wait3A_224] : memref<512xi32, #tpu.memory_space<vmem>> -> memref<32xi32, #tpu.memory_space<vmem>>
      %dma_wait3A_226 = arith.constant 0 : i32
      %dma_wait3A_227 = arith.constant 0 : i32
      %dma_wait3A_228 = tpu.memref_slice %arg3[%dma_wait3A_226, %dma_wait3A_227] : memref<100000x1024xf32, #tpu.memory_space<hbm>> -> memref<100000x1024xf32, #tpu.memory_space<hbm>>
      tpu.wait_indirect_dma semaphore(%arg19 : memref<!tpu.dma_semaphore, #tpu.memory_space<semaphore_mem>>) src(%dma_wait3A_228 : memref<100000x1024xf32, #tpu.memory_space<hbm>>) dst(%arg15 : memref<32x1024xf32, #tpu.memory_space<vmem>>)
      %dma_wait3A_229 = arith.constant 32 : i32
      %dma_wait3A_230 = arith.constant 0 : i32
      %dma_wait3A_231 = tpu.memref_slice %arg12[%dma_wait3A_229, %dma_wait3A_230] : memref<64x128xf32, #tpu.memory_space<vmem>> -> memref<32x128xf32, #tpu.memory_space<vmem>>
      %dma_wait3A_232 = arith.constant 0 : i32
      %dma_wait3A_233 = tpu.memref_slice %arg9[%dma_wait3A_232] : memref<512xi32, #tpu.memory_space<vmem>> -> memref<32xi32, #tpu.memory_space<vmem>>
      %dma_wait3A_234 = arith.constant 0 : i32
      %dma_wait3A_235 = arith.constant 0 : i32
      %dma_wait3A_236 = tpu.memref_slice %arg2[%dma_wait3A_234, %dma_wait3A_235] : memref<100000x128xf32, #tpu.memory_space<hbm>> -> memref<100000x128xf32, #tpu.memory_space<hbm>>
      tpu.wait_indirect_dma semaphore(%arg21 : memref<!tpu.dma_semaphore, #tpu.memory_space<semaphore_mem>>) src(%dma_wait3A_236 : memref<100000x128xf32, #tpu.memory_space<hbm>>) dst(%dma_wait3A_231 : memref<32x128xf32, #tpu.memory_space<vmem>>)
      %dma_wait3A_237 = arith.constant 32 : i32
      %dma_wait3A_238 = arith.constant 0 : i32
      %dma_wait3A_239 = tpu.memref_slice %arg13[%dma_wait3A_237, %dma_wait3A_238] : memref<64x128xf32, #tpu.memory_space<vmem>> -> memref<32x128xf32, #tpu.memory_space<vmem>>
      %dma_wait3A_240 = arith.constant 0 : i32
      %dma_wait3A_241 = tpu.memref_slice %arg11[%dma_wait3A_240] : memref<512xi32, #tpu.memory_space<vmem>> -> memref<32xi32, #tpu.memory_space<vmem>>
      %dma_wait3A_242 = arith.constant 0 : i32
      %dma_wait3A_243 = arith.constant 0 : i32
      %dma_wait3A_244 = tpu.memref_slice %arg4[%dma_wait3A_242, %dma_wait3A_243] : memref<100000x128xf32, #tpu.memory_space<hbm>> -> memref<100000x128xf32, #tpu.memory_space<hbm>>
      tpu.wait_indirect_dma semaphore(%arg21 : memref<!tpu.dma_semaphore, #tpu.memory_space<semaphore_mem>>) src(%dma_wait3A_244 : memref<100000x128xf32, #tpu.memory_space<hbm>>) dst(%dma_wait3A_239 : memref<32x128xf32, #tpu.memory_space<vmem>>)
      %scan3A_245 = arith.constant 0 : i32
      %scan3A_246 = arith.constant 0 : i32
      %scan3A_247 = arith.constant 32 : i32
      %scan3A_248 = arith.addi %scan3A_246, %scan3A_247 : i32
      %scan3A_249 = arith.constant 1 : i32
      %scan3A_250 = scf.for %scan3A_403 = %scan3A_246 to %scan3A_248 step %scan3A_249 iter_args(%scan3A_404 = %scan3A_245) -> (i32)  : i32 {
        %add3A_405 = arith.constant 32 : i32
        %add3A_406 = arith.addi %add3A_405, %scan3A_403 : i32
        %get3A = arith.index_cast %add3A_406 : i32 to index
        %get3A_407 = arith.constant 0 : index
        %get3A_408 = tpu.vector_load %arg12[%get3A, %get3A_407] {strides = array<i32>} : memref<64x128xf32, #tpu.memory_space<vmem>>, vector<16xf32>,
        %get3A_409 = arith.index_cast %add3A_406 : i32 to index
        %get3A_410 = arith.constant 16 : index
        %get3A_411 = tpu.vector_load %arg12[%get3A_409, %get3A_410] {strides = array<i32>} : memref<64x128xf32, #tpu.memory_space<vmem>>, vector<16xf32>,
        %get3A_412 = arith.index_cast %add3A_406 : i32 to index
        %get3A_413 = arith.constant 32 : index
        %get3A_414 = tpu.vector_load %arg13[%get3A_412, %get3A_413] {strides = array<i32>} : memref<64x128xf32, #tpu.memory_space<vmem>>, vector<16xf32>,
        %get3A_415 = arith.index_cast %add3A_406 : i32 to index
        %get3A_416 = arith.constant 48 : index
        %get3A_417 = tpu.vector_load %arg13[%get3A_415, %get3A_416] {strides = array<i32>} : memref<64x128xf32, #tpu.memory_space<vmem>>, vector<16xf32>,
        %broadcast_in_dim3A_418 = arith.constant 0.000000e+00 : f32
        %broadcast_in_dim3A_419 = vector.broadcast %broadcast_in_dim3A_418 : f32 to vector<16xf32>
        %broadcast_in_dim3A_420 = arith.constant 0.000000e+00 : f32
        %broadcast_in_dim3A_421 = vector.broadcast %broadcast_in_dim3A_420 : f32 to vector<16xf32>
        %broadcast_in_dim3A_422 = arith.constant 0 : i32
        %broadcast_in_dim3A_423 = vector.broadcast %broadcast_in_dim3A_422 : i32 to vector<16x1xi32>
        %gather3A_424 = vector.shape_cast %broadcast_in_dim3A_423 : vector<16x1xi32> to vector<16xi32>
        %gather3A_425 = tpu.dynamic_gather %get3A_414[%gather3A_424] in [0] : vector<16xf32>, vector<16xi32> -> vector<16xf32>
        %get3A_426 = arith.index_cast %scan3A_403 : i32 to index
        %get3A_427 = arith.constant 0 : index
        %get3A_428 = tpu.vector_load %arg15[%get3A_426, %get3A_427] {strides = array<i32>} : memref<32x1024xf32, #tpu.memory_space<vmem>>, vector<16xf32>,
        %mul3A_429 = arith.mulf %gather3A_425, %get3A_428 : vector<16xf32>
        %add3A_430 = arith.addf %broadcast_in_dim3A_419, %mul3A_429 : vector<16xf32>
        %get3A_431 = arith.index_cast %scan3A_403 : i32 to index
        %get3A_432 = arith.constant 16 : index
        %get3A_433 = tpu.vector_load %arg15[%get3A_431, %get3A_432] {strides = array<i32>} : memref<32x1024xf32, #tpu.memory_space<vmem>>, vector<16xf32>,
        %mul3A_434 = arith.mulf %gather3A_425, %get3A_433 : vector<16xf32>
        %add3A_435 = arith.addf %broadcast_in_dim3A_421, %mul3A_434 : vector<16xf32>
        %broadcast_in_dim3A_436 = arith.constant 1 : i32
        %broadcast_in_dim3A_437 = vector.broadcast %broadcast_in_dim3A_436 : i32 to vector<16x1xi32>
        %gather3A_438 = vector.shape_cast %broadcast_in_dim3A_437 : vector<16x1xi32> to vector<16xi32>
        %gather3A_439 = tpu.dynamic_gather %get3A_414[%gather3A_438] in [0] : vector<16xf32>, vector<16xi32> -> vector<16xf32>
        %get3A_440 = arith.index_cast %scan3A_403 : i32 to index
        %get3A_441 = arith.constant 32 : index
        %get3A_442 = tpu.vector_load %arg15[%get3A_440, %get3A_441] {strides = array<i32>} : memref<32x1024xf32, #tpu.memory_space<vmem>>, vector<16xf32>,
        %mul3A_443 = arith.mulf %gather3A_439, %get3A_442 : vector<16xf32>
        %add3A_444 = arith.addf %add3A_430, %mul3A_443 : vector<16xf32>
        %get3A_445 = arith.index_cast %scan3A_403 : i32 to index
        %get3A_446 = arith.constant 48 : index
        %get3A_447 = tpu.vector_load %arg15[%get3A_445, %get3A_446] {strides = array<i32>} : memref<32x1024xf32, #tpu.memory_space<vmem>>, vector<16xf32>,
        %mul3A_448 = arith.mulf %gather3A_439, %get3A_447 : vector<16xf32>
        %add3A_449 = arith.addf %add3A_435, %mul3A_448 : vector<16xf32>
        %broadcast_in_dim3A_450 = arith.constant 2 : i32
        %broadcast_in_dim3A_451 = vector.broadcast %broadcast_in_dim3A_450 : i32 to vector<16x1xi32>
        %gather3A_452 = vector.shape_cast %broadcast_in_dim3A_451 : vector<16x1xi32> to vector<16xi32>
        %gather3A_453 = tpu.dynamic_gather %get3A_414[%gather3A_452] in [0] : vector<16xf32>, vector<16xi32> -> vector<16xf32>
        %get3A_454 = arith.index_cast %scan3A_403 : i32 to index
        %get3A_455 = arith.constant 64 : index
        %get3A_456 = tpu.vector_load %arg15[%get3A_454, %get3A_455] {strides = array<i32>} : memref<32x1024xf32, #tpu.memory_space<vmem>>, vector<16xf32>,
        %mul3A_457 = arith.mulf %gather3A_453, %get3A_456 : vector<16xf32>
        %add3A_458 = arith.addf %add3A_444, %mul3A_457 : vector<16xf32>
        %get3A_459 = arith.index_cast %scan3A_403 : i32 to index
        %get3A_460 = arith.constant 80 : index
        %get3A_461 = tpu.vector_load %arg15[%get3A_459, %get3A_460] {strides = array<i32>} : memref<32x1024xf32, #tpu.memory_space<vmem>>, vector<16xf32>,
        %mul3A_462 = arith.mulf %gather3A_453, %get3A_461 : vector<16xf32>
        %add3A_463 = arith.addf %add3A_449, %mul3A_462 : vector<16xf32>
        %broadcast_in_dim3A_464 = arith.constant 3 : i32
        %broadcast_in_dim3A_465 = vector.broadcast %broadcast_in_dim3A_464 : i32 to vector<16x1xi32>
        %gather3A_466 = vector.shape_cast %broadcast_in_dim3A_465 : vector<16x1xi32> to vector<16xi32>
        %gather3A_467 = tpu.dynamic_gather %get3A_414[%gather3A_466] in [0] : vector<16xf32>, vector<16xi32> -> vector<16xf32>
        %get3A_468 = arith.index_cast %scan3A_403 : i32 to index
        %get3A_469 = arith.constant 96 : index
        %get3A_470 = tpu.vector_load %arg15[%get3A_468, %get3A_469] {strides = array<i32>} : memref<32x1024xf32, #tpu.memory_space<vmem>>, vector<16xf32>,
        %mul3A_471 = arith.mulf %gather3A_467, %get3A_470 : vector<16xf32>
        %add3A_472 = arith.addf %add3A_458, %mul3A_471 : vector<16xf32>
        %get3A_473 = arith.index_cast %scan3A_403 : i32 to index
        %get3A_474 = arith.constant 112 : index
        %get3A_475 = tpu.vector_load %arg15[%get3A_473, %get3A_474] {strides = array<i32>} : memref<32x1024xf32, #tpu.memory_space<vmem>>, vector<16xf32>,
        %mul3A_476 = arith.mulf %gather3A_467, %get3A_475 : vector<16xf32>
        %add3A_477 = arith.addf %add3A_463, %mul3A_476 : vector<16xf32>
        %broadcast_in_dim3A_478 = arith.constant 4 : i32
        %broadcast_in_dim3A_479 = vector.broadcast %broadcast_in_dim3A_478 : i32 to vector<16x1xi32>
        %gather3A_480 = vector.shape_cast %broadcast_in_dim3A_479 : vector<16x1xi32> to vector<16xi32>
        %gather3A_481 = tpu.dynamic_gather %get3A_414[%gather3A_480] in [0] : vector<16xf32>, vector<16xi32> -> vector<16xf32>
        %get3A_482 = arith.index_cast %scan3A_403 : i32 to index
        %get3A_483 = arith.constant 128 : index
        %get3A_484 = tpu.vector_load %arg15[%get3A_482, %get3A_483] {strides = array<i32>} : memref<32x1024xf32, #tpu.memory_space<vmem>>, vector<16xf32>,
        %mul3A_485 = arith.mulf %gather3A_481, %get3A_484 : vector<16xf32>
        %add3A_486 = arith.addf %add3A_472, %mul3A_485 : vector<16xf32>
        %get3A_487 = arith.index_cast %scan3A_403 : i32 to index
        %get3A_488 = arith.constant 144 : index
        %get3A_489 = tpu.vector_load %arg15[%get3A_487, %get3A_488] {strides = array<i32>} : memref<32x1024xf32, #tpu.memory_space<vmem>>, vector<16xf32>,
        %mul3A_490 = arith.mulf %gather3A_481, %get3A_489 : vector<16xf32>
        %add3A_491 = arith.addf %add3A_477, %mul3A_490 : vector<16xf32>
        %broadcast_in_dim3A_492 = arith.constant 5 : i32
        %broadcast_in_dim3A_493 = vector.broadcast %broadcast_in_dim3A_492 : i32 to vector<16x1xi32>
        %gather3A_494 = vector.shape_cast %broadcast_in_dim3A_493 : vector<16x1xi32> to vector<16xi32>
        %gather3A_495 = tpu.dynamic_gather %get3A_414[%gather3A_494] in [0] : vector<16xf32>, vector<16xi32> -> vector<16xf32>
        %get3A_496 = arith.index_cast %scan3A_403 : i32 to index
        %get3A_497 = arith.constant 160 : index
        %get3A_498 = tpu.vector_load %arg15[%get3A_496, %get3A_497] {strides = array<i32>} : memref<32x1024xf32, #tpu.memory_space<vmem>>, vector<16xf32>,
        %mul3A_499 = arith.mulf %gather3A_495, %get3A_498 : vector<16xf32>
        %add3A_500 = arith.addf %add3A_486, %mul3A_499 : vector<16xf32>
        %get3A_501 = arith.index_cast %scan3A_403 : i32 to index
        %get3A_502 = arith.constant 176 : index
        %get3A_503 = tpu.vector_load %arg15[%get3A_501, %get3A_502] {strides = array<i32>} : memref<32x1024xf32, #tpu.memory_space<vmem>>, vector<16xf32>,
        %mul3A_504 = arith.mulf %gather3A_495, %get3A_503 : vector<16xf32>
        %add3A_505 = arith.addf %add3A_491, %mul3A_504 : vector<16xf32>
        %broadcast_in_dim3A_506 = arith.constant 6 : i32
        %broadcast_in_dim3A_507 = vector.broadcast %broadcast_in_dim3A_506 : i32 to vector<16x1xi32>
        %gather3A_508 = vector.shape_cast %broadcast_in_dim3A_507 : vector<16x1xi32> to vector<16xi32>
        %gather3A_509 = tpu.dynamic_gather %get3A_414[%gather3A_508] in [0] : vector<16xf32>, vector<16xi32> -> vector<16xf32>
        %get3A_510 = arith.index_cast %scan3A_403 : i32 to index
        %get3A_511 = arith.constant 192 : index
        %get3A_512 = tpu.vector_load %arg15[%get3A_510, %get3A_511] {strides = array<i32>} : memref<32x1024xf32, #tpu.memory_space<vmem>>, vector<16xf32>,
        %mul3A_513 = arith.mulf %gather3A_509, %get3A_512 : vector<16xf32>
        %add3A_514 = arith.addf %add3A_500, %mul3A_513 : vector<16xf32>
        %get3A_515 = arith.index_cast %scan3A_403 : i32 to index
        %get3A_516 = arith.constant 208 : index
        %get3A_517 = tpu.vector_load %arg15[%get3A_515, %get3A_516] {strides = array<i32>} : memref<32x1024xf32, #tpu.memory_space<vmem>>, vector<16xf32>,
        %mul3A_518 = arith.mulf %gather3A_509, %get3A_517 : vector<16xf32>
        %add3A_519 = arith.addf %add3A_505, %mul3A_518 : vector<16xf32>
        %broadcast_in_dim3A_520 = arith.constant 7 : i32
        %broadcast_in_dim3A_521 = vector.broadcast %broadcast_in_dim3A_520 : i32 to vector<16x1xi32>
        %gather3A_522 = vector.shape_cast %broadcast_in_dim3A_521 : vector<16x1xi32> to vector<16xi32>
        %gather3A_523 = tpu.dynamic_gather %get3A_414[%gather3A_522] in [0] : vector<16xf32>, vector<16xi32> -> vector<16xf32>
        %get3A_524 = arith.index_cast %scan3A_403 : i32 to index
        %get3A_525 = arith.constant 224 : index
        %get3A_526 = tpu.vector_load %arg15[%get3A_524, %get3A_525] {strides = array<i32>} : memref<32x1024xf32, #tpu.memory_space<vmem>>, vector<16xf32>,
        %mul3A_527 = arith.mulf %gather3A_523, %get3A_526 : vector<16xf32>
        %add3A_528 = arith.addf %add3A_514, %mul3A_527 : vector<16xf32>
        %get3A_529 = arith.index_cast %scan3A_403 : i32 to index
        %get3A_530 = arith.constant 240 : index
        %get3A_531 = tpu.vector_load %arg15[%get3A_529, %get3A_530] {strides = array<i32>} : memref<32x1024xf32, #tpu.memory_space<vmem>>, vector<16xf32>,
        %mul3A_532 = arith.mulf %gather3A_523, %get3A_531 : vector<16xf32>
        %add3A_533 = arith.addf %add3A_519, %mul3A_532 : vector<16xf32>
        %broadcast_in_dim3A_534 = arith.constant 8 : i32
        %broadcast_in_dim3A_535 = vector.broadcast %broadcast_in_dim3A_534 : i32 to vector<16x1xi32>
        %gather3A_536 = vector.shape_cast %broadcast_in_dim3A_535 : vector<16x1xi32> to vector<16xi32>
        %gather3A_537 = tpu.dynamic_gather %get3A_414[%gather3A_536] in [0] : vector<16xf32>, vector<16xi32> -> vector<16xf32>
        %get3A_538 = arith.index_cast %scan3A_403 : i32 to index
        %get3A_539 = arith.constant 256 : index
        %get3A_540 = tpu.vector_load %arg15[%get3A_538, %get3A_539] {strides = array<i32>} : memref<32x1024xf32, #tpu.memory_space<vmem>>, vector<16xf32>,
        %mul3A_541 = arith.mulf %gather3A_537, %get3A_540 : vector<16xf32>
        %add3A_542 = arith.addf %add3A_528, %mul3A_541 : vector<16xf32>
        %get3A_543 = arith.index_cast %scan3A_403 : i32 to index
        %get3A_544 = arith.constant 272 : index
        %get3A_545 = tpu.vector_load %arg15[%get3A_543, %get3A_544] {strides = array<i32>} : memref<32x1024xf32, #tpu.memory_space<vmem>>, vector<16xf32>,
        %mul3A_546 = arith.mulf %gather3A_537, %get3A_545 : vector<16xf32>
        %add3A_547 = arith.addf %add3A_533, %mul3A_546 : vector<16xf32>
        %broadcast_in_dim3A_548 = arith.constant 9 : i32
        %broadcast_in_dim3A_549 = vector.broadcast %broadcast_in_dim3A_548 : i32 to vector<16x1xi32>
        %gather3A_550 = vector.shape_cast %broadcast_in_dim3A_549 : vector<16x1xi32> to vector<16xi32>
        %gather3A_551 = tpu.dynamic_gather %get3A_414[%gather3A_550] in [0] : vector<16xf32>, vector<16xi32> -> vector<16xf32>
        %get3A_552 = arith.index_cast %scan3A_403 : i32 to index
        %get3A_553 = arith.constant 288 : index
        %get3A_554 = tpu.vector_load %arg15[%get3A_552, %get3A_553] {strides = array<i32>} : memref<32x1024xf32, #tpu.memory_space<vmem>>, vector<16xf32>,
        %mul3A_555 = arith.mulf %gather3A_551, %get3A_554 : vector<16xf32>
        %add3A_556 = arith.addf %add3A_542, %mul3A_555 : vector<16xf32>
        %get3A_557 = arith.index_cast %scan3A_403 : i32 to index
        %get3A_558 = arith.constant 304 : index
        %get3A_559 = tpu.vector_load %arg15[%get3A_557, %get3A_558] {strides = array<i32>} : memref<32x1024xf32, #tpu.memory_space<vmem>>, vector<16xf32>,
        %mul3A_560 = arith.mulf %gather3A_551, %get3A_559 : vector<16xf32>
        %add3A_561 = arith.addf %add3A_547, %mul3A_560 : vector<16xf32>
        %broadcast_in_dim3A_562 = arith.constant 10 : i32
        %broadcast_in_dim3A_563 = vector.broadcast %broadcast_in_dim3A_562 : i32 to vector<16x1xi32>
        %gather3A_564 = vector.shape_cast %broadcast_in_dim3A_563 : vector<16x1xi32> to vector<16xi32>
        %gather3A_565 = tpu.dynamic_gather %get3A_414[%gather3A_564] in [0] : vector<16xf32>, vector<16xi32> -> vector<16xf32>
        %get3A_566 = arith.index_cast %scan3A_403 : i32 to index
        %get3A_567 = arith.constant 320 : index
        %get3A_568 = tpu.vector_load %arg15[%get3A_566, %get3A_567] {strides = array<i32>} : memref<32x1024xf32, #tpu.memory_space<vmem>>, vector<16xf32>,
        %mul3A_569 = arith.mulf %gather3A_565, %get3A_568 : vector<16xf32>
        %add3A_570 = arith.addf %add3A_556, %mul3A_569 : vector<16xf32>
        %get3A_571 = arith.index_cast %scan3A_403 : i32 to index
        %get3A_572 = arith.constant 336 : index
        %get3A_573 = tpu.vector_load %arg15[%get3A_571, %get3A_572] {strides = array<i32>} : memref<32x1024xf32, #tpu.memory_space<vmem>>, vector<16xf32>,
        %mul3A_574 = arith.mulf %gather3A_565, %get3A_573 : vector<16xf32>
        %add3A_575 = arith.addf %add3A_561, %mul3A_574 : vector<16xf32>
        %broadcast_in_dim3A_576 = arith.constant 11 : i32
        %broadcast_in_dim3A_577 = vector.broadcast %broadcast_in_dim3A_576 : i32 to vector<16x1xi32>
        %gather3A_578 = vector.shape_cast %broadcast_in_dim3A_577 : vector<16x1xi32> to vector<16xi32>
        %gather3A_579 = tpu.dynamic_gather %get3A_414[%gather3A_578] in [0] : vector<16xf32>, vector<16xi32> -> vector<16xf32>
        %get3A_580 = arith.index_cast %scan3A_403 : i32 to index
        %get3A_581 = arith.constant 352 : index
        %get3A_582 = tpu.vector_load %arg15[%get3A_580, %get3A_581] {strides = array<i32>} : memref<32x1024xf32, #tpu.memory_space<vmem>>, vector<16xf32>,
        %mul3A_583 = arith.mulf %gather3A_579, %get3A_582 : vector<16xf32>
        %add3A_584 = arith.addf %add3A_570, %mul3A_583 : vector<16xf32>
        %get3A_585 = arith.index_cast %scan3A_403 : i32 to index
        %get3A_586 = arith.constant 368 : index
        %get3A_587 = tpu.vector_load %arg15[%get3A_585, %get3A_586] {strides = array<i32>} : memref<32x1024xf32, #tpu.memory_space<vmem>>, vector<16xf32>,
        %mul3A_588 = arith.mulf %gather3A_579, %get3A_587 : vector<16xf32>
        %add3A_589 = arith.addf %add3A_575, %mul3A_588 : vector<16xf32>
        %broadcast_in_dim3A_590 = arith.constant 12 : i32
        %broadcast_in_dim3A_591 = vector.broadcast %broadcast_in_dim3A_590 : i32 to vector<16x1xi32>
        %gather3A_592 = vector.shape_cast %broadcast_in_dim3A_591 : vector<16x1xi32> to vector<16xi32>
        %gather3A_593 = tpu.dynamic_gather %get3A_414[%gather3A_592] in [0] : vector<16xf32>, vector<16xi32> -> vector<16xf32>
        %get3A_594 = arith.index_cast %scan3A_403 : i32 to index
        %get3A_595 = arith.constant 384 : index
        %get3A_596 = tpu.vector_load %arg15[%get3A_594, %get3A_595] {strides = array<i32>} : memref<32x1024xf32, #tpu.memory_space<vmem>>, vector<16xf32>,
        %mul3A_597 = arith.mulf %gather3A_593, %get3A_596 : vector<16xf32>
        %add3A_598 = arith.addf %add3A_584, %mul3A_597 : vector<16xf32>
        %get3A_599 = arith.index_cast %scan3A_403 : i32 to index
        %get3A_600 = arith.constant 400 : index
        %get3A_601 = tpu.vector_load %arg15[%get3A_599, %get3A_600] {strides = array<i32>} : memref<32x1024xf32, #tpu.memory_space<vmem>>, vector<16xf32>,
        %mul3A_602 = arith.mulf %gather3A_593, %get3A_601 : vector<16xf32>
        %add3A_603 = arith.addf %add3A_589, %mul3A_602 : vector<16xf32>
        %broadcast_in_dim3A_604 = arith.constant 13 : i32
        %broadcast_in_dim3A_605 = vector.broadcast %broadcast_in_dim3A_604 : i32 to vector<16x1xi32>
        %gather3A_606 = vector.shape_cast %broadcast_in_dim3A_605 : vector<16x1xi32> to vector<16xi32>
        %gather3A_607 = tpu.dynamic_gather %get3A_414[%gather3A_606] in [0] : vector<16xf32>, vector<16xi32> -> vector<16xf32>
        %get3A_608 = arith.index_cast %scan3A_403 : i32 to index
        %get3A_609 = arith.constant 416 : index
        %get3A_610 = tpu.vector_load %arg15[%get3A_608, %get3A_609] {strides = array<i32>} : memref<32x1024xf32, #tpu.memory_space<vmem>>, vector<16xf32>,
        %mul3A_611 = arith.mulf %gather3A_607, %get3A_610 : vector<16xf32>
        %add3A_612 = arith.addf %add3A_598, %mul3A_611 : vector<16xf32>
        %get3A_613 = arith.index_cast %scan3A_403 : i32 to index
        %get3A_614 = arith.constant 432 : index
        %get3A_615 = tpu.vector_load %arg15[%get3A_613, %get3A_614] {strides = array<i32>} : memref<32x1024xf32, #tpu.memory_space<vmem>>, vector<16xf32>,
        %mul3A_616 = arith.mulf %gather3A_607, %get3A_615 : vector<16xf32>
        %add3A_617 = arith.addf %add3A_603, %mul3A_616 : vector<16xf32>
        %broadcast_in_dim3A_618 = arith.constant 14 : i32
        %broadcast_in_dim3A_619 = vector.broadcast %broadcast_in_dim3A_618 : i32 to vector<16x1xi32>
        %gather3A_620 = vector.shape_cast %broadcast_in_dim3A_619 : vector<16x1xi32> to vector<16xi32>
        %gather3A_621 = tpu.dynamic_gather %get3A_414[%gather3A_620] in [0] : vector<16xf32>, vector<16xi32> -> vector<16xf32>
        %get3A_622 = arith.index_cast %scan3A_403 : i32 to index
        %get3A_623 = arith.constant 448 : index
        %get3A_624 = tpu.vector_load %arg15[%get3A_622, %get3A_623] {strides = array<i32>} : memref<32x1024xf32, #tpu.memory_space<vmem>>, vector<16xf32>,
        %mul3A_625 = arith.mulf %gather3A_621, %get3A_624 : vector<16xf32>
        %add3A_626 = arith.addf %add3A_612, %mul3A_625 : vector<16xf32>
        %get3A_627 = arith.index_cast %scan3A_403 : i32 to index
        %get3A_628 = arith.constant 464 : index
        %get3A_629 = tpu.vector_load %arg15[%get3A_627, %get3A_628] {strides = array<i32>} : memref<32x1024xf32, #tpu.memory_space<vmem>>, vector<16xf32>,
        %mul3A_630 = arith.mulf %gather3A_621, %get3A_629 : vector<16xf32>
        %add3A_631 = arith.addf %add3A_617, %mul3A_630 : vector<16xf32>
        %broadcast_in_dim3A_632 = arith.constant 15 : i32
        %broadcast_in_dim3A_633 = vector.broadcast %broadcast_in_dim3A_632 : i32 to vector<16x1xi32>
        %gather3A_634 = vector.shape_cast %broadcast_in_dim3A_633 : vector<16x1xi32> to vector<16xi32>
        %gather3A_635 = tpu.dynamic_gather %get3A_414[%gather3A_634] in [0] : vector<16xf32>, vector<16xi32> -> vector<16xf32>
        %get3A_636 = arith.index_cast %scan3A_403 : i32 to index
        %get3A_637 = arith.constant 480 : index
        %get3A_638 = tpu.vector_load %arg15[%get3A_636, %get3A_637] {strides = array<i32>} : memref<32x1024xf32, #tpu.memory_space<vmem>>, vector<16xf32>,
        %mul3A_639 = arith.mulf %gather3A_635, %get3A_638 : vector<16xf32>
        %add3A_640 = arith.addf %add3A_626, %mul3A_639 : vector<16xf32>
        %get3A_641 = arith.index_cast %scan3A_403 : i32 to index
        %get3A_642 = arith.constant 496 : index
        %get3A_643 = tpu.vector_load %arg15[%get3A_641, %get3A_642] {strides = array<i32>} : memref<32x1024xf32, #tpu.memory_space<vmem>>, vector<16xf32>,
        %mul3A_644 = arith.mulf %gather3A_635, %get3A_643 : vector<16xf32>
        %add3A_645 = arith.addf %add3A_631, %mul3A_644 : vector<16xf32>
        %broadcast_in_dim3A_646 = arith.constant 0 : i32
        %broadcast_in_dim3A_647 = vector.broadcast %broadcast_in_dim3A_646 : i32 to vector<16x1xi32>
        %gather3A_648 = vector.shape_cast %broadcast_in_dim3A_647 : vector<16x1xi32> to vector<16xi32>
        %gather3A_649 = tpu.dynamic_gather %get3A_417[%gather3A_648] in [0] : vector<16xf32>, vector<16xi32> -> vector<16xf32>
        %get3A_650 = arith.index_cast %scan3A_403 : i32 to index
        %get3A_651 = arith.constant 512 : index
        %get3A_652 = tpu.vector_load %arg15[%get3A_650, %get3A_651] {strides = array<i32>} : memref<32x1024xf32, #tpu.memory_space<vmem>>, vector<16xf32>,
        %mul3A_653 = arith.mulf %gather3A_649, %get3A_652 : vector<16xf32>
        %add3A_654 = arith.addf %add3A_640, %mul3A_653 : vector<16xf32>
        %get3A_655 = arith.index_cast %scan3A_403 : i32 to index
        %get3A_656 = arith.constant 528 : index
        %get3A_657 = tpu.vector_load %arg15[%get3A_655, %get3A_656] {strides = array<i32>} : memref<32x1024xf32, #tpu.memory_space<vmem>>, vector<16xf32>,
        %mul3A_658 = arith.mulf %gather3A_649, %get3A_657 : vector<16xf32>
        %add3A_659 = arith.addf %add3A_645, %mul3A_658 : vector<16xf32>
        %broadcast_in_dim3A_660 = arith.constant 1 : i32
        %broadcast_in_dim3A_661 = vector.broadcast %broadcast_in_dim3A_660 : i32 to vector<16x1xi32>
        %gather3A_662 = vector.shape_cast %broadcast_in_dim3A_661 : vector<16x1xi32> to vector<16xi32>
        %gather3A_663 = tpu.dynamic_gather %get3A_417[%gather3A_662] in [0] : vector<16xf32>, vector<16xi32> -> vector<16xf32>
        %get3A_664 = arith.index_cast %scan3A_403 : i32 to index
        %get3A_665 = arith.constant 544 : index
        %get3A_666 = tpu.vector_load %arg15[%get3A_664, %get3A_665] {strides = array<i32>} : memref<32x1024xf32, #tpu.memory_space<vmem>>, vector<16xf32>,
        %mul3A_667 = arith.mulf %gather3A_663, %get3A_666 : vector<16xf32>
        %add3A_668 = arith.addf %add3A_654, %mul3A_667 : vector<16xf32>
        %get3A_669 = arith.index_cast %scan3A_403 : i32 to index
        %get3A_670 = arith.constant 560 : index
        %get3A_671 = tpu.vector_load %arg15[%get3A_669, %get3A_670] {strides = array<i32>} : memref<32x1024xf32, #tpu.memory_space<vmem>>, vector<16xf32>,
        %mul3A_672 = arith.mulf %gather3A_663, %get3A_671 : vector<16xf32>
        %add3A_673 = arith.addf %add3A_659, %mul3A_672 : vector<16xf32>
        %broadcast_in_dim3A_674 = arith.constant 2 : i32
        %broadcast_in_dim3A_675 = vector.broadcast %broadcast_in_dim3A_674 : i32 to vector<16x1xi32>
        %gather3A_676 = vector.shape_cast %broadcast_in_dim3A_675 : vector<16x1xi32> to vector<16xi32>
        %gather3A_677 = tpu.dynamic_gather %get3A_417[%gather3A_676] in [0] : vector<16xf32>, vector<16xi32> -> vector<16xf32>
        %get3A_678 = arith.index_cast %scan3A_403 : i32 to index
        %get3A_679 = arith.constant 576 : index
        %get3A_680 = tpu.vector_load %arg15[%get3A_678, %get3A_679] {strides = array<i32>} : memref<32x1024xf32, #tpu.memory_space<vmem>>, vector<16xf32>,
        %mul3A_681 = arith.mulf %gather3A_677, %get3A_680 : vector<16xf32>
        %add3A_682 = arith.addf %add3A_668, %mul3A_681 : vector<16xf32>
        %get3A_683 = arith.index_cast %scan3A_403 : i32 to index
        %get3A_684 = arith.constant 592 : index
        %get3A_685 = tpu.vector_load %arg15[%get3A_683, %get3A_684] {strides = array<i32>} : memref<32x1024xf32, #tpu.memory_space<vmem>>, vector<16xf32>,
        %mul3A_686 = arith.mulf %gather3A_677, %get3A_685 : vector<16xf32>
        %add3A_687 = arith.addf %add3A_673, %mul3A_686 : vector<16xf32>
        %broadcast_in_dim3A_688 = arith.constant 3 : i32
        %broadcast_in_dim3A_689 = vector.broadcast %broadcast_in_dim3A_688 : i32 to vector<16x1xi32>
        %gather3A_690 = vector.shape_cast %broadcast_in_dim3A_689 : vector<16x1xi32> to vector<16xi32>
        %gather3A_691 = tpu.dynamic_gather %get3A_417[%gather3A_690] in [0] : vector<16xf32>, vector<16xi32> -> vector<16xf32>
        %get3A_692 = arith.index_cast %scan3A_403 : i32 to index
        %get3A_693 = arith.constant 608 : index
        %get3A_694 = tpu.vector_load %arg15[%get3A_692, %get3A_693] {strides = array<i32>} : memref<32x1024xf32, #tpu.memory_space<vmem>>, vector<16xf32>,
        %mul3A_695 = arith.mulf %gather3A_691, %get3A_694 : vector<16xf32>
        %add3A_696 = arith.addf %add3A_682, %mul3A_695 : vector<16xf32>
        %get3A_697 = arith.index_cast %scan3A_403 : i32 to index
        %get3A_698 = arith.constant 624 : index
        %get3A_699 = tpu.vector_load %arg15[%get3A_697, %get3A_698] {strides = array<i32>} : memref<32x1024xf32, #tpu.memory_space<vmem>>, vector<16xf32>,
        %mul3A_700 = arith.mulf %gather3A_691, %get3A_699 : vector<16xf32>
        %add3A_701 = arith.addf %add3A_687, %mul3A_700 : vector<16xf32>
        %broadcast_in_dim3A_702 = arith.constant 4 : i32
        %broadcast_in_dim3A_703 = vector.broadcast %broadcast_in_dim3A_702 : i32 to vector<16x1xi32>
        %gather3A_704 = vector.shape_cast %broadcast_in_dim3A_703 : vector<16x1xi32> to vector<16xi32>
        %gather3A_705 = tpu.dynamic_gather %get3A_417[%gather3A_704] in [0] : vector<16xf32>, vector<16xi32> -> vector<16xf32>
        %get3A_706 = arith.index_cast %scan3A_403 : i32 to index
        %get3A_707 = arith.constant 640 : index
        %get3A_708 = tpu.vector_load %arg15[%get3A_706, %get3A_707] {strides = array<i32>} : memref<32x1024xf32, #tpu.memory_space<vmem>>, vector<16xf32>,
        %mul3A_709 = arith.mulf %gather3A_705, %get3A_708 : vector<16xf32>
        %add3A_710 = arith.addf %add3A_696, %mul3A_709 : vector<16xf32>
        %get3A_711 = arith.index_cast %scan3A_403 : i32 to index
        %get3A_712 = arith.constant 656 : index
        %get3A_713 = tpu.vector_load %arg15[%get3A_711, %get3A_712] {strides = array<i32>} : memref<32x1024xf32, #tpu.memory_space<vmem>>, vector<16xf32>,
        %mul3A_714 = arith.mulf %gather3A_705, %get3A_713 : vector<16xf32>
        %add3A_715 = arith.addf %add3A_701, %mul3A_714 : vector<16xf32>
        %broadcast_in_dim3A_716 = arith.constant 5 : i32
        %broadcast_in_dim3A_717 = vector.broadcast %broadcast_in_dim3A_716 : i32 to vector<16x1xi32>
        %gather3A_718 = vector.shape_cast %broadcast_in_dim3A_717 : vector<16x1xi32> to vector<16xi32>
        %gather3A_719 = tpu.dynamic_gather %get3A_417[%gather3A_718] in [0] : vector<16xf32>, vector<16xi32> -> vector<16xf32>
        %get3A_720 = arith.index_cast %scan3A_403 : i32 to index
        %get3A_721 = arith.constant 672 : index
        %get3A_722 = tpu.vector_load %arg15[%get3A_720, %get3A_721] {strides = array<i32>} : memref<32x1024xf32, #tpu.memory_space<vmem>>, vector<16xf32>,
        %mul3A_723 = arith.mulf %gather3A_719, %get3A_722 : vector<16xf32>
        %add3A_724 = arith.addf %add3A_710, %mul3A_723 : vector<16xf32>
        %get3A_725 = arith.index_cast %scan3A_403 : i32 to index
        %get3A_726 = arith.constant 688 : index
        %get3A_727 = tpu.vector_load %arg15[%get3A_725, %get3A_726] {strides = array<i32>} : memref<32x1024xf32, #tpu.memory_space<vmem>>, vector<16xf32>,
        %mul3A_728 = arith.mulf %gather3A_719, %get3A_727 : vector<16xf32>
        %add3A_729 = arith.addf %add3A_715, %mul3A_728 : vector<16xf32>
        %broadcast_in_dim3A_730 = arith.constant 6 : i32
        %broadcast_in_dim3A_731 = vector.broadcast %broadcast_in_dim3A_730 : i32 to vector<16x1xi32>
        %gather3A_732 = vector.shape_cast %broadcast_in_dim3A_731 : vector<16x1xi32> to vector<16xi32>
        %gather3A_733 = tpu.dynamic_gather %get3A_417[%gather3A_732] in [0] : vector<16xf32>, vector<16xi32> -> vector<16xf32>
        %get3A_734 = arith.index_cast %scan3A_403 : i32 to index
        %get3A_735 = arith.constant 704 : index
        %get3A_736 = tpu.vector_load %arg15[%get3A_734, %get3A_735] {strides = array<i32>} : memref<32x1024xf32, #tpu.memory_space<vmem>>, vector<16xf32>,
        %mul3A_737 = arith.mulf %gather3A_733, %get3A_736 : vector<16xf32>
        %add3A_738 = arith.addf %add3A_724, %mul3A_737 : vector<16xf32>
        %get3A_739 = arith.index_cast %scan3A_403 : i32 to index
        %get3A_740 = arith.constant 720 : index
        %get3A_741 = tpu.vector_load %arg15[%get3A_739, %get3A_740] {strides = array<i32>} : memref<32x1024xf32, #tpu.memory_space<vmem>>, vector<16xf32>,
        %mul3A_742 = arith.mulf %gather3A_733, %get3A_741 : vector<16xf32>
        %add3A_743 = arith.addf %add3A_729, %mul3A_742 : vector<16xf32>
        %broadcast_in_dim3A_744 = arith.constant 7 : i32
        %broadcast_in_dim3A_745 = vector.broadcast %broadcast_in_dim3A_744 : i32 to vector<16x1xi32>
        %gather3A_746 = vector.shape_cast %broadcast_in_dim3A_745 : vector<16x1xi32> to vector<16xi32>
        %gather3A_747 = tpu.dynamic_gather %get3A_417[%gather3A_746] in [0] : vector<16xf32>, vector<16xi32> -> vector<16xf32>
        %get3A_748 = arith.index_cast %scan3A_403 : i32 to index
        %get3A_749 = arith.constant 736 : index
        %get3A_750 = tpu.vector_load %arg15[%get3A_748, %get3A_749] {strides = array<i32>} : memref<32x1024xf32, #tpu.memory_space<vmem>>, vector<16xf32>,
        %mul3A_751 = arith.mulf %gather3A_747, %get3A_750 : vector<16xf32>
        %add3A_752 = arith.addf %add3A_738, %mul3A_751 : vector<16xf32>
        %get3A_753 = arith.index_cast %scan3A_403 : i32 to index
        %get3A_754 = arith.constant 752 : index
        %get3A_755 = tpu.vector_load %arg15[%get3A_753, %get3A_754] {strides = array<i32>} : memref<32x1024xf32, #tpu.memory_space<vmem>>, vector<16xf32>,
        %mul3A_756 = arith.mulf %gather3A_747, %get3A_755 : vector<16xf32>
        %add3A_757 = arith.addf %add3A_743, %mul3A_756 : vector<16xf32>
        %broadcast_in_dim3A_758 = arith.constant 8 : i32
        %broadcast_in_dim3A_759 = vector.broadcast %broadcast_in_dim3A_758 : i32 to vector<16x1xi32>
        %gather3A_760 = vector.shape_cast %broadcast_in_dim3A_759 : vector<16x1xi32> to vector<16xi32>
        %gather3A_761 = tpu.dynamic_gather %get3A_417[%gather3A_760] in [0] : vector<16xf32>, vector<16xi32> -> vector<16xf32>
        %get3A_762 = arith.index_cast %scan3A_403 : i32 to index
        %get3A_763 = arith.constant 768 : index
        %get3A_764 = tpu.vector_load %arg15[%get3A_762, %get3A_763] {strides = array<i32>} : memref<32x1024xf32, #tpu.memory_space<vmem>>, vector<16xf32>,
        %mul3A_765 = arith.mulf %gather3A_761, %get3A_764 : vector<16xf32>
        %add3A_766 = arith.addf %add3A_752, %mul3A_765 : vector<16xf32>
        %get3A_767 = arith.index_cast %scan3A_403 : i32 to index
        %get3A_768 = arith.constant 784 : index
        %get3A_769 = tpu.vector_load %arg15[%get3A_767, %get3A_768] {strides = array<i32>} : memref<32x1024xf32, #tpu.memory_space<vmem>>, vector<16xf32>,
        %mul3A_770 = arith.mulf %gather3A_761, %get3A_769 : vector<16xf32>
        %add3A_771 = arith.addf %add3A_757, %mul3A_770 : vector<16xf32>
        %broadcast_in_dim3A_772 = arith.constant 9 : i32
        %broadcast_in_dim3A_773 = vector.broadcast %broadcast_in_dim3A_772 : i32 to vector<16x1xi32>
        %gather3A_774 = vector.shape_cast %broadcast_in_dim3A_773 : vector<16x1xi32> to vector<16xi32>
        %gather3A_775 = tpu.dynamic_gather %get3A_417[%gather3A_774] in [0] : vector<16xf32>, vector<16xi32> -> vector<16xf32>
        %get3A_776 = arith.index_cast %scan3A_403 : i32 to index
        %get3A_777 = arith.constant 800 : index
        %get3A_778 = tpu.vector_load %arg15[%get3A_776, %get3A_777] {strides = array<i32>} : memref<32x1024xf32, #tpu.memory_space<vmem>>, vector<16xf32>,
        %mul3A_779 = arith.mulf %gather3A_775, %get3A_778 : vector<16xf32>
        %add3A_780 = arith.addf %add3A_766, %mul3A_779 : vector<16xf32>
        %get3A_781 = arith.index_cast %scan3A_403 : i32 to index
        %get3A_782 = arith.constant 816 : index
        %get3A_783 = tpu.vector_load %arg15[%get3A_781, %get3A_782] {strides = array<i32>} : memref<32x1024xf32, #tpu.memory_space<vmem>>, vector<16xf32>,
        %mul3A_784 = arith.mulf %gather3A_775, %get3A_783 : vector<16xf32>
        %add3A_785 = arith.addf %add3A_771, %mul3A_784 : vector<16xf32>
        %broadcast_in_dim3A_786 = arith.constant 10 : i32
        %broadcast_in_dim3A_787 = vector.broadcast %broadcast_in_dim3A_786 : i32 to vector<16x1xi32>
        %gather3A_788 = vector.shape_cast %broadcast_in_dim3A_787 : vector<16x1xi32> to vector<16xi32>
        %gather3A_789 = tpu.dynamic_gather %get3A_417[%gather3A_788] in [0] : vector<16xf32>, vector<16xi32> -> vector<16xf32>
        %get3A_790 = arith.index_cast %scan3A_403 : i32 to index
        %get3A_791 = arith.constant 832 : index
        %get3A_792 = tpu.vector_load %arg15[%get3A_790, %get3A_791] {strides = array<i32>} : memref<32x1024xf32, #tpu.memory_space<vmem>>, vector<16xf32>,
        %mul3A_793 = arith.mulf %gather3A_789, %get3A_792 : vector<16xf32>
        %add3A_794 = arith.addf %add3A_780, %mul3A_793 : vector<16xf32>
        %get3A_795 = arith.index_cast %scan3A_403 : i32 to index
        %get3A_796 = arith.constant 848 : index
        %get3A_797 = tpu.vector_load %arg15[%get3A_795, %get3A_796] {strides = array<i32>} : memref<32x1024xf32, #tpu.memory_space<vmem>>, vector<16xf32>,
        %mul3A_798 = arith.mulf %gather3A_789, %get3A_797 : vector<16xf32>
        %add3A_799 = arith.addf %add3A_785, %mul3A_798 : vector<16xf32>
        %broadcast_in_dim3A_800 = arith.constant 11 : i32
        %broadcast_in_dim3A_801 = vector.broadcast %broadcast_in_dim3A_800 : i32 to vector<16x1xi32>
        %gather3A_802 = vector.shape_cast %broadcast_in_dim3A_801 : vector<16x1xi32> to vector<16xi32>
        %gather3A_803 = tpu.dynamic_gather %get3A_417[%gather3A_802] in [0] : vector<16xf32>, vector<16xi32> -> vector<16xf32>
        %get3A_804 = arith.index_cast %scan3A_403 : i32 to index
        %get3A_805 = arith.constant 864 : index
        %get3A_806 = tpu.vector_load %arg15[%get3A_804, %get3A_805] {strides = array<i32>} : memref<32x1024xf32, #tpu.memory_space<vmem>>, vector<16xf32>,
        %mul3A_807 = arith.mulf %gather3A_803, %get3A_806 : vector<16xf32>
        %add3A_808 = arith.addf %add3A_794, %mul3A_807 : vector<16xf32>
        %get3A_809 = arith.index_cast %scan3A_403 : i32 to index
        %get3A_810 = arith.constant 880 : index
        %get3A_811 = tpu.vector_load %arg15[%get3A_809, %get3A_810] {strides = array<i32>} : memref<32x1024xf32, #tpu.memory_space<vmem>>, vector<16xf32>,
        %mul3A_812 = arith.mulf %gather3A_803, %get3A_811 : vector<16xf32>
        %add3A_813 = arith.addf %add3A_799, %mul3A_812 : vector<16xf32>
        %broadcast_in_dim3A_814 = arith.constant 12 : i32
        %broadcast_in_dim3A_815 = vector.broadcast %broadcast_in_dim3A_814 : i32 to vector<16x1xi32>
        %gather3A_816 = vector.shape_cast %broadcast_in_dim3A_815 : vector<16x1xi32> to vector<16xi32>
        %gather3A_817 = tpu.dynamic_gather %get3A_417[%gather3A_816] in [0] : vector<16xf32>, vector<16xi32> -> vector<16xf32>
        %get3A_818 = arith.index_cast %scan3A_403 : i32 to index
        %get3A_819 = arith.constant 896 : index
        %get3A_820 = tpu.vector_load %arg15[%get3A_818, %get3A_819] {strides = array<i32>} : memref<32x1024xf32, #tpu.memory_space<vmem>>, vector<16xf32>,
        %mul3A_821 = arith.mulf %gather3A_817, %get3A_820 : vector<16xf32>
        %add3A_822 = arith.addf %add3A_808, %mul3A_821 : vector<16xf32>
        %get3A_823 = arith.index_cast %scan3A_403 : i32 to index
        %get3A_824 = arith.constant 912 : index
        %get3A_825 = tpu.vector_load %arg15[%get3A_823, %get3A_824] {strides = array<i32>} : memref<32x1024xf32, #tpu.memory_space<vmem>>, vector<16xf32>,
        %mul3A_826 = arith.mulf %gather3A_817, %get3A_825 : vector<16xf32>
        %add3A_827 = arith.addf %add3A_813, %mul3A_826 : vector<16xf32>
        %broadcast_in_dim3A_828 = arith.constant 13 : i32
        %broadcast_in_dim3A_829 = vector.broadcast %broadcast_in_dim3A_828 : i32 to vector<16x1xi32>
        %gather3A_830 = vector.shape_cast %broadcast_in_dim3A_829 : vector<16x1xi32> to vector<16xi32>
        %gather3A_831 = tpu.dynamic_gather %get3A_417[%gather3A_830] in [0] : vector<16xf32>, vector<16xi32> -> vector<16xf32>
        %get3A_832 = arith.index_cast %scan3A_403 : i32 to index
        %get3A_833 = arith.constant 928 : index
        %get3A_834 = tpu.vector_load %arg15[%get3A_832, %get3A_833] {strides = array<i32>} : memref<32x1024xf32, #tpu.memory_space<vmem>>, vector<16xf32>,
        %mul3A_835 = arith.mulf %gather3A_831, %get3A_834 : vector<16xf32>
        %add3A_836 = arith.addf %add3A_822, %mul3A_835 : vector<16xf32>
        %get3A_837 = arith.index_cast %scan3A_403 : i32 to index
        %get3A_838 = arith.constant 944 : index
        %get3A_839 = tpu.vector_load %arg15[%get3A_837, %get3A_838] {strides = array<i32>} : memref<32x1024xf32, #tpu.memory_space<vmem>>, vector<16xf32>,
        %mul3A_840 = arith.mulf %gather3A_831, %get3A_839 : vector<16xf32>
        %add3A_841 = arith.addf %add3A_827, %mul3A_840 : vector<16xf32>
        %broadcast_in_dim3A_842 = arith.constant 14 : i32
        %broadcast_in_dim3A_843 = vector.broadcast %broadcast_in_dim3A_842 : i32 to vector<16x1xi32>
        %gather3A_844 = vector.shape_cast %broadcast_in_dim3A_843 : vector<16x1xi32> to vector<16xi32>
        %gather3A_845 = tpu.dynamic_gather %get3A_417[%gather3A_844] in [0] : vector<16xf32>, vector<16xi32> -> vector<16xf32>
        %get3A_846 = arith.index_cast %scan3A_403 : i32 to index
        %get3A_847 = arith.constant 960 : index
        %get3A_848 = tpu.vector_load %arg15[%get3A_846, %get3A_847] {strides = array<i32>} : memref<32x1024xf32, #tpu.memory_space<vmem>>, vector<16xf32>,
        %mul3A_849 = arith.mulf %gather3A_845, %get3A_848 : vector<16xf32>
        %add3A_850 = arith.addf %add3A_836, %mul3A_849 : vector<16xf32>
        %get3A_851 = arith.index_cast %scan3A_403 : i32 to index
        %get3A_852 = arith.constant 976 : index
        %get3A_853 = tpu.vector_load %arg15[%get3A_851, %get3A_852] {strides = array<i32>} : memref<32x1024xf32, #tpu.memory_space<vmem>>, vector<16xf32>,
        %mul3A_854 = arith.mulf %gather3A_845, %get3A_853 : vector<16xf32>
        %add3A_855 = arith.addf %add3A_841, %mul3A_854 : vector<16xf32>
        %broadcast_in_dim3A_856 = arith.constant 15 : i32
        %broadcast_in_dim3A_857 = vector.broadcast %broadcast_in_dim3A_856 : i32 to vector<16x1xi32>
        %gather3A_858 = vector.shape_cast %broadcast_in_dim3A_857 : vector<16x1xi32> to vector<16xi32>
        %gather3A_859 = tpu.dynamic_gather %get3A_417[%gather3A_858] in [0] : vector<16xf32>, vector<16xi32> -> vector<16xf32>
        %get3A_860 = arith.index_cast %scan3A_403 : i32 to index
        %get3A_861 = arith.constant 992 : index
        %get3A_862 = tpu.vector_load %arg15[%get3A_860, %get3A_861] {strides = array<i32>} : memref<32x1024xf32, #tpu.memory_space<vmem>>, vector<16xf32>,
        %mul3A_863 = arith.mulf %gather3A_859, %get3A_862 : vector<16xf32>
        %add3A_864 = arith.addf %add3A_850, %mul3A_863 : vector<16xf32>
        %get3A_865 = arith.index_cast %scan3A_403 : i32 to index
        %get3A_866 = arith.constant 1008 : index
        %get3A_867 = tpu.vector_load %arg15[%get3A_865, %get3A_866] {strides = array<i32>} : memref<32x1024xf32, #tpu.memory_space<vmem>>, vector<16xf32>,
        %mul3A_868 = arith.mulf %gather3A_859, %get3A_867 : vector<16xf32>
        %add3A_869 = arith.addf %add3A_855, %mul3A_868 : vector<16xf32>
        %mul3A_870 = arith.mulf %add3A_864, %get3A_408 : vector<16xf32>
        %mul3A_871 = arith.mulf %add3A_869, %get3A_411 : vector<16xf32>
        %add3A_872 = arith.addf %mul3A_870, %mul3A_871 : vector<16xf32>
        %swap3A_873 = arith.index_cast %scan3A_403 : i32 to index
        %swap3A_874 = arith.constant 0 : index
        %swap3A_875 = tpu.vector_load %arg16[%swap3A_873, %swap3A_874] {strides = array<i32>} : memref<32x16xf32, #tpu.memory_space<vmem>>, vector<16xf32>,
        tpu.vector_store %arg16[%swap3A_873, %swap3A_874], %add3A_872 {strides = array<i32>} : memref<32x16xf32, #tpu.memory_space<vmem>>, vector<16xf32>,
        %scan3A_876 = arith.constant 0 : i32
        scf.yield %scan3A_876 : i32
      }
      %scan3A_251 = arith.constant 32 : i32
      %add3A_252 = arith.constant 0 : i32
      %add3A_253 = vector.broadcast %add3A_252 : i32 to vector<16xi32>
      %add3A_254 = arith.addi %add3A_253, %iota3A : vector<16xi32>
      %broadcast_in_dim3A_255 = arith.constant 0.000000e+00 : f32
      %broadcast_in_dim3A_256 = vector.broadcast %broadcast_in_dim3A_255 : f32 to vector<16xf32>
      %broadcast_in_dim3A_257 = arith.constant 0 : i32
      %broadcast_in_dim3A_258 = vector.broadcast %broadcast_in_dim3A_257 : i32 to vector<16xi32>
      %gather3A_259 = tpu.vector_load_idx %arg16[%add3A_254, %broadcast_in_dim3A_258] : memref<32x16xf32, #tpu.memory_space<vmem>>[vector<16xi32>, vector<16xi32>], vector<16xf32>,
      %add3A_260 = arith.addf %broadcast_in_dim3A_256, %gather3A_259 : vector<16xf32>
      %broadcast_in_dim3A_261 = arith.constant 1 : i32
      %broadcast_in_dim3A_262 = vector.broadcast %broadcast_in_dim3A_261 : i32 to vector<16xi32>
      %gather3A_263 = tpu.vector_load_idx %arg16[%add3A_254, %broadcast_in_dim3A_262] : memref<32x16xf32, #tpu.memory_space<vmem>>[vector<16xi32>, vector<16xi32>], vector<16xf32>,
      %add3A_264 = arith.addf %add3A_260, %gather3A_263 : vector<16xf32>
      %broadcast_in_dim3A_265 = arith.constant 2 : i32
      %broadcast_in_dim3A_266 = vector.broadcast %broadcast_in_dim3A_265 : i32 to vector<16xi32>
      %gather3A_267 = tpu.vector_load_idx %arg16[%add3A_254, %broadcast_in_dim3A_266] : memref<32x16xf32, #tpu.memory_space<vmem>>[vector<16xi32>, vector<16xi32>], vector<16xf32>,
      %add3A_268 = arith.addf %add3A_264, %gather3A_267 : vector<16xf32>
      %broadcast_in_dim3A_269 = arith.constant 3 : i32
      %broadcast_in_dim3A_270 = vector.broadcast %broadcast_in_dim3A_269 : i32 to vector<16xi32>
      %gather3A_271 = tpu.vector_load_idx %arg16[%add3A_254, %broadcast_in_dim3A_270] : memref<32x16xf32, #tpu.memory_space<vmem>>[vector<16xi32>, vector<16xi32>], vector<16xf32>,
      %add3A_272 = arith.addf %add3A_268, %gather3A_271 : vector<16xf32>
      %broadcast_in_dim3A_273 = arith.constant 4 : i32
      %broadcast_in_dim3A_274 = vector.broadcast %broadcast_in_dim3A_273 : i32 to vector<16xi32>
      %gather3A_275 = tpu.vector_load_idx %arg16[%add3A_254, %broadcast_in_dim3A_274] : memref<32x16xf32, #tpu.memory_space<vmem>>[vector<16xi32>, vector<16xi32>], vector<16xf32>,
      %add3A_276 = arith.addf %add3A_272, %gather3A_275 : vector<16xf32>
      %broadcast_in_dim3A_277 = arith.constant 5 : i32
      %broadcast_in_dim3A_278 = vector.broadcast %broadcast_in_dim3A_277 : i32 to vector<16xi32>
      %gather3A_279 = tpu.vector_load_idx %arg16[%add3A_254, %broadcast_in_dim3A_278] : memref<32x16xf32, #tpu.memory_space<vmem>>[vector<16xi32>, vector<16xi32>], vector<16xf32>,
      %add3A_280 = arith.addf %add3A_276, %gather3A_279 : vector<16xf32>
      %broadcast_in_dim3A_281 = arith.constant 6 : i32
      %broadcast_in_dim3A_282 = vector.broadcast %broadcast_in_dim3A_281 : i32 to vector<16xi32>
      %gather3A_283 = tpu.vector_load_idx %arg16[%add3A_254, %broadcast_in_dim3A_282] : memref<32x16xf32, #tpu.memory_space<vmem>>[vector<16xi32>, vector<16xi32>], vector<16xf32>,
      %add3A_284 = arith.addf %add3A_280, %gather3A_283 : vector<16xf32>
      %broadcast_in_dim3A_285 = arith.constant 7 : i32
      %broadcast_in_dim3A_286 = vector.broadcast %broadcast_in_dim3A_285 : i32 to vector<16xi32>
      %gather3A_287 = tpu.vector_load_idx %arg16[%add3A_254, %broadcast_in_dim3A_286] : memref<32x16xf32, #tpu.memory_space<vmem>>[vector<16xi32>, vector<16xi32>], vector<16xf32>,
      %add3A_288 = arith.addf %add3A_284, %gather3A_287 : vector<16xf32>
      %broadcast_in_dim3A_289 = arith.constant 8 : i32
      %broadcast_in_dim3A_290 = vector.broadcast %broadcast_in_dim3A_289 : i32 to vector<16xi32>
      %gather3A_291 = tpu.vector_load_idx %arg16[%add3A_254, %broadcast_in_dim3A_290] : memref<32x16xf32, #tpu.memory_space<vmem>>[vector<16xi32>, vector<16xi32>], vector<16xf32>,
      %add3A_292 = arith.addf %add3A_288, %gather3A_291 : vector<16xf32>
      %broadcast_in_dim3A_293 = arith.constant 9 : i32
      %broadcast_in_dim3A_294 = vector.broadcast %broadcast_in_dim3A_293 : i32 to vector<16xi32>
      %gather3A_295 = tpu.vector_load_idx %arg16[%add3A_254, %broadcast_in_dim3A_294] : memref<32x16xf32, #tpu.memory_space<vmem>>[vector<16xi32>, vector<16xi32>], vector<16xf32>,
      %add3A_296 = arith.addf %add3A_292, %gather3A_295 : vector<16xf32>
      %broadcast_in_dim3A_297 = arith.constant 10 : i32
      %broadcast_in_dim3A_298 = vector.broadcast %broadcast_in_dim3A_297 : i32 to vector<16xi32>
      %gather3A_299 = tpu.vector_load_idx %arg16[%add3A_254, %broadcast_in_dim3A_298] : memref<32x16xf32, #tpu.memory_space<vmem>>[vector<16xi32>, vector<16xi32>], vector<16xf32>,
      %add3A_300 = arith.addf %add3A_296, %gather3A_299 : vector<16xf32>
      %broadcast_in_dim3A_301 = arith.constant 11 : i32
      %broadcast_in_dim3A_302 = vector.broadcast %broadcast_in_dim3A_301 : i32 to vector<16xi32>
      %gather3A_303 = tpu.vector_load_idx %arg16[%add3A_254, %broadcast_in_dim3A_302] : memref<32x16xf32, #tpu.memory_space<vmem>>[vector<16xi32>, vector<16xi32>], vector<16xf32>,
      %add3A_304 = arith.addf %add3A_300, %gather3A_303 : vector<16xf32>
      %broadcast_in_dim3A_305 = arith.constant 12 : i32
      %broadcast_in_dim3A_306 = vector.broadcast %broadcast_in_dim3A_305 : i32 to vector<16xi32>
      %gather3A_307 = tpu.vector_load_idx %arg16[%add3A_254, %broadcast_in_dim3A_306] : memref<32x16xf32, #tpu.memory_space<vmem>>[vector<16xi32>, vector<16xi32>], vector<16xf32>,
      %add3A_308 = arith.addf %add3A_304, %gather3A_307 : vector<16xf32>
      %broadcast_in_dim3A_309 = arith.constant 13 : i32
      %broadcast_in_dim3A_310 = vector.broadcast %broadcast_in_dim3A_309 : i32 to vector<16xi32>
      %gather3A_311 = tpu.vector_load_idx %arg16[%add3A_254, %broadcast_in_dim3A_310] : memref<32x16xf32, #tpu.memory_space<vmem>>[vector<16xi32>, vector<16xi32>], vector<16xf32>,
      %add3A_312 = arith.addf %add3A_308, %gather3A_311 : vector<16xf32>
      %broadcast_in_dim3A_313 = arith.constant 14 : i32
      %broadcast_in_dim3A_314 = vector.broadcast %broadcast_in_dim3A_313 : i32 to vector<16xi32>
      %gather3A_315 = tpu.vector_load_idx %arg16[%add3A_254, %broadcast_in_dim3A_314] : memref<32x16xf32, #tpu.memory_space<vmem>>[vector<16xi32>, vector<16xi32>], vector<16xf32>,
      %add3A_316 = arith.addf %add3A_312, %gather3A_315 : vector<16xf32>
      %broadcast_in_dim3A_317 = arith.constant 15 : i32
      %broadcast_in_dim3A_318 = vector.broadcast %broadcast_in_dim3A_317 : i32 to vector<16xi32>
      %gather3A_319 = tpu.vector_load_idx %arg16[%add3A_254, %broadcast_in_dim3A_318] : memref<32x16xf32, #tpu.memory_space<vmem>>[vector<16xi32>, vector<16xi32>], vector<16xf32>,
      %add3A_320 = arith.addf %add3A_316, %gather3A_319 : vector<16xf32>
      %mul3A_321 = arith.constant 32 : i32
      %mul3A_322 = arith.muli %add3A_216, %mul3A_321 : i32
      %add3A_323 = arith.constant 0 : i32
      %add3A_324 = arith.addi %mul3A_322, %add3A_323 : i32
      %swap3A_325 = arith.index_cast %add3A_324 : i32 to index
      %swap3A_326 = tpu.vector_load %arg17[%swap3A_325] {strides = array<i32>} : memref<512xf32, #tpu.memory_space<vmem>>, vector<16xf32>,
      tpu.vector_store %arg17[%swap3A_325], %add3A_320 {strides = array<i32>} : memref<512xf32, #tpu.memory_space<vmem>>, vector<16xf32>,
      %add3A_327 = arith.constant 16 : i32
      %add3A_328 = vector.broadcast %add3A_327 : i32 to vector<16xi32>
      %add3A_329 = arith.addi %add3A_328, %iota3A : vector<16xi32>
      %broadcast_in_dim3A_330 = arith.constant 0.000000e+00 : f32
      %broadcast_in_dim3A_331 = vector.broadcast %broadcast_in_dim3A_330 : f32 to vector<16xf32>
      %broadcast_in_dim3A_332 = arith.constant 0 : i32
      %broadcast_in_dim3A_333 = vector.broadcast %broadcast_in_dim3A_332 : i32 to vector<16xi32>
      %gather3A_334 = tpu.vector_load_idx %arg16[%add3A_329, %broadcast_in_dim3A_333] : memref<32x16xf32, #tpu.memory_space<vmem>>[vector<16xi32>, vector<16xi32>], vector<16xf32>,
      %add3A_335 = arith.addf %broadcast_in_dim3A_331, %gather3A_334 : vector<16xf32>
      %broadcast_in_dim3A_336 = arith.constant 1 : i32
      %broadcast_in_dim3A_337 = vector.broadcast %broadcast_in_dim3A_336 : i32 to vector<16xi32>
      %gather3A_338 = tpu.vector_load_idx %arg16[%add3A_329, %broadcast_in_dim3A_337] : memref<32x16xf32, #tpu.memory_space<vmem>>[vector<16xi32>, vector<16xi32>], vector<16xf32>,
      %add3A_339 = arith.addf %add3A_335, %gather3A_338 : vector<16xf32>
      %broadcast_in_dim3A_340 = arith.constant 2 : i32
      %broadcast_in_dim3A_341 = vector.broadcast %broadcast_in_dim3A_340 : i32 to vector<16xi32>
      %gather3A_342 = tpu.vector_load_idx %arg16[%add3A_329, %broadcast_in_dim3A_341] : memref<32x16xf32, #tpu.memory_space<vmem>>[vector<16xi32>, vector<16xi32>], vector<16xf32>,
      %add3A_343 = arith.addf %add3A_339, %gather3A_342 : vector<16xf32>
      %broadcast_in_dim3A_344 = arith.constant 3 : i32
      %broadcast_in_dim3A_345 = vector.broadcast %broadcast_in_dim3A_344 : i32 to vector<16xi32>
      %gather3A_346 = tpu.vector_load_idx %arg16[%add3A_329, %broadcast_in_dim3A_345] : memref<32x16xf32, #tpu.memory_space<vmem>>[vector<16xi32>, vector<16xi32>], vector<16xf32>,
      %add3A_347 = arith.addf %add3A_343, %gather3A_346 : vector<16xf32>
      %broadcast_in_dim3A_348 = arith.constant 4 : i32
      %broadcast_in_dim3A_349 = vector.broadcast %broadcast_in_dim3A_348 : i32 to vector<16xi32>
      %gather3A_350 = tpu.vector_load_idx %arg16[%add3A_329, %broadcast_in_dim3A_349] : memref<32x16xf32, #tpu.memory_space<vmem>>[vector<16xi32>, vector<16xi32>], vector<16xf32>,
      %add3A_351 = arith.addf %add3A_347, %gather3A_350 : vector<16xf32>
      %broadcast_in_dim3A_352 = arith.constant 5 : i32
      %broadcast_in_dim3A_353 = vector.broadcast %broadcast_in_dim3A_352 : i32 to vector<16xi32>
      %gather3A_354 = tpu.vector_load_idx %arg16[%add3A_329, %broadcast_in_dim3A_353] : memref<32x16xf32, #tpu.memory_space<vmem>>[vector<16xi32>, vector<16xi32>], vector<16xf32>,
      %add3A_355 = arith.addf %add3A_351, %gather3A_354 : vector<16xf32>
      %broadcast_in_dim3A_356 = arith.constant 6 : i32
      %broadcast_in_dim3A_357 = vector.broadcast %broadcast_in_dim3A_356 : i32 to vector<16xi32>
      %gather3A_358 = tpu.vector_load_idx %arg16[%add3A_329, %broadcast_in_dim3A_357] : memref<32x16xf32, #tpu.memory_space<vmem>>[vector<16xi32>, vector<16xi32>], vector<16xf32>,
      %add3A_359 = arith.addf %add3A_355, %gather3A_358 : vector<16xf32>
      %broadcast_in_dim3A_360 = arith.constant 7 : i32
      %broadcast_in_dim3A_361 = vector.broadcast %broadcast_in_dim3A_360 : i32 to vector<16xi32>
      %gather3A_362 = tpu.vector_load_idx %arg16[%add3A_329, %broadcast_in_dim3A_361] : memref<32x16xf32, #tpu.memory_space<vmem>>[vector<16xi32>, vector<16xi32>], vector<16xf32>,
      %add3A_363 = arith.addf %add3A_359, %gather3A_362 : vector<16xf32>
      %broadcast_in_dim3A_364 = arith.constant 8 : i32
      %broadcast_in_dim3A_365 = vector.broadcast %broadcast_in_dim3A_364 : i32 to vector<16xi32>
      %gather3A_366 = tpu.vector_load_idx %arg16[%add3A_329, %broadcast_in_dim3A_365] : memref<32x16xf32, #tpu.memory_space<vmem>>[vector<16xi32>, vector<16xi32>], vector<16xf32>,
      %add3A_367 = arith.addf %add3A_363, %gather3A_366 : vector<16xf32>
      %broadcast_in_dim3A_368 = arith.constant 9 : i32
      %broadcast_in_dim3A_369 = vector.broadcast %broadcast_in_dim3A_368 : i32 to vector<16xi32>
      %gather3A_370 = tpu.vector_load_idx %arg16[%add3A_329, %broadcast_in_dim3A_369] : memref<32x16xf32, #tpu.memory_space<vmem>>[vector<16xi32>, vector<16xi32>], vector<16xf32>,
      %add3A_371 = arith.addf %add3A_367, %gather3A_370 : vector<16xf32>
      %broadcast_in_dim3A_372 = arith.constant 10 : i32
      %broadcast_in_dim3A_373 = vector.broadcast %broadcast_in_dim3A_372 : i32 to vector<16xi32>
      %gather3A_374 = tpu.vector_load_idx %arg16[%add3A_329, %broadcast_in_dim3A_373] : memref<32x16xf32, #tpu.memory_space<vmem>>[vector<16xi32>, vector<16xi32>], vector<16xf32>,
      %add3A_375 = arith.addf %add3A_371, %gather3A_374 : vector<16xf32>
      %broadcast_in_dim3A_376 = arith.constant 11 : i32
      %broadcast_in_dim3A_377 = vector.broadcast %broadcast_in_dim3A_376 : i32 to vector<16xi32>
      %gather3A_378 = tpu.vector_load_idx %arg16[%add3A_329, %broadcast_in_dim3A_377] : memref<32x16xf32, #tpu.memory_space<vmem>>[vector<16xi32>, vector<16xi32>], vector<16xf32>,
      %add3A_379 = arith.addf %add3A_375, %gather3A_378 : vector<16xf32>
      %broadcast_in_dim3A_380 = arith.constant 12 : i32
      %broadcast_in_dim3A_381 = vector.broadcast %broadcast_in_dim3A_380 : i32 to vector<16xi32>
      %gather3A_382 = tpu.vector_load_idx %arg16[%add3A_329, %broadcast_in_dim3A_381] : memref<32x16xf32, #tpu.memory_space<vmem>>[vector<16xi32>, vector<16xi32>], vector<16xf32>,
      %add3A_383 = arith.addf %add3A_379, %gather3A_382 : vector<16xf32>
      %broadcast_in_dim3A_384 = arith.constant 13 : i32
      %broadcast_in_dim3A_385 = vector.broadcast %broadcast_in_dim3A_384 : i32 to vector<16xi32>
      %gather3A_386 = tpu.vector_load_idx %arg16[%add3A_329, %broadcast_in_dim3A_385] : memref<32x16xf32, #tpu.memory_space<vmem>>[vector<16xi32>, vector<16xi32>], vector<16xf32>,
      %add3A_387 = arith.addf %add3A_383, %gather3A_386 : vector<16xf32>
      %broadcast_in_dim3A_388 = arith.constant 14 : i32
      %broadcast_in_dim3A_389 = vector.broadcast %broadcast_in_dim3A_388 : i32 to vector<16xi32>
      %gather3A_390 = tpu.vector_load_idx %arg16[%add3A_329, %broadcast_in_dim3A_389] : memref<32x16xf32, #tpu.memory_space<vmem>>[vector<16xi32>, vector<16xi32>], vector<16xf32>,
      %add3A_391 = arith.addf %add3A_387, %gather3A_390 : vector<16xf32>
      %broadcast_in_dim3A_392 = arith.constant 15 : i32
      %broadcast_in_dim3A_393 = vector.broadcast %broadcast_in_dim3A_392 : i32 to vector<16xi32>
      %gather3A_394 = tpu.vector_load_idx %arg16[%add3A_329, %broadcast_in_dim3A_393] : memref<32x16xf32, #tpu.memory_space<vmem>>[vector<16xi32>, vector<16xi32>], vector<16xf32>,
      %add3A_395 = arith.addf %add3A_391, %gather3A_394 : vector<16xf32>
      %mul3A_396 = arith.constant 32 : i32
      %mul3A_397 = arith.muli %add3A_216, %mul3A_396 : i32
      %add3A_398 = arith.constant 16 : i32
      %add3A_399 = arith.addi %mul3A_397, %add3A_398 : i32
      %swap3A_400 = arith.index_cast %add3A_399 : i32 to index
      %swap3A_401 = tpu.vector_load %arg17[%swap3A_400] {strides = array<i32>} : memref<512xf32, #tpu.memory_space<vmem>>, vector<16xf32>,
      tpu.vector_store %arg17[%swap3A_400], %add3A_395 {strides = array<i32>} : memref<512xf32, #tpu.memory_space<vmem>>, vector<16xf32>,
      %scan3A_402 = arith.constant 0 : i32
      scf.yield %scan3A_402 : i32
    }
    %scan3A_28 = arith.constant 8 : i32
    "tpu.region"() ({
      %run_scoped3A = tpu.sem_alloc : memref<!tpu.dma_semaphore, #tpu.memory_space<semaphore_mem>>
      %dma_start3A_29 = tpu.memref_slice %arg8[%mul3A_2] : memref<16384xf32, #tpu.memory_space<hbm>> -> memref<512xf32, #tpu.memory_space<hbm>>
      %dma_start3A_30 = tpu.memref_slice %arg8[%mul3A_2] : memref<16384xf32, #tpu.memory_space<hbm>> -> memref<512xf32, #tpu.memory_space<hbm>>
      tpu.enqueue_dma source(%arg17 : memref<512xf32, #tpu.memory_space<vmem>>) target(%dma_start3A_30 : memref<512xf32, #tpu.memory_space<hbm>>) target_semaphore(%run_scoped3A : memref<!tpu.dma_semaphore, #tpu.memory_space<semaphore_mem>>)
      %dma_wait3A = tpu.memref_slice %arg8[%mul3A_2] : memref<16384xf32, #tpu.memory_space<hbm>> -> memref<512xf32, #tpu.memory_space<hbm>>
      %dma_wait3A_31 = tpu.memref_slice %arg8[%mul3A_2] : memref<16384xf32, #tpu.memory_space<hbm>> -> memref<512xf32, #tpu.memory_space<hbm>>
      tpu.wait_dma2 semaphore(%run_scoped3A : memref<!tpu.dma_semaphore, #tpu.memory_space<semaphore_mem>>) src(%arg17 : memref<512xf32, #tpu.memory_space<vmem>>) dst(%dma_wait3A_31 : memref<512xf32, #tpu.memory_space<hbm>>)
      tpu.yield
    }) : () -> ()
    return
  }
}

</mosaic_0001>

<sc_bundles>
// kernel: _sc_call.3.cloned.1.call-start
scs
__scs_entry_jumppad:
0x0: {  	(pc) =	sbr.rel $0x88, $3  }
0x1: {  	(tag) =	ssettag $0x0;
	lr =	simm.s32 $0x1  }
0x2: {  	[smem:$0x3F9B] =	sst lr;
	_ =	strace $0xD0000000  }
0x3: {  	_ = 	snop  }
0x4: {  	_ = 	snop  }
0x5: {  	_ = 	snop  }
0x6: {  	_ = 	snop  }
0x7: {  	_ = 	snop  }
__scs_overlays_trampoline_lowered:
0x8: {  	[smem:$0x3FAA] =	sst s0  }
0x9: {  	[smem:$0x3FAB] =	sst s1  }
0xa: {  	[smem:$0x3FAC] =	sst s2  }
0xb: {  	[smem:$0x3FAD] =	sst s3  }
0xc: {  	[smem:$0x3FAE] =	sst s4  }
0xd: {  	[smem:$0x3FAF] =	sst s5  }
0xe: {  	[smem:$0x3FB0] =	sst s6  }
0xf: {  	[smem:$0x3FB1] =	sst s7  }
0x10: {  	[smem:$0x3FB2] =	sst s8  }
0x11: {  	[smem:$0x3FB3] =	sst s9;
	s0 =	simm.s32 @!p0 $0x0  }
0x12: {  	s1 =	sld [smem:$0x3F99];
	s0 =	simm.s32 @p0 $0x1  }
0x13: {  	[smem:$0x3FB4] =	sst s0;
	s0 =	simm.s32 @!p1 $0x0  }
0x14: {  	s2 =	sld [smem:$0x3F98];
	s0 =	simm.s32 @p1 $0x1  }
0x15: {  	[smem:$0x3FB5] =	sst s0;
	s0 =	simm.s32 @!p2 $0x0  }
0x16: {  	s3 =	sld [smem:$0x3FDB];
	s0 =	simm.s32 @p2 $0x1  }
0x17: {  	s4 =	simm.s32 $0x1BF5;
	[smem:$0x3FB7] =	sst s0  }
0x18: {  	s0 =	sld [smem:$0x3F9A];
	_ =	swait.ge [sflag:s4], $0x0  }
0x19: {  	s7 =	sld [smem:$0x3F9B]  }
0x1a: {  	s8 =	sadd.s32 $0xFFFFE003, lr  }
0x1b: {  	s9 =	sadd.s32 $0xFFFFFEF7, lr;
	s5 =	simm.s32 $0xFFFFFFFF;
	p2 =	slt.u32 s8, $0xFFFFF086  }
0x1c: {  	p1 =	slt.u32 s9, $0xF7A;
	s5 =	simm.s32 @!p2 $0x0  }
0x1d: {  	s5 =	simm.s32 @p1 $0x1;
	p0 =	seq.s32 s7, s2  }
0x1e: {  	s7 =	smul.u32 @!p0 $0xF7A, s2;
	p2 =	seq.s32 @!p0 s5, $0x0  }
0x1f: {  	s9 =	smul.u32 $0xF7A, s1;
	s8 =	simm.s32 @!p0 $0x1BF5;
	p2 =	por !p2, p0  }
0x20: {  	[sflag:s8] =	ssyncset.s32 @!p0 $0xFFFFF086;
	s6 =	sadd.s32 @!p0 s3, s7;
	s7 =	simm.s32 @!p0 $0x108  }
0x21: {  	s3 =	sadd.s32 s3, s9;
	s6 =	sadd.s32 @!p0 $0x88, s6;
	s7 =	simm.s32 @p2 $0x1082  }
0x22: {  	[simem:s7], [sflag:s8] =	dma.local @!p0 [hbm:s6], $0xF7A  }
0x23: {  	s9 =	sor.u32 $0xD0000000, s2;
	s6 =	simm.s32 $0x108;
	_ =	swait.ge @!p0 [sflag:s8], $0x0  }
0x24: {  	s3 =	sadd.s32 $0x88, s3;
	s6 =	simm.s32 @!p1 $0x1082;
	[sflag:s4] =	ssyncset.s32 $0xFFFFF086  }
0x25: {  	[simem:s6], [sflag:s4] =	dma.local [hbm:s3], $0xF7A  }
0x26: {  	[smem:$0x3F9B] =	sst s1;
	(tag) =	ssettag s2;
	_ =	strace s9  }
0x27: {  	s1 =	sld [smem:$0x3FAB]  }
0x28: {  	s2 =	sld [smem:$0x3FAC]  }
0x29: {  	s4 =	sld [smem:$0x3FAE]  }
0x2a: {  	p0 =	seq.s32 s5, $0x0;
	s5 =	sld [smem:$0x3FAF]  }
0x2b: {  	s6 =	sld [smem:$0x3FB0]  }
0x2c: {  	s7 =	sld [smem:$0x3FB1]  }
0x2d: {  	s3 =	simm.s32 $0x108;
	s8 =	sld [smem:$0x3FB2]  }
0x2e: {  	s3 =	simm.s32 @!p0 $0x1082;
	s9 =	sld [smem:$0x3FB3]  }
0x2f: {  	lr =	sadd.s32 s0, s3;
	s0 =	sld [smem:$0x3FAA]  }
0x30: {  	s3 =	sld [smem:$0x3FAD]  }
0x31: {  	[smem:$0x3FB6] =	sst s10  }
0x32: {  	s10 =	sld [smem:$0x3FB4];
	_ =	sdelay $0x3  }
0x33: {  	p0 =	seq.s32 s10, $0x1;
	s10 =	sld [smem:$0x3FB6];
	_ =	sdelay $0x3  }
0x34: {  	[smem:$0x3FB6] =	sst s10  }
0x35: {  	s10 =	sld [smem:$0x3FB5];
	_ =	sdelay $0x3  }
0x36: {  	p1 =	seq.s32 s10, $0x1;
	s10 =	sld [smem:$0x3FB6];
	_ =	sdelay $0x3  }
0x37: {  	[smem:$0x3FB6] =	sst s10  }
0x38: {  	s10 =	sld [smem:$0x3FB7]  }
0x39: {  	_ = 	snop;
	(pc) =	sbr.ind lr, $3  }
0x3a: {  	_ = 	snop  }
0x3b: {  	_ = 	snop  }
0x3c: {  	p2 =	seq.s32 s10, $0x1;
	s10 =	sld [smem:$0x3FB6]  }
0x3d: {  	_ =	shalt  }
0x3e: {  	_ =	shalt  }
0x3f: {  	_ =	shalt  }
0x40: {  	_ =	shalt  }
0x41: {  	_ =	shalt  }
0x42: {  	_ =	shalt  }
0x43: {  	_ =	shalt  }
0x44: {  	_ =	shalt  }
0x45: {  	_ =	shalt  }
0x46: {  	_ =	shalt  }
0x47: {  	_ =	shalt  }
0x48: {  	_ =	shalt  }
0x49: {  	_ =	shalt  }
0x4a: {  	_ =	shalt  }
0x4b: {  	_ =	shalt  }
0x4c: {  	_ =	shalt  }
0x4d: {  	_ =	shalt  }
0x4e: {  	_ =	shalt  }
0x4f: {  	_ =	shalt  }
0x50: {  	_ =	shalt  }
0x51: {  	_ =	shalt  }
0x52: {  	_ =	shalt  }
0x53: {  	_ =	shalt  }
0x54: {  	_ =	shalt  }
0x55: {  	_ =	shalt  }
0x56: {  	_ =	shalt  }
0x57: {  	_ =	shalt  }
0x58: {  	_ =	shalt  }
0x59: {  	_ =	shalt  }
0x5a: {  	_ =	shalt  }
0x5b: {  	_ =	shalt  }
0x5c: {  	_ =	shalt  }
0x5d: {  	_ =	shalt  }
0x5e: {  	_ =	shalt  }
0x5f: {  	_ =	shalt  }
0x60: {  	_ =	shalt  }
0x61: {  	_ =	shalt  }
0x62: {  	_ =	shalt  }
0x63: {  	_ =	shalt  }
0x64: {  	_ =	shalt  }
0x65: {  	_ =	shalt  }
0x66: {  	_ =	shalt  }
0x67: {  	_ =	shalt  }
0x68: {  	_ =	shalt  }
0x69: {  	_ =	shalt  }
0x6a: {  	_ =	shalt  }
0x6b: {  	_ =	shalt  }
0x6c: {  	_ =	shalt  }
0x6d: {  	_ =	shalt  }
0x6e: {  	_ =	shalt  }
0x6f: {  	_ =	shalt  }
0x70: {  	_ =	shalt  }
0x71: {  	_ =	shalt  }
0x72: {  	_ =	shalt  }
0x73: {  	_ =	shalt  }
0x74: {  	_ =	shalt  }
0x75: {  	_ =	shalt  }
0x76: {  	_ =	shalt  }
0x77: {  	_ =	shalt  }
0x78: {  	_ =	shalt  }
0x79: {  	_ =	shalt  }
0x7a: {  	_ =	shalt  }
0x7b: {  	_ =	shalt  }
0x7c: {  	_ =	shalt  }
0x7d: {  	_ =	shalt  }
0x7e: {  	_ =	shalt  }
0x7f: {  	_ =	shalt  }
0x80: {  	_ =	shalt  }
0x81: {  	_ =	shalt  }
0x82: {  	_ =	shalt  }
0x83: {  	_ =	shalt  }
0x84: {  	_ =	shalt  }
0x85: {  	_ =	shalt  }
0x86: {  	_ =	shalt  }
0x87: {  	_ =	shalt  }
.Lfunc_end0:
.L_simem_size_0:
called_computation_lowered:
.L_overlay_start_0:
0x88: {  	s2 =	sld [smem:$0x3FD9]  }
0x89: {  	s3 =	sld [smem:$0x3FFE];
	_ =	sdelay $0x1  }
0x8a: {  	s1 =	srdreg.scid  }
0x8b: {  	s0 =	sand.u32 $0x1, s1  }
0x8c: {  	s18 =	sshll.u32 s0, $0xA;
	s2 =	sadd.s32 s3, s2  }
0x8d: {  	s2 =	sadd.s32 s2, s18  }
0x8e: {  	[smem:$0x3FC2] =	sst s2  }
0x8f: {  	_ = 	snop  }
0x90: {  	s2 =	sld [smem:$0x3FC9]  }
0x91: {  	s19 =	sld [smem:$0x3FC8]  }
0x92: {  	s4 =	sld [smem:$0x3FC7]  }
0x93: {  	s5 =	sld [smem:$0x3FC6]  }
0x94: {  	s6 =	sld [smem:$0x3FC5]  }
0x95: {  	s7 =	sld [smem:$0x3FC4]  }
0x96: {  	s8 =	sld [smem:$0x3FD0];
	(tm) =	ssettm $0x1  }
0x97: {  	s9 =	sld [smem:$0x3FFB];
	_ =	sdelay $0x3  }
0x98: {  	_ =	strace s9  }
0x99: {  	s9 =	sld [smem:$0x3FFC];
	_ =	sdelay $0x3  }
0x9a: {  	_ =	strace s9  }
0x9b: {  	s9 =	sld [smem:$0x3FFD];
	_ =	sdelay $0x3  }
0x9c: {  	_ =	strace s9  }
0x9d: {  	_ =	strace $0x8FFFFFFF  }
0x9e: {  	s20 =	sld [smem:$0x3FDB];
	_ =	sdelay $0x1  }
0x9f: {  	s10 =	simm.s32 $_scs_section_size  }
0xa0: {  	s11 =	simm.s32 $_size__tile_overlayer_lowered;
	s12 =	simm.s32 $_tile_overlayer_lowered  }
0xa1: {  	s23 =	simm.s32 $0x1BFF;
	s22 =	sshll.u32 s12, $0x1;
	s9 =	sadd.s32 s10, s20  }
0xa2: {  	s13 =	simm.s32 $0x0;
	s21 =	sshll.u32 s11, $0x1;
	s11 =	sadd.s32 s22, s9  }
0xa3: {  	[timem:s13], [sflag:s23] =	dma.local [hbm:s11], s21  }
0xa4: {  	_ =	swait.ge [sflag:s23], s21  }
0xa5: {  	s10 =	ssub.s32 $0x0, s21;
	[sflag:s23] =	ssyncset.done $0x0  }
0xa6: {  	[sflag:s23] =	ssyncadd.s32 s10;
	_ =	sdelay $0x1  }
0xa7: {  	s24 =	simm.s32 $0x1B8B  }
0xa8: {  	_ =	swait.ge [sflag:s24], $0x1  }
0xa9: {  	[sflag:s24] =	ssyncset.done $0x0  }
0xaa: {  	s25 =	simm.s32 $0x1B8E;
	[sflag:s24] =	ssyncadd.s32 $0xFFFFFFFF  }
0xab: {  	s26 =	simm.s32 $execute0_lowered;
	[smem:$0x3FD2] =	sst s25  }
0xac: {  	s10 =	sshll.u32 s26, $0x1;
	_ =	strace $0x80000046;
	[dreg:$0x1] =	wrdreg $0xFFFFFFFF  }
0xad: {  	s28 =	simm.s32 $_size_execute0_lowered;
	s9 =	sadd.s32 s9, s10;
	[dreg:$0x0] =	wrdreg $0x0  }
0xae: {  	s10 =	sshll.u32 s28, $0x1;
	[dreg:$0x2] =	wrdreg s9  }
0xaf: {  	[dreg:$0x3] =	wrdreg s10  }
0xb0: {  	[dreg:$0x4] =	wrdreg $0xC0  }
0xb1: {  	_ =	task [dreg:s13], $0x5FFFF  }
0xb2: {  	[dreg:$0x1] =	wrdreg $0xFFFFFFFF  }
0xb3: {  	[dreg:$0x0] =	wrdreg $0x60  }
0xb4: {  	[dreg:$0x2] =	wrdreg s2  }
0xb5: {  	[dreg:$0x3] =	wrdreg s19  }
0xb6: {  	[dreg:$0x4] =	wrdreg s4  }
0xb7: {  	[dreg:$0x5] =	wrdreg s5  }
0xb8: {  	[dreg:$0x6] =	wrdreg s6  }
0xb9: {  	[dreg:$0x7] =	wrdreg s7  }
0xba: {  	[dreg:$0x8] =	wrdreg s8  }
0xbb: {  	[dreg:$0x9] =	wrdreg $0x9  }
0xbc: {  	_ =	task.clear_ibuf [dreg:s13], $0xAFFFF;
	_ =	strace $0x90000046  }
0xbd: {  	s29 =	simm.s32 $0x9;
	_ =	strace $0x80000048  }
0xbe: {  	_ =	swait.ge [sflag:s29], $0x1  }
0xbf: {  	[sflag:s29] =	ssyncadd.s32 $0xFFFFFFFF  }
0xc0: {  	_ =	strace $0x90000048  }
0xc1: {  	_ =	sfence  }
0xc2: {  	s30 =	sld [smem:$0x0];
	_ =	sdelay $0x2  }
0xc3: {  	s31 =	sshll.u32 s1, $0xD;
	s1 =	sshrl.u32 s1, $0x2  }
0xc4: {  	s3 =	sand.u32 $0x4000, s31;
	s1 =	sadd.s32 s1, s30  }
0xc5: {  	s0 =	sor.u32 s3, s0;
	s1 =	sshll.u32 s1, $0x11  }
0xc6: {  	s0 =	sor.u32 s1, s0  }
0xc7: {  	s0 =	sadd.s32 $0x8F2B, s0  }
0xc8: {  	[sflag:s0] =	ssyncadd.remote.s32 $0x1  }
0xc9: {  	_ =	sfence.sel $0xFFFF  }
0xca: {  	[dreg:$0x0] =	wrdreg $0xFFFFFFFF;
	(pc) =	sbr.abs _section_cstart, $3  }
0xcb: {  	[dreg:$0x1] =	wrdreg $0xFFFFFFFF  }
0xcc: {  	_ =	task.clear_ibuf [dreg:s13], $0x2FFFF;
	_ =	strace $0x9FFFFFFF  }
0xcd: {  	(tm) =	ssettm $0x7FFFFFFF  }
tec
execute0_lowered:
.L_overlay_start_1:
0x0: {  	(tag) =	ssettag $0x1  }
0x1: {  	s0 =	rddreg [dreg:$0x0]  }
0x2: {  	s1 =	rddreg [dreg:$0x1]  }
0x3: {  	s2 =	rddreg [dreg:$0x2]  }
0x4: {  	s3 =	rddreg [dreg:$0x3]  }
0x5: {  	s4 =	rddreg [dreg:$0x4]  }
0x6: {  	s5 =	rddreg [dreg:$0x5];
	s6 =	srdreg.scid  }
0x7: {  	s9 =	stileid.u32;
	s7 =	rddreg [dreg:$0x6];
	s21 =	simm.s32 $0x0  }
0x8: {  	s24 =	simm.s32 $0x5;
	s18 =	simm.s32 $0x20;
	s17 =	simm.s32 $0x12600  }
0x9: {  	s19 =	simm.s32 $0x12E00;
	s20 =	simm.s32 $0x13600;
	s12 =	simm.s32 $0x1  }
0xa: {  	s13 =	simm.s32 $0x3;
	s14 =	simm.s32 $0x14600;
	s15 =	simm.s32 $0x2  }
0xb: {  	s16 =	simm.s32 $0x4;
	s22 =	simm.s32 $0x0;
	s6 =	sand.u32 $0x1, s6  }
0xc: {  	s8 =	sshll.u32 s9, $0x1;
	s9 =	sshll.u32 s9, $0x7;
	[smem:$0x7FF] =	sst s21  }
0xd: {  	s8 =	sor.u32 s6, s8;
	s6 =	ssub.s32 $0x2, s6;
	_ =	strace $0x80000047  }
0xe: {  	v0 =	vlaneseq.u32;
	s10 =	sshll.u32 s8, $0x4;
	s11 =	sshrl.u32 s6, $0x1;
	s30 =	sshll.u32 s8, $0x6  }
0xf: {  	vm0 =	vmmov $0xffff;
	v4 =	vimm.s32 $0x0;
	v5 =	vimm.s32 $0x1;
	s8 =	simm.s32 $0x3600;
	s9 =	sor.u32 s9, s10;
	s6 =	ssub.s32 s6, s11  }
0x10: {  	v6 =	vimm.s32 $0x2;
	v7 =	vimm.s32 $0x3;
	v8 =	vimm.s32 $0x4;
	s10 =	sadd.s32 $0x200, s1;
	s9 =	sand.u32 $0x670, s9;
	s31 =	smax.u32 s6, $0x1  }
0x11: {  	v9 =	vimm.s32 $0x5;
	v10 =	vimm.s32 $0x6;
	v11 =	vimm.s32 $0x7;
	s11 =	sadd.s32 $0x300, s1;
	s3 =	sadd.s32 s3, s9;
	[dreg:$0xc] =	wrdreg s31  }
0x12: {  	v12 =	vimm.s32 $0x8;
	v13 =	vimm.s32 $0x9;
	v14 =	vimm.s32 $0xA;
	s6 =	simm.s32 $0x13E00;
	s28 =	sadd.s32 s4, s9;
	[dreg:$0x8] =	wrdreg s3  }
0x13: {  	v15 =	vimm.s32 $0xB;
	v16 =	vimm.s32 $0xC;
	v1 =	vand.u32 $0x7, v0;
	s29 =	sadd.s32 s5, s9;
	s9 =	sadd.s32 $0x100, s1;
	[dreg:$0x9] =	wrdreg s28  }
0x14: {  	v17 =	vimm.s32 $0xD;
	v2 =	vshrl.u32 v0, $0x3;
	v0 =	vor.u32 $0x8, v0;
	[tilespmem:$0x1FFE0] =	vst v1;
	s4 =	simm.s32 $0x11600;
	[dreg:$0xa] =	wrdreg s29;
	s3 =	sadd.s32 s7, s30  }
0x15: {  	v18 =	vimm.s32 $0xE;
	v19 =	vimm.s32 $0xF;
	v2 =	vmul.u32 $0x8, v2;
	[tilespmem:$0x1FFF0] =	vst v0;
	s7 =	simm.s32 $0x1600;
	[dreg:$0xb] =	wrdreg s3;
	s3 =	simm.s32 $0x11E00  }
.LBB2_1:
0x16: {  	[dreg:$0xd] =	wrdreg s22  }
0x17: {  	s5 =	rddreg [dreg:$0x8];
	s26 =	simm.s32 $0x80;
	s23 =	simm.s32 $0x400  }
0x18: {  	[tilespmem:s21], [sflag:$0x5] =	stream.strided.gather [hbm4b:s5+s26], $0x200, s23, s26, $0x38;
	[tilespmem:$0x15800] =	vst v63  }
0x19: {  	_ =	swait.ge [sflag:s24], $0x200  }
0x1a: {  	[sflag:s24] =	ssyncset.done $0x0  }
0x1b: {  	s25 =	simm.s32 $0x200;
	s28 =	rddreg [dreg:$0x9];
	[sflag:s24] =	ssyncadd.s32 $0xFFFFFE00  }
0x1c: {  	[tilespmem:s25], [sflag:$0x5] =	stream.strided.gather [hbm4b:s28+s26], $0x200, s23, s26, $0x38;
	[tilespmem:$0x15800] =	vst v63  }
0x1d: {  	_ =	swait.ge [sflag:s24], $0x200  }
0x1e: {  	[sflag:s24] =	ssyncset.done $0x0  }
0x1f: {  	s29 =	rddreg [dreg:$0xa];
	[sflag:s24] =	ssyncadd.s32 $0xFFFFFE00  }
0x20: {  	[tilespmem:s23], [sflag:$0x5] =	stream.strided.gather [hbm4b:s29+s26], $0x200, s23, s26, $0x38;
	[tilespmem:$0x15800] =	vst v63  }
0x21: {  	_ =	swait.ge [sflag:s24], $0x200  }
0x22: {  	[sflag:s24] =	ssyncset.done $0x0  }
0x23: {  	[sflag:s24] =	ssyncadd.s32 $0xFFFFFE00  }
0x24: {  	v20 =	vld [tilespmem:$0x200];
	_ =	sdelay $0x2  }
0x25: {  	v0 =	vld [tilespmem:$0x1FFE0];
	_ =	sdelay $0x1  }
0x26: {  	v21 =	vshll.u32 v20, $0x3  }
0x27: {  	v20 =	vand.u32 $0x7, v20;
	v21 =	vand.u32 $0xFFFFFFC0, v21  }
0x28: {  	v20 =	vor.u32 v20, v21  }
0x29: {  	v21 =	vperm.xlane v20, v0;
	_ =	sdelay $0x1  }
0x2a: {  	v21 =	vadd.s32 v2, v21  }
0x2b: {  	v1 =	vld [tilespmem:$0x1FFF0];
	_ =	sdelay $0x2  }
0x2c: {  	s30 =	simm.s32 $0x4600  }
0x2d: {  	[tilespmem:s30], [sflag:$0x1] =	stream.indirect_vreg.gather [hbm4b:s1+s21], $0x80, v21, vm0, $0xb8;
	[tilespmem:$0x15800] =	vst v63  }
0x2e: {  	s31 =	simm.s32 $0x4E00;
	v20 =	vperm.xlane v20, v1  }
0x2f: {  	[tilespmem:s31], [sflag:$0x1] =	stream.indirect_vreg.gather [hbm4b:s9+s21], $0x80, v21, vm0, $0xb8;
	[tilespmem:$0x15800] =	vst v63  }
0x30: {  	s22 =	simm.s32 $0x5600;
	v20 =	vadd.s32 v2, v20  }
0x31: {  	[tilespmem:s22], [sflag:$0x1] =	stream.indirect_vreg.gather [hbm4b:s10+s21], $0x80, v21, vm0, $0xb8;
	[tilespmem:$0x15800] =	vst v63  }
0x32: {  	s24 =	simm.s32 $0x5E00  }
0x33: {  	[tilespmem:s24], [sflag:$0x1] =	stream.indirect_vreg.gather [hbm4b:s11+s21], $0x80, v21, vm0, $0xb8;
	[tilespmem:$0x15800] =	vst v63  }
0x34: {  	s25 =	simm.s32 $0x6600  }
0x35: {  	[tilespmem:s25], [sflag:$0x1] =	stream.indirect_vreg.gather [hbm4b:s1+s21], $0x80, v20, vm0, $0xb8;
	[tilespmem:$0x15800] =	vst v63  }
0x36: {  	s26 =	simm.s32 $0x6E00  }
0x37: {  	[tilespmem:s26], [sflag:$0x1] =	stream.indirect_vreg.gather [hbm4b:s9+s21], $0x80, v20, vm0, $0xb8;
	[tilespmem:$0x15800] =	vst v63  }
0x38: {  	s28 =	simm.s32 $0x7600  }
0x39: {  	[tilespmem:s28], [sflag:$0x1] =	stream.indirect_vreg.gather [hbm4b:s10+s21], $0x80, v20, vm0, $0xb8;
	[tilespmem:$0x15800] =	vst v63  }
0x3a: {  	s29 =	simm.s32 $0x7E00  }
0x3b: {  	[tilespmem:s29], [sflag:$0x1] =	stream.indirect_vreg.gather [hbm4b:s11+s21], $0x80, v20, vm0, $0xb8;
	[tilespmem:$0x15800] =	vst v63  }
0x3c: {  	v20 =	vld [tilespmem:$0x210];
	_ =	sdelay $0x4  }
0x3d: {  	v63 =	vshll.u32 v20, $0x3  }
0x3e: {  	v20 =	vand.u32 $0x7, v20;
	v21 =	vand.u32 $0xFFFFFFC0, v63  }
0x3f: {  	v20 =	vor.u32 v20, v21  }
0x40: {  	v21 =	vperm.xlane v20, v0;
	_ =	sdelay $0x1  }
0x41: {  	v21 =	vadd.s32 v2, v21;
	_ =	sdelay $0x3  }
0x42: {  	s30 =	simm.s32 $0x8600  }
0x43: {  	[tilespmem:s30], [sflag:$0x1] =	stream.indirect_vreg.gather [hbm4b:s1+s21], $0x80, v21, vm0, $0xb8;
	[tilespmem:$0x15800] =	vst v63  }
0x44: {  	s31 =	simm.s32 $0x8E00;
	v20 =	vperm.xlane v20, v1  }
0x45: {  	[tilespmem:s31], [sflag:$0x1] =	stream.indirect_vreg.gather [hbm4b:s9+s21], $0x80, v21, vm0, $0xb8;
	[tilespmem:$0x15800] =	vst v63  }
0x46: {  	s22 =	simm.s32 $0x9600;
	v20 =	vadd.s32 v2, v20  }
0x47: {  	[tilespmem:s22], [sflag:$0x1] =	stream.indirect_vreg.gather [hbm4b:s10+s21], $0x80, v21, vm0, $0xb8;
	[tilespmem:$0x15800] =	vst v63  }
0x48: {  	s24 =	simm.s32 $0x9E00  }
0x49: {  	[tilespmem:s24], [sflag:$0x1] =	stream.indirect_vreg.gather [hbm4b:s11+s21], $0x80, v21, vm0, $0xb8;
	[tilespmem:$0x15800] =	vst v63  }
0x4a: {  	s25 =	simm.s32 $0xA600  }
0x4b: {  	[tilespmem:s25], [sflag:$0x1] =	stream.indirect_vreg.gather [hbm4b:s1+s21], $0x80, v20, vm0, $0xb8;
	[tilespmem:$0x15800] =	vst v63  }
0x4c: {  	s26 =	simm.s32 $0xAE00  }
0x4d: {  	[tilespmem:s26], [sflag:$0x1] =	stream.indirect_vreg.gather [hbm4b:s9+s21], $0x80, v20, vm0, $0xb8;
	[tilespmem:$0x15800] =	vst v63  }
0x4e: {  	s28 =	simm.s32 $0xB600  }
0x4f: {  	[tilespmem:s28], [sflag:$0x1] =	stream.indirect_vreg.gather [hbm4b:s10+s21], $0x80, v20, vm0, $0xb8;
	[tilespmem:$0x15800] =	vst v63  }
0x50: {  	s29 =	simm.s32 $0xBE00  }
0x51: {  	[tilespmem:s29], [sflag:$0x1] =	stream.indirect_vreg.gather [hbm4b:s11+s21], $0x80, v20, vm0, $0xb8;
	[tilespmem:$0x15800] =	vst v63  }
0x52: {  	s30 =	simm.s32 $0x600  }
0x53: {  	[tilespmem:s30], [sflag:$0x3] =	stream.indirect.gather [hbm4b:s0+s18], $0x80, s21, s18, $0xb8;
	[tilespmem:$0x15800] =	vst v63  }
0x54: {  	s5 =	simm.s32 $0x0;
	s31 =	simm.s32 $0x2600  }
0x55: {  	[tilespmem:s31], [sflag:$0x3] =	stream.indirect.gather [hbm4b:s2+s18], $0x80, s23, s18, $0xb8;
	[tilespmem:$0x15800] =	vst v63  }
.LBB2_2:
0x56: {  	s22 =	sshll.u32 s5, $0x6  }
0x57: {  	v20 =	vld [tilespmem:s22+$0x220];
	_ =	sdelay $0x2  }
0x58: {  	v0 =	vld [tilespmem:$0x1FFE0];
	_ =	sdelay $0x1  }
0x59: {  	v21 =	vshll.u32 v20, $0x3  }
0x5a: {  	v20 =	vand.u32 $0x7, v20;
	v21 =	vand.u32 $0xFFFFFFC0, v21  }
0x5b: {  	v20 =	vor.u32 v20, v21  }
0x5c: {  	v21 =	vperm.xlane v20, v0;
	_ =	sdelay $0x1  }
0x5d: {  	v21 =	vadd.s32 v2, v21  }
0x5e: {  	v1 =	vld [tilespmem:$0x1FFF0];
	_ =	sdelay $0x2  }
0x5f: {  	s23 =	simm.s32 $0x0;
	s21 =	simm.s32 $0xC600  }
0x60: {  	[tilespmem:s21], [sflag:$0x2] =	stream.indirect_vreg.gather [hbm4b:s1+s23], $0x80, v21, vm0, $0xb8;
	[tilespmem:$0x15800] =	vst v63  }
0x61: {  	s26 =	simm.s32 $0xCE00;
	v20 =	vperm.xlane v20, v1  }
0x62: {  	[tilespmem:s26], [sflag:$0x2] =	stream.indirect_vreg.gather [hbm4b:s9+s23], $0x80, v21, vm0, $0xb8;
	[tilespmem:$0x15800] =	vst v63  }
0x63: {  	s31 =	simm.s32 $0xD600;
	v20 =	vadd.s32 v2, v20  }
0x64: {  	[tilespmem:s31], [sflag:$0x2] =	stream.indirect_vreg.gather [hbm4b:s10+s23], $0x80, v21, vm0, $0xb8;
	[tilespmem:$0x15800] =	vst v63  }
0x65: {  	s24 =	simm.s32 $0xDE00  }
0x66: {  	[tilespmem:s24], [sflag:$0x2] =	stream.indirect_vreg.gather [hbm4b:s11+s23], $0x80, v21, vm0, $0xb8;
	[tilespmem:$0x15800] =	vst v63  }
0x67: {  	s25 =	simm.s32 $0xE600  }
0x68: {  	[tilespmem:s25], [sflag:$0x2] =	stream.indirect_vreg.gather [hbm4b:s1+s23], $0x80, v20, vm0, $0xb8;
	[tilespmem:$0x15800] =	vst v63  }
0x69: {  	s26 =	simm.s32 $0xEE00  }
0x6a: {  	[tilespmem:s26], [sflag:$0x2] =	stream.indirect_vreg.gather [hbm4b:s9+s23], $0x80, v20, vm0, $0xb8;
	[tilespmem:$0x15800] =	vst v63  }
0x6b: {  	s31 =	simm.s32 $0xF600  }
0x6c: {  	[tilespmem:s31], [sflag:$0x2] =	stream.indirect_vreg.gather [hbm4b:s10+s23], $0x80, v20, vm0, $0xb8;
	[tilespmem:$0x15800] =	vst v63  }
0x6d: {  	s24 =	simm.s32 $0xFE00  }
0x6e: {  	[tilespmem:s24], [sflag:$0x2] =	stream.indirect_vreg.gather [hbm4b:s11+s23], $0x80, v20, vm0, $0xb8;
	[tilespmem:$0x15800] =	vst v63  }
0x6f: {  	v20 =	vld [tilespmem:s22+$0x230];
	_ =	sdelay $0x4  }
0x70: {  	v21 =	vshll.u32 v20, $0x3  }
0x71: {  	v20 =	vand.u32 $0x7, v20;
	v21 =	vand.u32 $0xFFFFFFC0, v21  }
0x72: {  	v20 =	vor.u32 v20, v21  }
0x73: {  	v21 =	vperm.xlane v20, v0;
	_ =	sdelay $0x1  }
0x74: {  	v21 =	vadd.s32 v2, v21;
	_ =	sdelay $0x3  }
0x75: {  	s25 =	simm.s32 $0x10600  }
0x76: {  	[tilespmem:s25], [sflag:$0x2] =	stream.indirect_vreg.gather [hbm4b:s1+s23], $0x80, v21, vm0, $0xb8;
	[tilespmem:$0x15800] =	vst v63  }
0x77: {  	s26 =	simm.s32 $0x10E00;
	v20 =	vperm.xlane v20, v1  }
0x78: {  	[tilespmem:s26], [sflag:$0x2] =	stream.indirect_vreg.gather [hbm4b:s9+s23], $0x80, v21, vm0, $0xb8;
	[tilespmem:$0x15800] =	vst v63  }
0x79: {  	v20 =	vadd.s32 v2, v20  }
0x7a: {  	[tilespmem:s4], [sflag:$0x2] =	stream.indirect_vreg.gather [hbm4b:s10+s23], $0x80, v21, vm0, $0xb8;
	[tilespmem:$0x15800] =	vst v63  }
0x7b: {  	_ = 	snop  }
0x7c: {  	[tilespmem:s3], [sflag:$0x2] =	stream.indirect_vreg.gather [hbm4b:s11+s23], $0x80, v21, vm0, $0xb8;
	[tilespmem:$0x15800] =	vst v63  }
0x7d: {  	_ = 	snop  }
0x7e: {  	[tilespmem:s17], [sflag:$0x2] =	stream.indirect_vreg.gather [hbm4b:s1+s23], $0x80, v20, vm0, $0xb8;
	[tilespmem:$0x15800] =	vst v63  }
0x7f: {  	_ = 	snop  }
0x80: {  	[tilespmem:s19], [sflag:$0x2] =	stream.indirect_vreg.gather [hbm4b:s9+s23], $0x80, v20, vm0, $0xb8;
	[tilespmem:$0x15800] =	vst v63  }
0x81: {  	_ = 	snop  }
0x82: {  	[tilespmem:s20], [sflag:$0x2] =	stream.indirect_vreg.gather [hbm4b:s10+s23], $0x80, v20, vm0, $0xb8;
	[tilespmem:$0x15800] =	vst v63  }
0x83: {  	_ = 	snop  }
0x84: {  	[tilespmem:s6], [sflag:$0x2] =	stream.indirect_vreg.gather [hbm4b:s11+s23], $0x80, v20, vm0, $0xb8;
	[tilespmem:$0x15800] =	vst v63  }
0x85: {  	s21 =	sor.u32 $0x20, s22  }
0x86: {  	[tilespmem:s7], [sflag:$0x4] =	stream.indirect.gather [hbm4b:s0+s18], $0x80, s21, s18, $0xb8;
	[tilespmem:$0x15800] =	vst v63  }
0x87: {  	s24 =	sadd.s32 $0x420, s22  }
0x88: {  	[tilespmem:s8], [sflag:$0x4] =	stream.indirect.gather [hbm4b:s2+s18], $0x80, s24, s18, $0xb8;
	[tilespmem:$0x15800] =	vst v63  }
0x89: {  	_ =	swait.ge [sflag:s12], $0x8000  }
0x8a: {  	[sflag:s12] =	ssyncset.done $0x0  }
0x8b: {  	[sflag:s12] =	ssyncadd.s32 $0xFFFF8000  }
0x8c: {  	_ =	swait.ge [sflag:s13], $0x1000  }
0x8d: {  	[sflag:s13] =	ssyncset.done $0x0  }
0x8e: {  	[sflag:s13] =	ssyncadd.s32 $0xFFFFF000  }
0x8f: {  	_ =	swait.ge [sflag:s13], $0x1000  }
0x90: {  	s31 =	sand.u32 $0x6000, s23;
	s25 =	sand.u32 $0x380, s23;
	[sflag:s13] =	ssyncset.done $0x0  }
0x91: {  	s24 =	sor.u32 s25, s31;
	[sflag:s13] =	ssyncadd.s32 $0xFFFFF000  }
0x92: {  	s26 =	simm.s32 $0x2630;
	v21 =	vld [tilespmem:s24+$0x5260]  }
0x93: {  	v22 =	vld [tilespmem:s26+$0xFFFFFFF0]  }
0x94: {  	v20 =	vld [tilespmem:s24+$0x4600]  }
0x95: {  	v23 =	vld [tilespmem:s24+$0x4610]  }
0x96: {  	v24 =	vld [tilespmem:s24+$0x4620]  }
0x97: {  	v25 =	vld [tilespmem:s24+$0x4630]  }
0x98: {  	v27 =	vld [tilespmem:s24+$0x4640];
	v26 =	vperm.xlane v22, v4  }
0x99: {  	v29 =	vld [tilespmem:s24+$0x4650];
	v28 =	vperm.xlane v22, v5  }
0x9a: {  	v53 =	vld [tilespmem:s24+$0x4660];
	v20 =	vmul.f32 v20, v26;
	v23 =	vmul.f32 v23, v26  }
0x9b: {  	v31 =	vld [tilespmem:s24+$0x4670];
	v30 =	vperm.xlane v22, v6;
	v24 =	vmul.f32 v24, v28  }
0x9c: {  	v54 =	vld [tilespmem:s24+$0x4A00];
	v25 =	vmul.f32 v25, v28;
	v20 =	vadd.f32 $0.0e+00, v20;
	v23 =	vadd.f32 $0.0e+00, v23  }
0x9d: {  	v33 =	vld [tilespmem:s24+$0x4A10];
	v32 =	vperm.xlane v22, v7;
	v27 =	vmul.f32 v27, v30  }
0x9e: {  	v58 =	vld [tilespmem:s24+$0x4A30];
	v55 =	vmul.f32 v29, v30;
	v20 =	vadd.f32 v24, v20;
	v23 =	vadd.f32 v25, v23  }
0x9f: {  	v56 =	vld [tilespmem:s24+$0x4A20];
	v57 =	vperm.xlane v22, v8;
	v26 =	vmul.f32 v53, v32  }
0xa0: {  	v62 =	vld [tilespmem:s24+$0x4A50];
	v59 =	vmul.f32 v31, v32;
	v20 =	vadd.f32 v27, v20;
	v23 =	vadd.f32 v55, v23  }
0xa1: {  	v60 =	vld [tilespmem:s24+$0x4A40];
	v61 =	vperm.xlane v22, v9;
	v28 =	vmul.f32 v54, v57  }
0xa2: {  	v38 =	vld [tilespmem:s24+$0x4A70];
	v63 =	vmul.f32 v33, v57;
	v20 =	vadd.f32 v26, v20;
	v23 =	vadd.f32 v59, v23  }
0xa3: {  	v36 =	vld [tilespmem:s24+$0x4A60];
	v37 =	vperm.xlane v22, v10;
	v39 =	vmul.f32 v58, v61  }
0xa4: {  	v42 =	vld [tilespmem:s24+$0x4E10];
	v25 =	vmul.f32 v56, v61;
	v20 =	vadd.f32 v28, v20;
	v23 =	vadd.f32 v63, v23  }
0xa5: {  	v40 =	vld [tilespmem:s24+$0x4E00];
	v41 =	vperm.xlane v22, v11;
	v43 =	vmul.f32 v62, v37  }
0xa6: {  	v46 =	vld [tilespmem:s24+$0x4E30];
	v27 =	vmul.f32 v60, v37;
	v20 =	vadd.f32 v25, v20;
	v23 =	vadd.f32 v39, v23  }
0xa7: {  	v44 =	vld [tilespmem:s24+$0x4E20];
	v45 =	vperm.xlane v22, v12;
	v47 =	vmul.f32 v38, v41  }
0xa8: {  	v50 =	vld [tilespmem:s24+$0x4E50];
	v26 =	vmul.f32 v36, v41;
	v20 =	vadd.f32 v27, v20;
	v23 =	vadd.f32 v43, v23  }
0xa9: {  	v48 =	vld [tilespmem:s24+$0x4E40];
	v49 =	vperm.xlane v22, v13;
	v51 =	vmul.f32 v42, v45  }
0xaa: {  	v54 =	vld [tilespmem:s24+$0x4E70];
	v28 =	vmul.f32 v40, v45;
	v20 =	vadd.f32 v26, v20;
	v23 =	vadd.f32 v47, v23  }
0xab: {  	v52 =	vld [tilespmem:s24+$0x4E60];
	v53 =	vperm.xlane v22, v14;
	v55 =	vmul.f32 v46, v49  }
0xac: {  	v58 =	vld [tilespmem:s24+$0x5210];
	v25 =	vmul.f32 v44, v49;
	v20 =	vadd.f32 v28, v20;
	v23 =	vadd.f32 v51, v23  }
0xad: {  	v57 =	vperm.xlane v22, v15;
	v56 =	vld [tilespmem:s24+$0x5200];
	v59 =	vmul.f32 v50, v53  }
0xae: {  	v62 =	vld [tilespmem:s24+$0x5230];
	v27 =	vmul.f32 v48, v53;
	v20 =	vadd.f32 v25, v20;
	v23 =	vadd.f32 v55, v23  }
0xaf: {  	v61 =	vperm.xlane v22, v16;
	v60 =	vld [tilespmem:s24+$0x5220];
	v63 =	vmul.f32 v54, v57  }
0xb0: {  	v36 =	vld [tilespmem:s24+$0x5240];
	v26 =	vmul.f32 v52, v57;
	v27 =	vadd.f32 v27, v20;
	v23 =	vadd.f32 v59, v23  }
0xb1: {  	v34 =	vld [tilespmem:s24+$0x5250];
	v37 =	vperm.xlane v22, v17;
	v38 =	vmul.f32 v58, v61  }
0xb2: {  	v28 =	vmul.f32 v56, v61;
	v20 =	vld [tilespmem:s26+$0x0];
	v26 =	vadd.f32 v26, v27;
	v23 =	vadd.f32 v63, v23  }
0xb3: {  	v41 =	vmul.f32 v62, v37;
	v40 =	vld [tilespmem:s24+$0x5270];
	v39 =	vperm.xlane v22, v18  }
0xb4: {  	v42 =	vld [tilespmem:s24+$0x5600];
	v25 =	vmul.f32 v60, v37;
	v26 =	vadd.f32 v28, v26;
	v23 =	vadd.f32 v38, v23  }
0xb5: {  	v22 =	vperm.xlane v22, v19;
	v30 =	vmul.f32 v36, v39;
	v43 =	vld [tilespmem:s24+$0x5610]  }
0xb6: {  	v45 =	vld [tilespmem:s24+$0x5620];
	v44 =	vmul.f32 v34, v39;
	v25 =	vadd.f32 v25, v26;
	v23 =	vadd.f32 v41, v23  }
0xb7: {  	v21 =	vmul.f32 v21, v22;
	v47 =	vld [tilespmem:s24+$0x5630];
	v46 =	vperm.xlane v20, v4  }
0xb8: {  	v48 =	vld [tilespmem:s24+$0x5640];
	v22 =	vmul.f32 v40, v22;
	v25 =	vadd.f32 v30, v25;
	v23 =	vadd.f32 v44, v23  }
0xb9: {  	v50 =	vld [tilespmem:s24+$0x5650];
	v49 =	vperm.xlane v20, v5;
	v28 =	vmul.f32 v42, v46  }
0xba: {  	v51 =	vld [tilespmem:s24+$0x5660];
	v21 =	vadd.f32 v21, v25;
	v22 =	vadd.f32 v22, v23;
	v23 =	vmul.f32 v43, v46  }
0xbb: {  	v53 =	vld [tilespmem:s24+$0x5670];
	v52 =	vperm.xlane v20, v6;
	v26 =	vmul.f32 v45, v49  }
0xbc: {  	v54 =	vld [tilespmem:s24+$0x5A00];
	v21 =	vadd.f32 v28, v21;
	v22 =	vadd.f32 v23, v22;
	v23 =	vmul.f32 v47, v49  }
0xbd: {  	v56 =	vld [tilespmem:s24+$0x5A10];
	v55 =	vperm.xlane v20, v7;
	v24 =	vmul.f32 v48, v52  }
0xbe: {  	v57 =	vld [tilespmem:s24+$0x5A20];
	v21 =	vadd.f32 v26, v21;
	v22 =	vadd.f32 v23, v22;
	v23 =	vmul.f32 v50, v52  }
0xbf: {  	v59 =	vld [tilespmem:s24+$0x5A30];
	v58 =	vperm.xlane v20, v8;
	v25 =	vmul.f32 v51, v55  }
0xc0: {  	v60 =	vld [tilespmem:s24+$0x5A40];
	v21 =	vadd.f32 v24, v21;
	v22 =	vadd.f32 v23, v22;
	v23 =	vmul.f32 v53, v55  }
0xc1: {  	v62 =	vld [tilespmem:s24+$0x5A50];
	v61 =	vperm.xlane v20, v9;
	v28 =	vmul.f32 v54, v58  }
0xc2: {  	v63 =	vld [tilespmem:s24+$0x5A60];
	v21 =	vadd.f32 v25, v21;
	v22 =	vadd.f32 v23, v22;
	v23 =	vmul.f32 v56, v58  }
0xc3: {  	v37 =	vld [tilespmem:s24+$0x5A70];
	v36 =	vperm.xlane v20, v10;
	v26 =	vmul.f32 v57, v61  }
0xc4: {  	v38 =	vld [tilespmem:s24+$0x5E00];
	v21 =	vadd.f32 v28, v21;
	v22 =	vadd.f32 v23, v22;
	v23 =	vmul.f32 v59, v61  }
0xc5: {  	v40 =	vld [tilespmem:s24+$0x5E10];
	v39 =	vperm.xlane v20, v11;
	v24 =	vmul.f32 v60, v36  }
0xc6: {  	v41 =	vld [tilespmem:s24+$0x5E20];
	v21 =	vadd.f32 v26, v21;
	v22 =	vadd.f32 v23, v22;
	v23 =	vmul.f32 v62, v36  }
0xc7: {  	v42 =	vperm.xlane v20, v12;
	v43 =	vld [tilespmem:s24+$0x5E30];
	v25 =	vmul.f32 v63, v39  }
0xc8: {  	s31 =	sand.u32 $0x7, s23;
	v44 =	vld [tilespmem:s24+$0x5E40];
	v21 =	vadd.f32 v24, v21;
	v22 =	vadd.f32 v23, v22;
	v23 =	vmul.f32 v37, v39  }
0xc9: {  	s25 =	sshll.u32 s31, $0x7;
	v45 =	vperm.xlane v20, v13;
	v46 =	vld [tilespmem:s24+$0x5E50];
	v28 =	vmul.f32 v38, v42  }
0xca: {  	s25 =	sadd.s32 $0x0, s25;
	v47 =	vld [tilespmem:s24+$0x5E60];
	v21 =	vadd.f32 v25, v21;
	v22 =	vadd.f32 v23, v22;
	v23 =	vmul.f32 v40, v42  }
0xcb: {  	s26 =	sor.u32 $0x1C00, s25;
	v48 =	vperm.xlane v20, v14;
	v49 =	vld [tilespmem:s24+$0x5E70];
	v26 =	vmul.f32 v41, v45  }
0xcc: {  	s31 =	sor.u32 $0x1C10, s25;
	v50 =	vld [tilespmem:s26+$0x4600];
	v21 =	vadd.f32 v28, v21;
	v22 =	vadd.f32 v23, v22;
	v23 =	vmul.f32 v43, v45  }
0xcd: {  	v51 =	vperm.xlane v20, v15;
	v52 =	vld [tilespmem:s31+$0x4600];
	s26 =	sor.u32 $0x1C20, s25;
	v24 =	vmul.f32 v44, v48  }
0xce: {  	s31 =	sor.u32 $0x1C30, s25;
	v53 =	vld [tilespmem:s26+$0x4600];
	v21 =	vadd.f32 v26, v21;
	v22 =	vadd.f32 v23, v22;
	v23 =	vmul.f32 v46, v48  }
0xcf: {  	v54 =	vperm.xlane v20, v16;
	v55 =	vld [tilespmem:s31+$0x4600];
	s26 =	sor.u32 $0x1C40, s25;
	v25 =	vmul.f32 v47, v51  }
0xd0: {  	s31 =	sor.u32 $0x1C50, s25;
	v56 =	vld [tilespmem:s26+$0x4600];
	v21 =	vadd.f32 v24, v21;
	v22 =	vadd.f32 v23, v22;
	v23 =	vmul.f32 v49, v51  }
0xd1: {  	v57 =	vperm.xlane v20, v17;
	v58 =	vld [tilespmem:s31+$0x4600];
	s26 =	sor.u32 $0x1C60, s25;
	v28 =	vmul.f32 v50, v54  }
0xd2: {  	s31 =	sor.u32 $0x1C70, s25;
	v59 =	vld [tilespmem:s26+$0x4600];
	v21 =	vadd.f32 v25, v21;
	v22 =	vadd.f32 v23, v22;
	v23 =	vmul.f32 v52, v54  }
0xd3: {  	v60 =	vperm.xlane v20, v18;
	v61 =	vld [tilespmem:s31+$0x4600];
	v26 =	vmul.f32 v53, v57  }
0xd4: {  	v21 =	vadd.f32 v28, v21;
	v22 =	vadd.f32 v23, v22;
	v23 =	vmul.f32 v55, v57  }
0xd5: {  	s24 =	simm.s32 $0x610;
	v20 =	vperm.xlane v20, v19;
	v24 =	vmul.f32 v56, v60  }
0xd6: {  	v63 =	vld [tilespmem:s24+$0x0];
	v21 =	vadd.f32 v26, v21;
	v22 =	vadd.f32 v23, v22;
	v23 =	vmul.f32 v58, v60  }
0xd7: {  	v62 =	vld [tilespmem:s24+$0xFFFFFFF0];
	v25 =	vmul.f32 v59, v20  }
0xd8: {  	v20 =	vmul.f32 v61, v20;
	v21 =	vadd.f32 v24, v21;
	v22 =	vadd.f32 v23, v22;
	_ =	sdelay $0x1  }
0xd9: {  	v21 =	vadd.f32 v25, v21;
	v20 =	vadd.f32 v20, v22;
	_ =	sdelay $0x1  }
0xda: {  	v21 =	vmul.f32 v21, v62;
	v20 =	vmul.f32 v20, v63;
	_ =	sdelay $0x1  }
0xdb: {  	s28 =	simm.s32 $0x80;
	s26 =	simm.s32 $0x400;
	v20 =	vadd.f32 v20, v21  }
0xdc: {  	s28 =	sand.u32 $0x380, s28;
	s25 =	simm.s32 $0x14600;
	s29 =	sand.u32 $0x6000, s26  }
0xdd: {  	s28 =	sor.u32 s28, s29;
	[tilespmem:s25+$0x0] =	vst v20  }
0xde: {  	s29 =	simm.s32 $0x26B0;
	v20 =	vld [tilespmem:s28+$0x5260]  }
0xdf: {  	s30 =	simm.s32 $0x100;
	v21 =	vld [tilespmem:s29+$0xFFFFFFF0]  }
.LBB2_3:
0xe0: {  	p0 =	sne.s32 s30, $0xF80;
	v22 =	vld [tilespmem:s28+$0x4600]  }
0xe1: {  	v23 =	vld [tilespmem:s28+$0x4610]  }
0xe2: {  	v24 =	vld [tilespmem:s28+$0x4620]  }
0xe3: {  	v25 =	vld [tilespmem:s28+$0x4630]  }
0xe4: {  	v26 =	vperm.xlane v21, v4;
	v27 =	vld [tilespmem:s28+$0x4640]  }
0xe5: {  	v28 =	vperm.xlane v21, v5;
	v29 =	vld [tilespmem:s28+$0x4650]  }
0xe6: {  	v22 =	vmul.f32 v22, v26;
	v23 =	vmul.f32 v23, v26;
	v26 =	vld [tilespmem:s28+$0x4660]  }
0xe7: {  	v30 =	vperm.xlane v21, v6;
	v24 =	vmul.f32 v24, v28;
	v31 =	vld [tilespmem:s28+$0x4670]  }
0xe8: {  	v22 =	vadd.f32 $0.0e+00, v22;
	v23 =	vadd.f32 $0.0e+00, v23;
	v25 =	vmul.f32 v25, v28;
	v28 =	vld [tilespmem:s28+$0x4A00]  }
0xe9: {  	v32 =	vperm.xlane v21, v7;
	v27 =	vmul.f32 v27, v30;
	v33 =	vld [tilespmem:s28+$0x4A10]  }
0xea: {  	v22 =	vadd.f32 v24, v22;
	v23 =	vadd.f32 v25, v23;
	v24 =	vmul.f32 v29, v30;
	v25 =	vld [tilespmem:s28+$0x4A20]  }
0xeb: {  	v29 =	vperm.xlane v21, v8;
	v26 =	vmul.f32 v26, v32;
	v30 =	vld [tilespmem:s28+$0x4A30]  }
0xec: {  	v22 =	vadd.f32 v27, v22;
	v23 =	vadd.f32 v24, v23;
	v24 =	vmul.f32 v31, v32;
	v27 =	vld [tilespmem:s28+$0x4A40]  }
0xed: {  	v31 =	vperm.xlane v21, v9;
	v28 =	vmul.f32 v28, v29;
	v32 =	vld [tilespmem:s28+$0x4A50]  }
0xee: {  	v22 =	vadd.f32 v26, v22;
	v23 =	vadd.f32 v24, v23;
	v24 =	vmul.f32 v33, v29;
	v26 =	vld [tilespmem:s28+$0x4A60]  }
0xef: {  	v29 =	vperm.xlane v21, v10;
	v25 =	vmul.f32 v25, v31;
	v33 =	vld [tilespmem:s28+$0x4A70]  }
0xf0: {  	v22 =	vadd.f32 v28, v22;
	v23 =	vadd.f32 v24, v23;
	v24 =	vmul.f32 v30, v31;
	v28 =	vld [tilespmem:s28+$0x4E00]  }
0xf1: {  	v30 =	vperm.xlane v21, v11;
	v27 =	vmul.f32 v27, v29;
	v31 =	vld [tilespmem:s28+$0x4E10]  }
0xf2: {  	v22 =	vadd.f32 v25, v22;
	v23 =	vadd.f32 v24, v23;
	v24 =	vmul.f32 v32, v29;
	v25 =	vld [tilespmem:s28+$0x4E20]  }
0xf3: {  	v29 =	vperm.xlane v21, v12;
	v26 =	vmul.f32 v26, v30;
	v32 =	vld [tilespmem:s28+$0x4E30]  }
0xf4: {  	v22 =	vadd.f32 v27, v22;
	v23 =	vadd.f32 v24, v23;
	v24 =	vmul.f32 v33, v30;
	v27 =	vld [tilespmem:s28+$0x4E40]  }
0xf5: {  	v30 =	vperm.xlane v21, v13;
	v28 =	vmul.f32 v28, v29;
	v33 =	vld [tilespmem:s28+$0x4E50]  }
0xf6: {  	v22 =	vadd.f32 v26, v22;
	v23 =	vadd.f32 v24, v23;
	v24 =	vmul.f32 v31, v29;
	v26 =	vld [tilespmem:s28+$0x4E60]  }
0xf7: {  	v29 =	vperm.xlane v21, v14;
	v25 =	vmul.f32 v25, v30;
	v31 =	vld [tilespmem:s28+$0x4E70]  }
0xf8: {  	v22 =	vadd.f32 v28, v22;
	v23 =	vadd.f32 v24, v23;
	v24 =	vmul.f32 v32, v30;
	v28 =	vld [tilespmem:s28+$0x5200]  }
0xf9: {  	v30 =	vperm.xlane v21, v15;
	v27 =	vmul.f32 v27, v29;
	v32 =	vld [tilespmem:s28+$0x5210]  }
0xfa: {  	v22 =	vadd.f32 v25, v22;
	v23 =	vadd.f32 v24, v23;
	v24 =	vmul.f32 v33, v29;
	v25 =	vld [tilespmem:s28+$0x5220]  }
0xfb: {  	v29 =	vperm.xlane v21, v16;
	v26 =	vmul.f32 v26, v30;
	v33 =	vld [tilespmem:s28+$0x5230]  }
0xfc: {  	v27 =	vadd.f32 v27, v22;
	v23 =	vadd.f32 v24, v23;
	v24 =	vmul.f32 v31, v30;
	v30 =	vld [tilespmem:s28+$0x5240]  }
0xfd: {  	v31 =	vperm.xlane v21, v17;
	v28 =	vmul.f32 v28, v29;
	v34 =	vld [tilespmem:s28+$0x5250]  }
0xfe: {  	v22 =	vld [tilespmem:s29+$0x0];
	v26 =	vadd.f32 v26, v27;
	v23 =	vadd.f32 v24, v23;
	v24 =	vmul.f32 v32, v29  }
0xff: {  	v27 =	vperm.xlane v21, v18;
	v25 =	vmul.f32 v25, v31;
	v29 =	vld [tilespmem:s28+$0x5270]  }
0x100: {  	v26 =	vadd.f32 v28, v26;
	v23 =	vadd.f32 v24, v23;
	v24 =	vmul.f32 v33, v31;
	v28 =	vld [tilespmem:s28+$0x5600]  }
0x101: {  	v21 =	vperm.xlane v21, v19;
	v30 =	vmul.f32 v30, v27;
	v31 =	vld [tilespmem:s28+$0x5610]  }
0x102: {  	v25 =	vadd.f32 v25, v26;
	v23 =	vadd.f32 v24, v23;
	v24 =	vmul.f32 v34, v27;
	v26 =	vld [tilespmem:s28+$0x5620]  }
0x103: {  	v20 =	vmul.f32 v20, v21;
	v27 =	vperm.xlane v22, v4;
	v32 =	vld [tilespmem:s28+$0x5630]  }
0x104: {  	v25 =	vadd.f32 v30, v25;
	v23 =	vadd.f32 v24, v23;
	v21 =	vmul.f32 v29, v21;
	v24 =	vld [tilespmem:s28+$0x5640]  }
0x105: {  	v29 =	vperm.xlane v22, v5;
	v28 =	vmul.f32 v28, v27;
	v30 =	vld [tilespmem:s28+$0x5650]  }
0x106: {  	v20 =	vadd.f32 v20, v25;
	v21 =	vadd.f32 v21, v23;
	v23 =	vmul.f32 v31, v27;
	v25 =	vld [tilespmem:s28+$0x5660]  }
0x107: {  	v27 =	vperm.xlane v22, v6;
	v26 =	vmul.f32 v26, v29;
	v31 =	vld [tilespmem:s28+$0x5670]  }
0x108: {  	v20 =	vadd.f32 v28, v20;
	v21 =	vadd.f32 v23, v21;
	v23 =	vmul.f32 v32, v29;
	v28 =	vld [tilespmem:s28+$0x5A00]  }
0x109: {  	v29 =	vperm.xlane v22, v7;
	v24 =	vmul.f32 v24, v27;
	v32 =	vld [tilespmem:s28+$0x5A10]  }
0x10a: {  	v20 =	vadd.f32 v26, v20;
	v21 =	vadd.f32 v23, v21;
	v23 =	vmul.f32 v30, v27;
	v26 =	vld [tilespmem:s28+$0x5A20]  }
0x10b: {  	v27 =	vperm.xlane v22, v8;
	v25 =	vmul.f32 v25, v29;
	v30 =	vld [tilespmem:s28+$0x5A30]  }
0x10c: {  	v20 =	vadd.f32 v24, v20;
	v21 =	vadd.f32 v23, v21;
	v23 =	vmul.f32 v31, v29;
	v24 =	vld [tilespmem:s28+$0x5A40]  }
0x10d: {  	v29 =	vperm.xlane v22, v9;
	v28 =	vmul.f32 v28, v27;
	v31 =	vld [tilespmem:s28+$0x5A50]  }
0x10e: {  	v20 =	vadd.f32 v25, v20;
	v21 =	vadd.f32 v23, v21;
	v23 =	vmul.f32 v32, v27;
	v25 =	vld [tilespmem:s28+$0x5A60]  }
0x10f: {  	v27 =	vperm.xlane v22, v10;
	v26 =	vmul.f32 v26, v29;
	v32 =	vld [tilespmem:s28+$0x5A70]  }
0x110: {  	v20 =	vadd.f32 v28, v20;
	v21 =	vadd.f32 v23, v21;
	v23 =	vmul.f32 v30, v29;
	v28 =	vld [tilespmem:s28+$0x5E00]  }
0x111: {  	v29 =	vperm.xlane v22, v11;
	v24 =	vmul.f32 v24, v27;
	v30 =	vld [tilespmem:s28+$0x5E10]  }
0x112: {  	v20 =	vadd.f32 v26, v20;
	v21 =	vadd.f32 v23, v21;
	v23 =	vmul.f32 v31, v27;
	v26 =	vld [tilespmem:s28+$0x5E20]  }
0x113: {  	s23 =	sadd.s32 $0x1, s23;
	v27 =	vperm.xlane v22, v12;
	v25 =	vmul.f32 v25, v29;
	v31 =	vld [tilespmem:s28+$0x5E30]  }
0x114: {  	s31 =	sand.u32 $0x7, s23;
	v20 =	vadd.f32 v24, v20;
	v21 =	vadd.f32 v23, v21;
	v23 =	vmul.f32 v32, v29;
	v24 =	vld [tilespmem:s28+$0x5E40]  }
0x115: {  	s31 =	sshll.u32 s31, $0x7;
	v29 =	vperm.xlane v22, v13;
	v28 =	vmul.f32 v28, v27;
	v32 =	vld [tilespmem:s28+$0x5E50]  }
0x116: {  	s31 =	sadd.s32 s31, s26;
	v20 =	vadd.f32 v25, v20;
	v21 =	vadd.f32 v23, v21;
	v23 =	vmul.f32 v30, v27;
	v25 =	vld [tilespmem:s28+$0x5E60]  }
0x117: {  	v27 =	vperm.xlane v22, v14;
	v26 =	vmul.f32 v26, v29;
	v30 =	vld [tilespmem:s28+$0x5E70];
	s28 =	sor.u32 $0x1C00, s31  }
0x118: {  	v20 =	vadd.f32 v28, v20;
	v21 =	vadd.f32 v23, v21;
	v23 =	vmul.f32 v31, v29;
	v28 =	vld [tilespmem:s28+$0x4600];
	s28 =	sor.u32 $0x1C10, s31  }
0x119: {  	v29 =	vperm.xlane v22, v15;
	v24 =	vmul.f32 v24, v27;
	v31 =	vld [tilespmem:s28+$0x4600];
	s28 =	sor.u32 $0x1C20, s31  }
0x11a: {  	v20 =	vadd.f32 v26, v20;
	v21 =	vadd.f32 v23, v21;
	v23 =	vmul.f32 v32, v27;
	v26 =	vld [tilespmem:s28+$0x4600];
	s28 =	sor.u32 $0x1C30, s31  }
0x11b: {  	v27 =	vperm.xlane v22, v16;
	v25 =	vmul.f32 v25, v29;
	v32 =	vld [tilespmem:s28+$0x4600];
	s28 =	sor.u32 $0x1C40, s31  }
0x11c: {  	v20 =	vadd.f32 v24, v20;
	v21 =	vadd.f32 v23, v21;
	v23 =	vmul.f32 v30, v29;
	v24 =	vld [tilespmem:s28+$0x4600];
	s28 =	sor.u32 $0x1C50, s31  }
0x11d: {  	v29 =	vperm.xlane v22, v17;
	v28 =	vmul.f32 v28, v27;
	v30 =	vld [tilespmem:s28+$0x4600];
	s28 =	sor.u32 $0x1C60, s31  }
0x11e: {  	v20 =	vadd.f32 v25, v20;
	v21 =	vadd.f32 v23, v21;
	v23 =	vmul.f32 v31, v27;
	v25 =	vld [tilespmem:s28+$0x4600];
	s28 =	sor.u32 $0x1C70, s31  }
0x11f: {  	v27 =	vperm.xlane v22, v18;
	v26 =	vmul.f32 v26, v29;
	v31 =	vld [tilespmem:s28+$0x4600]  }
0x120: {  	v20 =	vadd.f32 v28, v20;
	v21 =	vadd.f32 v23, v21;
	v23 =	vmul.f32 v32, v29  }
0x121: {  	s24 =	sadd.s32 $0x80, s24;
	v22 =	vperm.xlane v22, v19;
	v24 =	vmul.f32 v24, v27  }
0x122: {  	v28 =	vld [tilespmem:s24+$0xFFFFFFF0];
	v20 =	vadd.f32 v26, v20;
	v21 =	vadd.f32 v23, v21;
	v23 =	vmul.f32 v30, v27  }
0x123: {  	v26 =	vld [tilespmem:s24+$0x0];
	v25 =	vmul.f32 v25, v22  }
0x124: {  	v20 =	vadd.f32 v24, v20;
	v21 =	vadd.f32 v23, v21;
	v22 =	vmul.f32 v31, v22;
	_ =	sdelay $0x1  }
0x125: {  	v20 =	vadd.f32 v25, v20;
	v21 =	vadd.f32 v22, v21;
	_ =	sdelay $0x1  }
0x126: {  	v20 =	vmul.f32 v20, v28;
	v21 =	vmul.f32 v21, v26;
	_ =	sdelay $0x1  }
.Ltmp0:
0x127: {  	s26 =	sadd.s32 $0x400, s26;
	v20 =	vadd.f32 v21, v20;
	(pc) =	sbr.rel @p0 .LBB2_3-.Ltmp0, $4  }
0x128: {  	s25 =	sadd.s32 $0x80, s25;
	s31 =	sand.u32 $0x380, s30;
	s28 =	sand.u32 $0x6000, s26  }
0x129: {  	s28 =	sor.u32 s31, s28;
	[tilespmem:s25+$0x0] =	vst v20  }
0x12a: {  	s29 =	sadd.s32 $0x80, s29;
	v20 =	vld [tilespmem:s28+$0x5260]  }
0x12b: {  	s30 =	sadd.s32 $0x80, s30;
	v21 =	vld [tilespmem:s29+$0xFFFFFFF0]  }
0x12c: {  	v22 =	vld [tilespmem:s28+$0x4600]  }
0x12d: {  	v23 =	vld [tilespmem:s28+$0x4610]  }
0x12e: {  	v24 =	vld [tilespmem:s28+$0x4620]  }
0x12f: {  	v25 =	vld [tilespmem:s28+$0x4630]  }
0x130: {  	v27 =	vld [tilespmem:s28+$0x4640];
	v26 =	vperm.xlane v21, v4  }
0x131: {  	v29 =	vld [tilespmem:s28+$0x4650];
	v28 =	vperm.xlane v21, v5  }
0x132: {  	v22 =	vmul.f32 v22, v26;
	v23 =	vmul.f32 v23, v26;
	v26 =	vld [tilespmem:s28+$0x4660]  }
0x133: {  	v31 =	vld [tilespmem:s28+$0x4670];
	v30 =	vperm.xlane v21, v6;
	v24 =	vmul.f32 v24, v28  }
0x134: {  	v25 =	vmul.f32 v25, v28;
	v28 =	vld [tilespmem:s28+$0x4A00];
	v22 =	vadd.f32 $0.0e+00, v22;
	v23 =	vadd.f32 $0.0e+00, v23  }
0x135: {  	v33 =	vld [tilespmem:s28+$0x4A10];
	v32 =	vperm.xlane v21, v7;
	v27 =	vmul.f32 v27, v30  }
0x136: {  	v22 =	vadd.f32 v24, v22;
	v23 =	vadd.f32 v25, v23;
	v24 =	vmul.f32 v29, v30;
	v25 =	vld [tilespmem:s28+$0x4A20]  }
0x137: {  	v29 =	vperm.xlane v21, v8;
	v30 =	vld [tilespmem:s28+$0x4A30];
	v26 =	vmul.f32 v26, v32  }
0x138: {  	v22 =	vadd.f32 v27, v22;
	v23 =	vadd.f32 v24, v23;
	v24 =	vmul.f32 v31, v32;
	v27 =	vld [tilespmem:s28+$0x4A40]  }
0x139: {  	v43 =	vld [tilespmem:s28+$0x4A50];
	v28 =	vmul.f32 v28, v29;
	v31 =	vperm.xlane v21, v9  }
0x13a: {  	v22 =	vadd.f32 v26, v22;
	v23 =	vadd.f32 v24, v23;
	v24 =	vmul.f32 v33, v29;
	v26 =	vld [tilespmem:s28+$0x4A60]  }
0x13b: {  	v44 =	vld [tilespmem:s28+$0x4A70];
	v29 =	vperm.xlane v21, v10;
	v25 =	vmul.f32 v25, v31  }
0x13c: {  	v22 =	vadd.f32 v28, v22;
	v23 =	vadd.f32 v24, v23;
	v24 =	vmul.f32 v30, v31;
	v28 =	vld [tilespmem:s28+$0x4E00]  }
0x13d: {  	v30 =	vperm.xlane v21, v11;
	v31 =	vld [tilespmem:s28+$0x4E10];
	v27 =	vmul.f32 v27, v29  }
0x13e: {  	v22 =	vadd.f32 v25, v22;
	v23 =	vadd.f32 v24, v23;
	v24 =	vmul.f32 v43, v29;
	v25 =	vld [tilespmem:s28+$0x4E20]  }
0x13f: {  	v45 =	vld [tilespmem:s28+$0x4E30];
	v29 =	vperm.xlane v21, v12;
	v26 =	vmul.f32 v26, v30  }
0x140: {  	v22 =	vadd.f32 v27, v22;
	v23 =	vadd.f32 v24, v23;
	v24 =	vmul.f32 v44, v30;
	v27 =	vld [tilespmem:s28+$0x4E40]  }
0x141: {  	v46 =	vld [tilespmem:s28+$0x4E50];
	v30 =	vperm.xlane v21, v13;
	v28 =	vmul.f32 v28, v29  }
0x142: {  	v22 =	vadd.f32 v26, v22;
	v23 =	vadd.f32 v24, v23;
	v24 =	vmul.f32 v31, v29;
	v26 =	vld [tilespmem:s28+$0x4E60]  }
0x143: {  	v29 =	vperm.xlane v21, v14;
	v31 =	vld [tilespmem:s28+$0x4E70];
	v25 =	vmul.f32 v25, v30  }
0x144: {  	v22 =	vadd.f32 v28, v22;
	v23 =	vadd.f32 v24, v23;
	v24 =	vmul.f32 v45, v30;
	v28 =	vld [tilespmem:s28+$0x5200]  }
0x145: {  	v47 =	vld [tilespmem:s28+$0x5210];
	v30 =	vperm.xlane v21, v15;
	v27 =	vmul.f32 v27, v29  }
0x146: {  	v22 =	vadd.f32 v25, v22;
	v23 =	vadd.f32 v24, v23;
	v24 =	vmul.f32 v46, v29;
	v25 =	vld [tilespmem:s28+$0x5220]  }
0x147: {  	v48 =	vld [tilespmem:s28+$0x5230];
	v29 =	vperm.xlane v21, v16;
	v26 =	vmul.f32 v26, v30  }
0x148: {  	v27 =	vadd.f32 v27, v22;
	v23 =	vadd.f32 v24, v23;
	v24 =	vmul.f32 v31, v30;
	v30 =	vld [tilespmem:s28+$0x5240]  }
0x149: {  	v34 =	vld [tilespmem:s28+$0x5250];
	v31 =	vperm.xlane v21, v17;
	v28 =	vmul.f32 v28, v29  }
0x14a: {  	v22 =	vld [tilespmem:s29+$0x0];
	v26 =	vadd.f32 v26, v27;
	v23 =	vadd.f32 v24, v23;
	v24 =	vmul.f32 v47, v29  }
0x14b: {  	v27 =	vperm.xlane v21, v18;
	v29 =	vld [tilespmem:s28+$0x5270];
	v25 =	vmul.f32 v25, v31  }
0x14c: {  	v26 =	vadd.f32 v28, v26;
	v23 =	vadd.f32 v24, v23;
	v24 =	vmul.f32 v48, v31;
	v28 =	vld [tilespmem:s28+$0x5600]  }
0x14d: {  	v21 =	vperm.xlane v21, v19;
	v31 =	vld [tilespmem:s28+$0x5610];
	v30 =	vmul.f32 v30, v27  }
0x14e: {  	v25 =	vadd.f32 v25, v26;
	v23 =	vadd.f32 v24, v23;
	v24 =	vmul.f32 v34, v27;
	v26 =	vld [tilespmem:s28+$0x5620]  }
0x14f: {  	v49 =	vld [tilespmem:s28+$0x5630];
	v20 =	vmul.f32 v20, v21;
	v27 =	vperm.xlane v22, v4  }
0x150: {  	v21 =	vmul.f32 v29, v21;
	v25 =	vadd.f32 v30, v25;
	v23 =	vadd.f32 v24, v23;
	v24 =	vld [tilespmem:s28+$0x5640]  }
0x151: {  	v29 =	vperm.xlane v22, v5;
	v30 =	vld [tilespmem:s28+$0x5650];
	v28 =	vmul.f32 v28, v27  }
0x152: {  	v20 =	vadd.f32 v20, v25;
	v21 =	vadd.f32 v21, v23;
	v23 =	vmul.f32 v31, v27;
	v25 =	vld [tilespmem:s28+$0x5660]  }
0x153: {  	v27 =	vperm.xlane v22, v6;
	v31 =	vld [tilespmem:s28+$0x5670];
	v26 =	vmul.f32 v26, v29  }
0x154: {  	v20 =	vadd.f32 v28, v20;
	v21 =	vadd.f32 v23, v21;
	v23 =	vmul.f32 v49, v29;
	v28 =	vld [tilespmem:s28+$0x5A00]  }
0x155: {  	v50 =	vld [tilespmem:s28+$0x5A10];
	v29 =	vperm.xlane v22, v7;
	v24 =	vmul.f32 v24, v27  }
0x156: {  	v20 =	vadd.f32 v26, v20;
	v21 =	vadd.f32 v23, v21;
	v23 =	vmul.f32 v30, v27;
	v26 =	vld [tilespmem:s28+$0x5A20]  }
0x157: {  	v27 =	vperm.xlane v22, v8;
	v30 =	vld [tilespmem:s28+$0x5A30];
	v25 =	vmul.f32 v25, v29  }
0x158: {  	v20 =	vadd.f32 v24, v20;
	v21 =	vadd.f32 v23, v21;
	v23 =	vmul.f32 v31, v29;
	v24 =	vld [tilespmem:s28+$0x5A40]  }
0x159: {  	v29 =	vperm.xlane v22, v9;
	v31 =	vld [tilespmem:s28+$0x5A50];
	v28 =	vmul.f32 v28, v27  }
0x15a: {  	v20 =	vadd.f32 v25, v20;
	v21 =	vadd.f32 v23, v21;
	v23 =	vmul.f32 v50, v27;
	v25 =	vld [tilespmem:s28+$0x5A60]  }
0x15b: {  	v51 =	vld [tilespmem:s28+$0x5A70];
	v27 =	vperm.xlane v22, v10;
	v26 =	vmul.f32 v26, v29  }
0x15c: {  	v20 =	vadd.f32 v28, v20;
	v21 =	vadd.f32 v23, v21;
	v23 =	vmul.f32 v30, v29;
	v28 =	vld [tilespmem:s28+$0x5E00]  }
0x15d: {  	v29 =	vperm.xlane v22, v11;
	v30 =	vld [tilespmem:s28+$0x5E10];
	v24 =	vmul.f32 v24, v27  }
0x15e: {  	v20 =	vadd.f32 v26, v20;
	v21 =	vadd.f32 v23, v21;
	v23 =	vmul.f32 v31, v27;
	v26 =	vld [tilespmem:s28+$0x5E20]  }
0x15f: {  	s23 =	sadd.s32 $0x1, s23;
	v27 =	vperm.xlane v22, v12;
	v31 =	vld [tilespmem:s28+$0x5E30];
	v25 =	vmul.f32 v25, v29  }
0x160: {  	s23 =	sand.u32 $0x7, s23;
	v20 =	vadd.f32 v24, v20;
	v21 =	vadd.f32 v23, v21;
	v23 =	vmul.f32 v51, v29;
	v24 =	vld [tilespmem:s28+$0x5E40]  }
0x161: {  	v52 =	vld [tilespmem:s28+$0x5E50];
	s23 =	sshll.u32 s23, $0x7;
	v29 =	vperm.xlane v22, v13;
	v28 =	vmul.f32 v28, v27  }
0x162: {  	s23 =	sadd.s32 s23, s26;
	v20 =	vadd.f32 v25, v20;
	v21 =	vadd.f32 v23, v21;
	v23 =	vmul.f32 v30, v27;
	v25 =	vld [tilespmem:s28+$0x5E60]  }
0x163: {  	s26 =	sor.u32 $0x1C00, s23;
	v27 =	vperm.xlane v22, v14;
	v30 =	vld [tilespmem:s28+$0x5E70];
	v26 =	vmul.f32 v26, v29  }
0x164: {  	s30 =	sor.u32 $0x1C10, s23;
	v20 =	vadd.f32 v28, v20;
	v21 =	vadd.f32 v23, v21;
	v23 =	vmul.f32 v31, v29;
	v28 =	vld [tilespmem:s26+$0x4600]  }
0x165: {  	s31 =	sor.u32 $0x1C20, s23;
	v29 =	vperm.xlane v22, v15;
	v31 =	vld [tilespmem:s30+$0x4600];
	v24 =	vmul.f32 v24, v27  }
0x166: {  	s30 =	sor.u32 $0x1C30, s23;
	v20 =	vadd.f32 v26, v20;
	v21 =	vadd.f32 v23, v21;
	v23 =	vmul.f32 v52, v27;
	v26 =	vld [tilespmem:s31+$0x4600]  }
0x167: {  	v53 =	vld [tilespmem:s30+$0x4600];
	v27 =	vperm.xlane v22, v16;
	s31 =	sor.u32 $0x1C40, s23;
	v25 =	vmul.f32 v25, v29  }
0x168: {  	s30 =	sor.u32 $0x1C50, s23;
	v20 =	vadd.f32 v24, v20;
	v21 =	vadd.f32 v23, v21;
	v23 =	vmul.f32 v30, v29;
	v24 =	vld [tilespmem:s31+$0x4600]  }
0x169: {  	v29 =	vperm.xlane v22, v17;
	v30 =	vld [tilespmem:s30+$0x4600];
	s31 =	sor.u32 $0x1C60, s23;
	v28 =	vmul.f32 v28, v27  }
0x16a: {  	s23 =	sor.u32 $0x1C70, s23;
	v20 =	vadd.f32 v25, v20;
	v21 =	vadd.f32 v23, v21;
	v23 =	vmul.f32 v31, v27;
	v25 =	vld [tilespmem:s31+$0x4600]  }
0x16b: {  	v27 =	vperm.xlane v22, v18;
	v31 =	vld [tilespmem:s23+$0x4600];
	v26 =	vmul.f32 v26, v29  }
0x16c: {  	v20 =	vadd.f32 v28, v20;
	v21 =	vadd.f32 v23, v21;
	v23 =	vmul.f32 v53, v29  }
0x16d: {  	s30 =	sadd.s32 $0x80, s24;
	v22 =	vperm.xlane v22, v19;
	v24 =	vmul.f32 v24, v27  }
0x16e: {  	v28 =	vld [tilespmem:s30+$0xFFFFFFF0];
	v20 =	vadd.f32 v26, v20;
	v21 =	vadd.f32 v23, v21;
	v23 =	vmul.f32 v30, v27  }
0x16f: {  	v26 =	vld [tilespmem:s30+$0x0];
	v25 =	vmul.f32 v25, v22  }
0x170: {  	v22 =	vmul.f32 v31, v22;
	v20 =	vadd.f32 v24, v20;
	v21 =	vadd.f32 v23, v21;
	_ =	sdelay $0x1  }
0x171: {  	v0 =	vlaneseq.u32;
	v23 =	vadd.f32 v25, v20;
	v21 =	vadd.f32 v22, v21  }
0x172: {  	v20 =	vmul.u32 $0x80, v0  }
0x173: {  	v22 =	vmul.f32 v23, v28;
	v21 =	vmul.f32 v21, v26;
	_ =	sdelay $0x1  }
0x174: {  	v22 =	vadd.f32 v21, v22;
	v21 =	vor.u32 $0x1, v20  }
0x175: {  	s31 =	sadd.s32 $0x80, s25  }
0x176: {  	[tilespmem:s31+$0x0] =	vst v22;
	v22 =	vor.u32 $0x2, v20  }
0x177: {  	v25 =	vld.idx.msk [tilespmem:v20+s14+$0x0], $0xffff  }
0x178: {  	v23 =	vor.u32 $0x3, v20  }
0x179: {  	v26 =	vld.idx.msk [tilespmem:v21+s14+$0x0], $0xffff  }
0x17a: {  	v24 =	vor.u32 $0x4, v20  }
0x17b: {  	v27 =	vld.idx.msk [tilespmem:v22+s14+$0x0], $0xffff  }
0x17c: {  	v28 =	vadd.f32 $0.0e+00, v25;
	v25 =	vor.u32 $0x5, v20  }
0x17d: {  	v29 =	vld.idx.msk [tilespmem:v23+s14+$0x0], $0xffff  }
0x17e: {  	v28 =	vadd.f32 v26, v28;
	v26 =	vor.u32 $0x6, v20  }
0x17f: {  	v30 =	vld.idx.msk [tilespmem:v24+s14+$0x0], $0xffff  }
0x180: {  	v28 =	vadd.f32 v27, v28;
	v27 =	vor.u32 $0x7, v20  }
0x181: {  	v31 =	vld.idx.msk [tilespmem:v25+s14+$0x0], $0xffff  }
0x182: {  	v29 =	vadd.f32 v29, v28;
	v28 =	vor.u32 $0x8, v20  }
0x183: {  	v54 =	vld.idx.msk [tilespmem:v26+s14+$0x0], $0xffff  }
0x184: {  	v30 =	vadd.f32 v30, v29;
	v29 =	vor.u32 $0x9, v20  }
0x185: {  	v55 =	vld.idx.msk [tilespmem:v27+s14+$0x0], $0xffff  }
0x186: {  	v31 =	vadd.f32 v31, v30;
	v30 =	vor.u32 $0xA, v20  }
0x187: {  	v56 =	vld.idx.msk [tilespmem:v28+s14+$0x0], $0xffff  }
0x188: {  	v32 =	vadd.f32 v54, v31;
	v31 =	vor.u32 $0xB, v20  }
0x189: {  	v35 =	vld.idx.msk [tilespmem:v29+s14+$0x0], $0xffff  }
0x18a: {  	v33 =	vadd.f32 v55, v32;
	v32 =	vor.u32 $0xC, v20  }
0x18b: {  	v36 =	vld.idx.msk [tilespmem:v30+s14+$0x0], $0xffff  }
0x18c: {  	v34 =	vadd.f32 v56, v33;
	v33 =	vor.u32 $0xD, v20  }
0x18d: {  	v37 =	vld.idx.msk [tilespmem:v31+s14+$0x0], $0xffff  }
0x18e: {  	v35 =	vadd.f32 v35, v34;
	v34 =	vor.u32 $0xE, v20  }
0x18f: {  	v38 =	vld.idx.msk [tilespmem:v32+s14+$0x0], $0xffff  }
0x190: {  	v36 =	vadd.f32 v36, v35;
	v35 =	vor.u32 $0xF, v20  }
0x191: {  	v39 =	vld.idx.msk [tilespmem:v33+s14+$0x0], $0xffff  }
0x192: {  	v36 =	vadd.f32 v37, v36  }
0x193: {  	v57 =	vld.idx.msk [tilespmem:v34+s14+$0x0], $0xffff  }
0x194: {  	v36 =	vadd.f32 v38, v36  }
0x195: {  	v58 =	vld.idx.msk [tilespmem:v35+s14+$0x0], $0xffff  }
0x196: {  	v36 =	vadd.f32 v39, v36;
	_ =	sdelay $0x1  }
0x197: {  	v37 =	vadd.f32 v57, v36;
	v36 =	vor.u32 $0x800, v20;
	_ =	sdelay $0x1  }
0x198: {  	v38 =	vadd.f32 v58, v37;
	v37 =	vor.u32 $0x801, v20;
	_ =	sdelay $0x1  }
0x199: {  	[tilespmem:s22+$0x15600] =	vst v38;
	v38 =	vor.u32 $0x802, v20  }
0x19a: {  	v41 =	vld.idx.msk [tilespmem:v36+s14+$0x0], $0xffff  }
0x19b: {  	v39 =	vor.u32 $0x803, v20  }
0x19c: {  	v42 =	vld.idx.msk [tilespmem:v37+s14+$0x0], $0xffff  }
0x19d: {  	v40 =	vor.u32 $0x804, v20  }
0x19e: {  	v43 =	vld.idx.msk [tilespmem:v38+s14+$0x0], $0xffff  }
0x19f: {  	v44 =	vadd.f32 $0.0e+00, v41;
	v41 =	vor.u32 $0x805, v20  }
0x1a0: {  	v45 =	vld.idx.msk [tilespmem:v39+s14+$0x0], $0xffff  }
0x1a1: {  	v44 =	vadd.f32 v42, v44;
	v42 =	vor.u32 $0x806, v20  }
0x1a2: {  	v46 =	vld.idx.msk [tilespmem:v40+s14+$0x0], $0xffff  }
0x1a3: {  	v44 =	vadd.f32 v43, v44;
	v43 =	vor.u32 $0x807, v20  }
0x1a4: {  	v47 =	vld.idx.msk [tilespmem:v41+s14+$0x0], $0xffff  }
0x1a5: {  	v45 =	vadd.f32 v45, v44;
	v44 =	vor.u32 $0x808, v20  }
0x1a6: {  	v48 =	vld.idx.msk [tilespmem:v42+s14+$0x0], $0xffff  }
0x1a7: {  	v46 =	vadd.f32 v46, v45;
	v45 =	vor.u32 $0x809, v20  }
0x1a8: {  	v49 =	vld.idx.msk [tilespmem:v43+s14+$0x0], $0xffff  }
0x1a9: {  	v47 =	vadd.f32 v47, v46;
	v46 =	vor.u32 $0x80A, v20  }
0x1aa: {  	v50 =	vld.idx.msk [tilespmem:v44+s14+$0x0], $0xffff  }
0x1ab: {  	v51 =	vadd.f32 v48, v47;
	v47 =	vor.u32 $0x80B, v20  }
0x1ac: {  	v52 =	vld.idx.msk [tilespmem:v45+s14+$0x0], $0xffff  }
0x1ad: {  	v48 =	vor.u32 $0x80C, v20;
	v49 =	vadd.f32 v49, v51  }
0x1ae: {  	v59 =	vld.idx.msk [tilespmem:v46+s14+$0x0], $0xffff  }
0x1af: {  	v50 =	vadd.f32 v50, v49;
	v49 =	vor.u32 $0x80D, v20  }
0x1b0: {  	p0 =	seq.s32 s5, $0x7;
	v53 =	vld.idx.msk [tilespmem:v47+s14+$0x0], $0xffff  }
0x1b1: {  	v55 =	vld @!p0 [tilespmem:s22+$0x240];
	v52 =	vadd.f32 v52, v50;
	v50 =	vor.u32 $0x80E, v20  }
0x1b2: {  	v54 =	vld.idx.msk [tilespmem:v48+s14+$0x0], $0xffff  }
0x1b3: {  	v51 =	vor.u32 $0x80F, v20;
	v52 =	vadd.f32 v59, v52  }
0x1b4: {  	v60 =	vld.idx.msk [tilespmem:v49+s14+$0x0], $0xffff  }
0x1b5: {  	v52 =	vadd.f32 v53, v52  }
0x1b6: {  	v56 =	vshll.u32 @!p0 v55, $0x3;
	v55 =	vand.u32 @!p0 $0x7, v55;
	v61 =	vld.idx.msk [tilespmem:v50+s14+$0x0], $0xffff  }
0x1b7: {  	v56 =	vand.u32 @!p0 $0xFFFFFFC0, v56;
	v57 =	vlaneseq.u32 @!p0;
	v52 =	vadd.f32 v54, v52  }
0x1b8: {  	v55 =	vor.u32 @!p0 v55, v56;
	v56 =	vand.u32 @!p0 $0x7, v57;
	v58 =	vld.idx.msk [tilespmem:v51+s14+$0x0], $0xffff;
	v59 =	vshrl.u32 @!p0 v57, $0x3  }
0x1b9: {  	v59 =	vmul.u32 @!p0 $0x8, v59;
	v53 =	vperm.xlane @!p0 v55, v56;
	v52 =	vadd.f32 v60, v52;
	_ =	sdelay $0x1  }
0x1ba: {  	v53 =	vadd.s32 @!p0 v59, v53;
	v52 =	vadd.f32 v61, v52;
	_ =	sdelay $0x1  }
0x1bb: {  	v52 =	vadd.f32 v58, v52;
	_ =	sdelay $0x1  }
0x1bc: {  	vm1 =	vmmov @!p0 $0xffff;
	s24 =	simm.s32 @!p0 $0x4600;
	s23 =	simm.s32 @!p0 $0x0;
	[tilespmem:s22+$0x15610] =	vst v52  }
0x1bd: {  	v52 =	vor.u32 @!p0 $0x8, v57;
	[tilespmem:s24], [sflag:$0x1] =	stream.indirect_vreg.gather @!p0 [hbm4b:s1+s23], $0x80, v53, vm1, $0xb8;
	[tilespmem:$0x15800] =	vst v63  }
0x1be: {  	s24 =	simm.s32 @!p0 $0x4E00;
	v54 =	vperm.xlane @!p0 v55, v52  }
0x1bf: {  	[tilespmem:s24], [sflag:$0x1] =	stream.indirect_vreg.gather @!p0 [hbm4b:s9+s23], $0x80, v53, vm1, $0xb8;
	[tilespmem:$0x15800] =	vst v63  }
0x1c0: {  	s24 =	simm.s32 @!p0 $0x5600;
	v54 =	vadd.s32 @!p0 v59, v54  }
0x1c1: {  	[tilespmem:s24], [sflag:$0x1] =	stream.indirect_vreg.gather @!p0 [hbm4b:s10+s23], $0x80, v53, vm1, $0xb8;
	[tilespmem:$0x15800] =	vst v63  }
0x1c2: {  	s24 =	simm.s32 @!p0 $0x5E00  }
0x1c3: {  	[tilespmem:s24], [sflag:$0x1] =	stream.indirect_vreg.gather @!p0 [hbm4b:s11+s23], $0x80, v53, vm1, $0xb8;
	[tilespmem:$0x15800] =	vst v63  }
0x1c4: {  	s24 =	simm.s32 @!p0 $0x6600  }
0x1c5: {  	[tilespmem:s24], [sflag:$0x1] =	stream.indirect_vreg.gather @!p0 [hbm4b:s1+s23], $0x80, v54, vm1, $0xb8;
	[tilespmem:$0x15800] =	vst v63  }
0x1c6: {  	s24 =	simm.s32 @!p0 $0x6E00  }
0x1c7: {  	[tilespmem:s24], [sflag:$0x1] =	stream.indirect_vreg.gather @!p0 [hbm4b:s9+s23], $0x80, v54, vm1, $0xb8;
	[tilespmem:$0x15800] =	vst v63  }
0x1c8: {  	s24 =	simm.s32 @!p0 $0x7600  }
0x1c9: {  	[tilespmem:s24], [sflag:$0x1] =	stream.indirect_vreg.gather @!p0 [hbm4b:s10+s23], $0x80, v54, vm1, $0xb8;
	[tilespmem:$0x15800] =	vst v63  }
0x1ca: {  	s24 =	simm.s32 @!p0 $0x7E00  }
0x1cb: {  	[tilespmem:s24], [sflag:$0x1] =	stream.indirect_vreg.gather @!p0 [hbm4b:s11+s23], $0x80, v54, vm1, $0xb8;
	[tilespmem:$0x15800] =	vst v63  }
0x1cc: {  	v53 =	vld @!p0 [tilespmem:s22+$0x250];
	_ =	sdelay $0x4  }
0x1cd: {  	v54 =	vshll.u32 @!p0 v53, $0x3  }
0x1ce: {  	v53 =	vand.u32 @!p0 $0x7, v53;
	v54 =	vand.u32 @!p0 $0xFFFFFFC0, v54  }
0x1cf: {  	v53 =	vor.u32 @!p0 v53, v54  }
0x1d0: {  	v54 =	vperm.xlane @!p0 v53, v56;
	_ =	sdelay $0x1  }
0x1d1: {  	v54 =	vadd.s32 @!p0 v59, v54;
	_ =	sdelay $0x3  }
0x1d2: {  	s24 =	simm.s32 @!p0 $0x8600  }
0x1d3: {  	[tilespmem:s24], [sflag:$0x1] =	stream.indirect_vreg.gather @!p0 [hbm4b:s1+s23], $0x80, v54, vm1, $0xb8;
	[tilespmem:$0x15800] =	vst v63  }
0x1d4: {  	v52 =	vperm.xlane @!p0 v53, v52;
	s24 =	simm.s32 @!p0 $0x8E00  }
0x1d5: {  	[tilespmem:s24], [sflag:$0x1] =	stream.indirect_vreg.gather @!p0 [hbm4b:s9+s23], $0x80, v54, vm1, $0xb8;
	[tilespmem:$0x15800] =	vst v63  }
0x1d6: {  	v52 =	vadd.s32 @!p0 v59, v52;
	s24 =	simm.s32 @!p0 $0x9600  }
0x1d7: {  	[tilespmem:s24], [sflag:$0x1] =	stream.indirect_vreg.gather @!p0 [hbm4b:s10+s23], $0x80, v54, vm1, $0xb8;
	[tilespmem:$0x15800] =	vst v63  }
0x1d8: {  	s24 =	simm.s32 @!p0 $0x9E00  }
0x1d9: {  	[tilespmem:s24], [sflag:$0x1] =	stream.indirect_vreg.gather @!p0 [hbm4b:s11+s23], $0x80, v54, vm1, $0xb8;
	[tilespmem:$0x15800] =	vst v63  }
0x1da: {  	s24 =	simm.s32 @!p0 $0xA600  }
0x1db: {  	[tilespmem:s24], [sflag:$0x1] =	stream.indirect_vreg.gather @!p0 [hbm4b:s1+s23], $0x80, v52, vm1, $0xb8;
	[tilespmem:$0x15800] =	vst v63  }
0x1dc: {  	s24 =	simm.s32 @!p0 $0xAE00  }
0x1dd: {  	[tilespmem:s24], [sflag:$0x1] =	stream.indirect_vreg.gather @!p0 [hbm4b:s9+s23], $0x80, v52, vm1, $0xb8;
	[tilespmem:$0x15800] =	vst v63  }
0x1de: {  	s24 =	simm.s32 @!p0 $0xB600  }
0x1df: {  	[tilespmem:s24], [sflag:$0x1] =	stream.indirect_vreg.gather @!p0 [hbm4b:s10+s23], $0x80, v52, vm1, $0xb8;
	[tilespmem:$0x15800] =	vst v63  }
0x1e0: {  	s24 =	simm.s32 @!p0 $0xBE00  }
0x1e1: {  	[tilespmem:s24], [sflag:$0x1] =	stream.indirect_vreg.gather @!p0 [hbm4b:s11+s23], $0x80, v52, vm1, $0xb8;
	[tilespmem:$0x15800] =	vst v63  }
0x1e2: {  	s25 =	simm.s32 @!p0 $0x600;
	s23 =	sadd.s32 @!p0 $0x40, s22;
	s24 =	simm.s32 @!p0 $0x20  }
0x1e3: {  	[tilespmem:s25], [sflag:$0x3] =	stream.indirect.gather @!p0 [hbm4b:s0+s24], $0x80, s23, s24, $0xb8;
	[tilespmem:$0x15800] =	vst v63  }
0x1e4: {  	s22 =	sadd.s32 @!p0 $0x440, s22;
	s23 =	simm.s32 @!p0 $0x2600  }
0x1e5: {  	[tilespmem:s23], [sflag:$0x3] =	stream.indirect.gather @!p0 [hbm4b:s2+s24], $0x80, s22, s24, $0xb8;
	[tilespmem:$0x15800] =	vst v63  }
0x1e6: {  	_ =	swait.ge [sflag:s15], $0x8000  }
0x1e7: {  	[sflag:s15] =	ssyncset.done $0x0  }
0x1e8: {  	[sflag:s15] =	ssyncadd.s32 $0xFFFF8000  }
0x1e9: {  	_ =	swait.ge [sflag:s16], $0x1000  }
0x1ea: {  	[sflag:s16] =	ssyncset.done $0x0  }
0x1eb: {  	[sflag:s16] =	ssyncadd.s32 $0xFFFFF000  }
0x1ec: {  	s22 =	simm.s32 $0x0;
	_ =	swait.ge [sflag:s16], $0x1000  }
0x1ed: {  	s24 =	sand.u32 $0x6000, s22;
	s25 =	sand.u32 $0x380, s22;
	[sflag:s16] =	ssyncset.done $0x0  }
0x1ee: {  	s23 =	sor.u32 s25, s24;
	[sflag:s16] =	ssyncadd.s32 $0xFFFFF000  }
0x1ef: {  	s26 =	simm.s32 $0x3630;
	v53 =	vld [tilespmem:s23+$0xD260]  }
0x1f0: {  	v54 =	vld [tilespmem:s26+$0xFFFFFFF0]  }
0x1f1: {  	v52 =	vld [tilespmem:s23+$0xC600]  }
0x1f2: {  	v55 =	vld [tilespmem:s23+$0xC610]  }
0x1f3: {  	v56 =	vld [tilespmem:s23+$0xC620]  }
0x1f4: {  	v57 =	vld [tilespmem:s23+$0xC630]  }
0x1f5: {  	v59 =	vld [tilespmem:s23+$0xC640];
	v58 =	vperm.xlane v54, v4  }
0x1f6: {  	v61 =	vld [tilespmem:s23+$0xC650];
	v60 =	vperm.xlane v54, v5  }
0x1f7: {  	v52 =	vmul.f32 v52, v58;
	v55 =	vmul.f32 v55, v58;
	v58 =	vld [tilespmem:s23+$0xC660]  }
0x1f8: {  	v63 =	vld [tilespmem:s23+$0xC670];
	v62 =	vperm.xlane v54, v6;
	v56 =	vmul.f32 v56, v60  }
0x1f9: {  	v57 =	vmul.f32 v57, v60;
	v60 =	vld [tilespmem:s23+$0xCA00];
	v52 =	vadd.f32 $0.0e+00, v52;
	v55 =	vadd.f32 $0.0e+00, v55  }
0x1fa: {  	v1 =	vld [tilespmem:s23+$0xCA10];
	v0 =	vperm.xlane v54, v7;
	v59 =	vmul.f32 v59, v62  }
0x1fb: {  	v52 =	vadd.f32 v56, v52;
	v55 =	vadd.f32 v57, v55;
	v56 =	vmul.f32 v61, v62;
	v57 =	vld [tilespmem:s23+$0xCA20]  }
0x1fc: {  	v61 =	vperm.xlane v54, v8;
	v62 =	vld [tilespmem:s23+$0xCA30];
	v58 =	vmul.f32 v58, v0  }
0x1fd: {  	v0 =	vmul.f32 v63, v0;
	v52 =	vadd.f32 v59, v52;
	v55 =	vadd.f32 v56, v55;
	v56 =	vld [tilespmem:s23+$0xCA40]  }
0x1fe: {  	v63 =	vld [tilespmem:s23+$0xCA50];
	v59 =	vmul.f32 v60, v61;
	v60 =	vperm.xlane v54, v9  }
0x1ff: {  	v1 =	vmul.f32 v1, v61;
	v52 =	vadd.f32 v58, v52;
	v0 =	vadd.f32 v0, v55;
	v55 =	vld [tilespmem:s23+$0xCA60]  }
0x200: {  	v61 =	vld [tilespmem:s23+$0xCA70];
	v58 =	vperm.xlane v54, v10;
	v57 =	vmul.f32 v57, v60  }
0x201: {  	v52 =	vadd.f32 v59, v52;
	v0 =	vadd.f32 v1, v0;
	v1 =	vmul.f32 v62, v60;
	v59 =	vld [tilespmem:s23+$0xCE00]  }
0x202: {  	v60 =	vperm.xlane v54, v11;
	v62 =	vld [tilespmem:s23+$0xCE10];
	v56 =	vmul.f32 v56, v58  }
0x203: {  	v52 =	vadd.f32 v57, v52;
	v0 =	vadd.f32 v1, v0;
	v1 =	vmul.f32 v63, v58;
	v57 =	vld [tilespmem:s23+$0xCE20]  }
0x204: {  	v58 =	vperm.xlane v54, v12;
	v63 =	vld [tilespmem:s23+$0xCE30];
	v55 =	vmul.f32 v55, v60  }
0x205: {  	v52 =	vadd.f32 v56, v52;
	v0 =	vadd.f32 v1, v0;
	v1 =	vmul.f32 v61, v60;
	v56 =	vld [tilespmem:s23+$0xCE40]  }
0x206: {  	v60 =	vperm.xlane v54, v13;
	v61 =	vld [tilespmem:s23+$0xCE50];
	v59 =	vmul.f32 v59, v58  }
0x207: {  	v52 =	vadd.f32 v55, v52;
	v0 =	vadd.f32 v1, v0;
	v1 =	vmul.f32 v62, v58;
	v55 =	vld [tilespmem:s23+$0xCE60]  }
0x208: {  	v58 =	vperm.xlane v54, v14;
	v62 =	vld [tilespmem:s23+$0xCE70];
	v57 =	vmul.f32 v57, v60  }
0x209: {  	v52 =	vadd.f32 v59, v52;
	v0 =	vadd.f32 v1, v0;
	v1 =	vmul.f32 v63, v60;
	v59 =	vld [tilespmem:s23+$0xD200]  }
0x20a: {  	v60 =	vperm.xlane v54, v15;
	v63 =	vld [tilespmem:s23+$0xD210];
	v56 =	vmul.f32 v56, v58  }
0x20b: {  	v52 =	vadd.f32 v57, v52;
	v0 =	vadd.f32 v1, v0;
	v1 =	vmul.f32 v61, v58;
	v57 =	vld [tilespmem:s23+$0xD220]  }
0x20c: {  	v58 =	vperm.xlane v54, v16;
	v61 =	vld [tilespmem:s23+$0xD230];
	v55 =	vmul.f32 v55, v60  }
0x20d: {  	v56 =	vadd.f32 v56, v52;
	v0 =	vadd.f32 v1, v0;
	v1 =	vmul.f32 v62, v60;
	v60 =	vld [tilespmem:s23+$0xD240]  }
0x20e: {  	v3 =	vld [tilespmem:s23+$0xD250];
	v62 =	vperm.xlane v54, v17;
	v59 =	vmul.f32 v59, v58  }
0x20f: {  	v52 =	vld [tilespmem:s26+$0x0];
	v55 =	vadd.f32 v55, v56;
	v0 =	vadd.f32 v1, v0;
	v1 =	vmul.f32 v63, v58  }
0x210: {  	v58 =	vld [tilespmem:s23+$0xD270];
	v56 =	vmul.f32 v57, v62;
	v57 =	vperm.xlane v54, v18  }
0x211: {  	v55 =	vadd.f32 v59, v55;
	v0 =	vadd.f32 v1, v0;
	v1 =	vmul.f32 v61, v62;
	v59 =	vld [tilespmem:s23+$0xD600]  }
0x212: {  	v54 =	vperm.xlane v54, v19;
	v61 =	vld [tilespmem:s23+$0xD610];
	v60 =	vmul.f32 v60, v57  }
0x213: {  	v55 =	vadd.f32 v56, v55;
	v0 =	vadd.f32 v1, v0;
	v1 =	vmul.f32 v3, v57;
	v3 =	vld [tilespmem:s23+$0xD620]  }
0x214: {  	v53 =	vmul.f32 v53, v54;
	v56 =	vperm.xlane v52, v4;
	v57 =	vld [tilespmem:s23+$0xD630]  }
0x215: {  	v55 =	vadd.f32 v60, v55;
	v0 =	vadd.f32 v1, v0;
	v1 =	vmul.f32 v58, v54;
	v54 =	vld [tilespmem:s23+$0xD640]  }
0x216: {  	v60 =	vld [tilespmem:s23+$0xD650];
	v58 =	vmul.f32 v59, v56;
	v59 =	vperm.xlane v52, v5  }
0x217: {  	v53 =	vadd.f32 v53, v55;
	v0 =	vadd.f32 v1, v0;
	v1 =	vmul.f32 v61, v56;
	v55 =	vld [tilespmem:s23+$0xD660]  }
0x218: {  	v56 =	vperm.xlane v52, v6;
	v61 =	vld [tilespmem:s23+$0xD670];
	v3 =	vmul.f32 v3, v59  }
0x219: {  	v53 =	vadd.f32 v58, v53;
	v0 =	vadd.f32 v1, v0;
	v1 =	vmul.f32 v57, v59;
	v57 =	vld [tilespmem:s23+$0xDA00]  }
0x21a: {  	v58 =	vperm.xlane v52, v7;
	v59 =	vld [tilespmem:s23+$0xDA10];
	v54 =	vmul.f32 v54, v56  }
0x21b: {  	v3 =	vadd.f32 v3, v53;
	v0 =	vadd.f32 v1, v0;
	v1 =	vmul.f32 v60, v56;
	v53 =	vld [tilespmem:s23+$0xDA20]  }
0x21c: {  	v56 =	vperm.xlane v52, v8;
	v60 =	vld [tilespmem:s23+$0xDA30];
	v55 =	vmul.f32 v55, v58  }
0x21d: {  	v3 =	vadd.f32 v54, v3;
	v0 =	vadd.f32 v1, v0;
	v1 =	vmul.f32 v61, v58;
	v54 =	vld [tilespmem:s23+$0xDA40]  }
0x21e: {  	v58 =	vperm.xlane v52, v9;
	v61 =	vld [tilespmem:s23+$0xDA50];
	v57 =	vmul.f32 v57, v56  }
0x21f: {  	v3 =	vadd.f32 v55, v3;
	v0 =	vadd.f32 v1, v0;
	v1 =	vmul.f32 v59, v56;
	v55 =	vld [tilespmem:s23+$0xDA60]  }
0x220: {  	v56 =	vperm.xlane v52, v10;
	v59 =	vld [tilespmem:s23+$0xDA70];
	v53 =	vmul.f32 v53, v58  }
0x221: {  	v3 =	vadd.f32 v57, v3;
	v0 =	vadd.f32 v1, v0;
	v1 =	vmul.f32 v60, v58;
	v57 =	vld [tilespmem:s23+$0xDE00]  }
0x222: {  	v58 =	vperm.xlane v52, v11;
	v60 =	vld [tilespmem:s23+$0xDE10];
	v54 =	vmul.f32 v54, v56  }
0x223: {  	v3 =	vadd.f32 v53, v3;
	v0 =	vadd.f32 v1, v0;
	v1 =	vmul.f32 v61, v56;
	v53 =	vld [tilespmem:s23+$0xDE20]  }
0x224: {  	v56 =	vperm.xlane v52, v12;
	v61 =	vld [tilespmem:s23+$0xDE30];
	v55 =	vmul.f32 v55, v58  }
0x225: {  	s30 =	sand.u32 $0x7, s22;
	v3 =	vadd.f32 v54, v3;
	v0 =	vadd.f32 v1, v0;
	v1 =	vmul.f32 v59, v58;
	v54 =	vld [tilespmem:s23+$0xDE40]  }
0x226: {  	s24 =	sshll.u32 s30, $0x7;
	v58 =	vperm.xlane v52, v13;
	v59 =	vld [tilespmem:s23+$0xDE50];
	v57 =	vmul.f32 v57, v56  }
0x227: {  	s24 =	sadd.s32 $0x0, s24;
	v3 =	vadd.f32 v55, v3;
	v0 =	vadd.f32 v1, v0;
	v1 =	vmul.f32 v60, v56;
	v55 =	vld [tilespmem:s23+$0xDE60]  }
0x228: {  	s31 =	sor.u32 $0x1C00, s24;
	v56 =	vperm.xlane v52, v14;
	v60 =	vld [tilespmem:s23+$0xDE70];
	v53 =	vmul.f32 v53, v58  }
0x229: {  	s25 =	sor.u32 $0x1C10, s24;
	v3 =	vadd.f32 v57, v3;
	v0 =	vadd.f32 v1, v0;
	v1 =	vmul.f32 v61, v58;
	v57 =	vld [tilespmem:s31+$0xC600]  }
0x22a: {  	s26 =	sor.u32 $0x1C20, s24;
	v58 =	vperm.xlane v52, v15;
	v61 =	vld [tilespmem:s25+$0xC600];
	v54 =	vmul.f32 v54, v56  }
0x22b: {  	s30 =	sor.u32 $0x1C30, s24;
	v3 =	vadd.f32 v53, v3;
	v0 =	vadd.f32 v1, v0;
	v1 =	vmul.f32 v59, v56;
	v53 =	vld [tilespmem:s26+$0xC600]  }
0x22c: {  	s31 =	sor.u32 $0x1C40, s24;
	v56 =	vperm.xlane v52, v16;
	v59 =	vld [tilespmem:s30+$0xC600];
	v55 =	vmul.f32 v55, v58  }
0x22d: {  	s25 =	sor.u32 $0x1C50, s24;
	v3 =	vadd.f32 v54, v3;
	v0 =	vadd.f32 v1, v0;
	v1 =	vmul.f32 v60, v58;
	v54 =	vld [tilespmem:s31+$0xC600]  }
0x22e: {  	s26 =	sor.u32 $0x1C60, s24;
	v58 =	vperm.xlane v52, v17;
	v60 =	vld [tilespmem:s25+$0xC600];
	v57 =	vmul.f32 v57, v56  }
0x22f: {  	s30 =	sor.u32 $0x1C70, s24;
	v3 =	vadd.f32 v55, v3;
	v0 =	vadd.f32 v1, v0;
	v1 =	vmul.f32 v61, v56;
	v55 =	vld [tilespmem:s26+$0xC600]  }
0x230: {  	v56 =	vperm.xlane v52, v18;
	v61 =	vld [tilespmem:s30+$0xC600];
	v53 =	vmul.f32 v53, v58  }
0x231: {  	v3 =	vadd.f32 v57, v3;
	v0 =	vadd.f32 v1, v0;
	v1 =	vmul.f32 v59, v58  }
0x232: {  	s23 =	simm.s32 $0x1610;
	v52 =	vperm.xlane v52, v19;
	v54 =	vmul.f32 v54, v56  }
0x233: {  	v62 =	vld [tilespmem:s23+$0xFFFFFFF0];
	v3 =	vadd.f32 v53, v3;
	v0 =	vadd.f32 v1, v0;
	v1 =	vmul.f32 v60, v56  }
0x234: {  	v63 =	vld [tilespmem:s23+$0x0];
	v55 =	vmul.f32 v55, v52  }
0x235: {  	v3 =	vadd.f32 v54, v3;
	v0 =	vadd.f32 v1, v0;
	v1 =	vmul.f32 v61, v52;
	_ =	sdelay $0x1  }
0x236: {  	v3 =	vadd.f32 v55, v3;
	v0 =	vadd.f32 v1, v0;
	_ =	sdelay $0x1  }
0x237: {  	v1 =	vmul.f32 v3, v62;
	v0 =	vmul.f32 v0, v63;
	_ =	sdelay $0x1  }
0x238: {  	s31 =	simm.s32 $0x80;
	s25 =	simm.s32 $0x400;
	v0 =	vadd.f32 v0, v1  }
0x239: {  	s24 =	simm.s32 $0x14600;
	s28 =	sand.u32 $0x6000, s25;
	s26 =	sand.u32 $0x380, s31  }
0x23a: {  	s26 =	sor.u32 s26, s28;
	[tilespmem:s24+$0x0] =	vst v0  }
0x23b: {  	s28 =	simm.s32 $0x36B0;
	v52 =	vld [tilespmem:s26+$0xD260]  }
0x23c: {  	s29 =	simm.s32 $0x100;
	v53 =	vld [tilespmem:s28+$0xFFFFFFF0]  }
.LBB2_5:
0x23d: {  	p0 =	sne.s32 s29, $0xF80;
	v0 =	vld [tilespmem:s26+$0xC600]  }
0x23e: {  	v1 =	vld [tilespmem:s26+$0xC610]  }
0x23f: {  	v3 =	vld [tilespmem:s26+$0xC620]  }
0x240: {  	v54 =	vld [tilespmem:s26+$0xC630]  }
0x241: {  	v55 =	vperm.xlane v53, v4;
	v56 =	vld [tilespmem:s26+$0xC640]  }
0x242: {  	v57 =	vperm.xlane v53, v5;
	v58 =	vld [tilespmem:s26+$0xC650]  }
0x243: {  	v0 =	vmul.f32 v0, v55;
	v1 =	vmul.f32 v1, v55;
	v55 =	vld [tilespmem:s26+$0xC660]  }
0x244: {  	v59 =	vperm.xlane v53, v6;
	v3 =	vmul.f32 v3, v57;
	v60 =	vld [tilespmem:s26+$0xC670]  }
0x245: {  	v0 =	vadd.f32 $0.0e+00, v0;
	v1 =	vadd.f32 $0.0e+00, v1;
	v54 =	vmul.f32 v54, v57;
	v57 =	vld [tilespmem:s26+$0xCA00]  }
0x246: {  	v61 =	vperm.xlane v53, v7;
	v56 =	vmul.f32 v56, v59;
	v62 =	vld [tilespmem:s26+$0xCA10]  }
0x247: {  	v0 =	vadd.f32 v3, v0;
	v1 =	vadd.f32 v54, v1;
	v3 =	vmul.f32 v58, v59;
	v54 =	vld [tilespmem:s26+$0xCA20]  }
0x248: {  	v58 =	vperm.xlane v53, v8;
	v55 =	vmul.f32 v55, v61;
	v59 =	vld [tilespmem:s26+$0xCA30]  }
0x249: {  	v0 =	vadd.f32 v56, v0;
	v1 =	vadd.f32 v3, v1;
	v3 =	vmul.f32 v60, v61;
	v56 =	vld [tilespmem:s26+$0xCA40]  }
0x24a: {  	v60 =	vperm.xlane v53, v9;
	v57 =	vmul.f32 v57, v58;
	v61 =	vld [tilespmem:s26+$0xCA50]  }
0x24b: {  	v0 =	vadd.f32 v55, v0;
	v1 =	vadd.f32 v3, v1;
	v3 =	vmul.f32 v62, v58;
	v55 =	vld [tilespmem:s26+$0xCA60]  }
0x24c: {  	v58 =	vperm.xlane v53, v10;
	v54 =	vmul.f32 v54, v60;
	v62 =	vld [tilespmem:s26+$0xCA70]  }
0x24d: {  	v0 =	vadd.f32 v57, v0;
	v1 =	vadd.f32 v3, v1;
	v3 =	vmul.f32 v59, v60;
	v57 =	vld [tilespmem:s26+$0xCE00]  }
0x24e: {  	v59 =	vperm.xlane v53, v11;
	v56 =	vmul.f32 v56, v58;
	v60 =	vld [tilespmem:s26+$0xCE10]  }
0x24f: {  	v0 =	vadd.f32 v54, v0;
	v1 =	vadd.f32 v3, v1;
	v3 =	vmul.f32 v61, v58;
	v54 =	vld [tilespmem:s26+$0xCE20]  }
0x250: {  	v58 =	vperm.xlane v53, v12;
	v55 =	vmul.f32 v55, v59;
	v61 =	vld [tilespmem:s26+$0xCE30]  }
0x251: {  	v0 =	vadd.f32 v56, v0;
	v1 =	vadd.f32 v3, v1;
	v3 =	vmul.f32 v62, v59;
	v56 =	vld [tilespmem:s26+$0xCE40]  }
0x252: {  	v59 =	vperm.xlane v53, v13;
	v57 =	vmul.f32 v57, v58;
	v62 =	vld [tilespmem:s26+$0xCE50]  }
0x253: {  	v0 =	vadd.f32 v55, v0;
	v1 =	vadd.f32 v3, v1;
	v3 =	vmul.f32 v60, v58;
	v55 =	vld [tilespmem:s26+$0xCE60]  }
0x254: {  	v58 =	vperm.xlane v53, v14;
	v54 =	vmul.f32 v54, v59;
	v60 =	vld [tilespmem:s26+$0xCE70]  }
0x255: {  	v0 =	vadd.f32 v57, v0;
	v1 =	vadd.f32 v3, v1;
	v3 =	vmul.f32 v61, v59;
	v57 =	vld [tilespmem:s26+$0xD200]  }
0x256: {  	v59 =	vperm.xlane v53, v15;
	v56 =	vmul.f32 v56, v58;
	v61 =	vld [tilespmem:s26+$0xD210]  }
0x257: {  	v0 =	vadd.f32 v54, v0;
	v1 =	vadd.f32 v3, v1;
	v3 =	vmul.f32 v62, v58;
	v58 =	vld [tilespmem:s26+$0xD220]  }
0x258: {  	v62 =	vperm.xlane v53, v16;
	v55 =	vmul.f32 v55, v59;
	v63 =	vld [tilespmem:s26+$0xD230]  }
0x259: {  	v0 =	vadd.f32 v56, v0;
	v1 =	vadd.f32 v3, v1;
	v3 =	vmul.f32 v60, v59;
	v56 =	vld [tilespmem:s26+$0xD240]  }
0x25a: {  	v59 =	vperm.xlane v53, v17;
	v57 =	vmul.f32 v57, v62;
	v60 =	vld [tilespmem:s26+$0xD250]  }
0x25b: {  	v54 =	vld [tilespmem:s28+$0x0];
	v0 =	vadd.f32 v55, v0;
	v1 =	vadd.f32 v3, v1;
	v3 =	vmul.f32 v61, v62  }
0x25c: {  	v55 =	vmul.f32 v58, v59;
	v58 =	vperm.xlane v53, v18;
	v61 =	vld [tilespmem:s26+$0xD270]  }
0x25d: {  	v0 =	vadd.f32 v57, v0;
	v1 =	vadd.f32 v3, v1;
	v3 =	vmul.f32 v63, v59;
	v57 =	vld [tilespmem:s26+$0xD600]  }
0x25e: {  	v53 =	vperm.xlane v53, v19;
	v56 =	vmul.f32 v56, v58;
	v59 =	vld [tilespmem:s26+$0xD610]  }
0x25f: {  	v0 =	vadd.f32 v55, v0;
	v1 =	vadd.f32 v3, v1;
	v3 =	vmul.f32 v60, v58;
	v55 =	vld [tilespmem:s26+$0xD620]  }
0x260: {  	v52 =	vmul.f32 v52, v53;
	v58 =	vperm.xlane v54, v4;
	v60 =	vld [tilespmem:s26+$0xD630]  }
0x261: {  	v0 =	vadd.f32 v56, v0;
	v1 =	vadd.f32 v3, v1;
	v3 =	vmul.f32 v61, v53;
	v53 =	vld [tilespmem:s26+$0xD640]  }
0x262: {  	v56 =	vmul.f32 v57, v58;
	v57 =	vperm.xlane v54, v5;
	v61 =	vld [tilespmem:s26+$0xD650]  }
0x263: {  	v0 =	vadd.f32 v52, v0;
	v1 =	vadd.f32 v3, v1;
	v3 =	vmul.f32 v59, v58;
	v52 =	vld [tilespmem:s26+$0xD660]  }
0x264: {  	v58 =	vperm.xlane v54, v6;
	v55 =	vmul.f32 v55, v57;
	v59 =	vld [tilespmem:s26+$0xD670]  }
0x265: {  	v0 =	vadd.f32 v56, v0;
	v1 =	vadd.f32 v3, v1;
	v3 =	vmul.f32 v60, v57;
	v56 =	vld [tilespmem:s26+$0xDA00]  }
0x266: {  	v57 =	vperm.xlane v54, v7;
	v53 =	vmul.f32 v53, v58;
	v60 =	vld [tilespmem:s26+$0xDA10]  }
0x267: {  	v0 =	vadd.f32 v55, v0;
	v1 =	vadd.f32 v3, v1;
	v3 =	vmul.f32 v61, v58;
	v55 =	vld [tilespmem:s26+$0xDA20]  }
0x268: {  	v58 =	vperm.xlane v54, v8;
	v52 =	vmul.f32 v52, v57;
	v61 =	vld [tilespmem:s26+$0xDA30]  }
0x269: {  	v0 =	vadd.f32 v53, v0;
	v1 =	vadd.f32 v3, v1;
	v3 =	vmul.f32 v59, v57;
	v53 =	vld [tilespmem:s26+$0xDA40]  }
0x26a: {  	v57 =	vperm.xlane v54, v9;
	v56 =	vmul.f32 v56, v58;
	v59 =	vld [tilespmem:s26+$0xDA50]  }
0x26b: {  	v0 =	vadd.f32 v52, v0;
	v1 =	vadd.f32 v3, v1;
	v3 =	vmul.f32 v60, v58;
	v52 =	vld [tilespmem:s26+$0xDA60]  }
0x26c: {  	v58 =	vperm.xlane v54, v10;
	v55 =	vmul.f32 v55, v57;
	v60 =	vld [tilespmem:s26+$0xDA70]  }
0x26d: {  	v0 =	vadd.f32 v56, v0;
	v1 =	vadd.f32 v3, v1;
	v3 =	vmul.f32 v61, v57;
	v56 =	vld [tilespmem:s26+$0xDE00]  }
0x26e: {  	v57 =	vperm.xlane v54, v11;
	v53 =	vmul.f32 v53, v58;
	v61 =	vld [tilespmem:s26+$0xDE10]  }
0x26f: {  	v0 =	vadd.f32 v55, v0;
	v1 =	vadd.f32 v3, v1;
	v3 =	vmul.f32 v59, v58;
	v55 =	vld [tilespmem:s26+$0xDE20]  }
0x270: {  	s22 =	sadd.s32 $0x1, s22;
	v58 =	vperm.xlane v54, v12;
	v52 =	vmul.f32 v52, v57;
	v59 =	vld [tilespmem:s26+$0xDE30]  }
0x271: {  	s30 =	sand.u32 $0x7, s22;
	v0 =	vadd.f32 v53, v0;
	v1 =	vadd.f32 v3, v1;
	v3 =	vmul.f32 v60, v57;
	v53 =	vld [tilespmem:s26+$0xDE40]  }
0x272: {  	s30 =	sshll.u32 s30, $0x7;
	v57 =	vperm.xlane v54, v13;
	v56 =	vmul.f32 v56, v58;
	v60 =	vld [tilespmem:s26+$0xDE50]  }
0x273: {  	s30 =	sadd.s32 s30, s25;
	v0 =	vadd.f32 v52, v0;
	v1 =	vadd.f32 v3, v1;
	v3 =	vmul.f32 v61, v58;
	v52 =	vld [tilespmem:s26+$0xDE60]  }
0x274: {  	v58 =	vperm.xlane v54, v14;
	v55 =	vmul.f32 v55, v57;
	v61 =	vld [tilespmem:s26+$0xDE70];
	s26 =	sor.u32 $0x1C00, s30  }
0x275: {  	v0 =	vadd.f32 v56, v0;
	v1 =	vadd.f32 v3, v1;
	v3 =	vmul.f32 v59, v57;
	v56 =	vld [tilespmem:s26+$0xC600];
	s26 =	sor.u32 $0x1C10, s30  }
0x276: {  	v57 =	vperm.xlane v54, v15;
	v53 =	vmul.f32 v53, v58;
	v59 =	vld [tilespmem:s26+$0xC600];
	s26 =	sor.u32 $0x1C20, s30  }
0x277: {  	v0 =	vadd.f32 v55, v0;
	v1 =	vadd.f32 v3, v1;
	v3 =	vmul.f32 v60, v58;
	v55 =	vld [tilespmem:s26+$0xC600];
	s26 =	sor.u32 $0x1C30, s30  }
0x278: {  	v58 =	vperm.xlane v54, v16;
	v52 =	vmul.f32 v52, v57;
	v60 =	vld [tilespmem:s26+$0xC600];
	s26 =	sor.u32 $0x1C40, s30  }
0x279: {  	v0 =	vadd.f32 v53, v0;
	v1 =	vadd.f32 v3, v1;
	v3 =	vmul.f32 v61, v57;
	v53 =	vld [tilespmem:s26+$0xC600];
	s26 =	sor.u32 $0x1C50, s30  }
0x27a: {  	v57 =	vperm.xlane v54, v17;
	v56 =	vmul.f32 v56, v58;
	v61 =	vld [tilespmem:s26+$0xC600];
	s26 =	sor.u32 $0x1C60, s30  }
0x27b: {  	v0 =	vadd.f32 v52, v0;
	v1 =	vadd.f32 v3, v1;
	v3 =	vmul.f32 v59, v58;
	v52 =	vld [tilespmem:s26+$0xC600];
	s26 =	sor.u32 $0x1C70, s30  }
0x27c: {  	v58 =	vperm.xlane v54, v18;
	v55 =	vmul.f32 v55, v57;
	v59 =	vld [tilespmem:s26+$0xC600]  }
0x27d: {  	v0 =	vadd.f32 v56, v0;
	v1 =	vadd.f32 v3, v1;
	v3 =	vmul.f32 v60, v57  }
0x27e: {  	s23 =	sadd.s32 $0x80, s23;
	v54 =	vperm.xlane v54, v19;
	v53 =	vmul.f32 v53, v58  }
0x27f: {  	v56 =	vld [tilespmem:s23+$0xFFFFFFF0];
	v0 =	vadd.f32 v55, v0;
	v1 =	vadd.f32 v3, v1;
	v3 =	vmul.f32 v61, v58  }
0x280: {  	v55 =	vld [tilespmem:s23+$0x0];
	v52 =	vmul.f32 v52, v54  }
0x281: {  	v0 =	vadd.f32 v53, v0;
	v1 =	vadd.f32 v3, v1;
	v3 =	vmul.f32 v59, v54;
	_ =	sdelay $0x1  }
0x282: {  	v0 =	vadd.f32 v52, v0;
	v1 =	vadd.f32 v3, v1;
	_ =	sdelay $0x1  }
0x283: {  	v0 =	vmul.f32 v0, v56;
	v1 =	vmul.f32 v1, v55;
	_ =	sdelay $0x1  }
.Ltmp1:
0x284: {  	s25 =	sadd.s32 $0x400, s25;
	v0 =	vadd.f32 v1, v0;
	(pc) =	sbr.rel @p0 .LBB2_5-.Ltmp1, $4  }
0x285: {  	s24 =	sadd.s32 $0x80, s24;
	s30 =	sand.u32 $0x380, s29;
	s26 =	sand.u32 $0x6000, s25  }
0x286: {  	s26 =	sor.u32 s30, s26;
	[tilespmem:s24+$0x0] =	vst v0  }
0x287: {  	s28 =	sadd.s32 $0x80, s28;
	v52 =	vld [tilespmem:s26+$0xD260]  }
0x288: {  	s29 =	sadd.s32 $0x80, s29;
	v53 =	vld [tilespmem:s28+$0xFFFFFFF0]  }
0x289: {  	v0 =	vld [tilespmem:s26+$0xC600]  }
0x28a: {  	v1 =	vld [tilespmem:s26+$0xC610]  }
0x28b: {  	v3 =	vld [tilespmem:s26+$0xC620]  }
0x28c: {  	v54 =	vld [tilespmem:s26+$0xC630]  }
0x28d: {  	v56 =	vld [tilespmem:s26+$0xC640];
	v55 =	vperm.xlane v53, v4  }
0x28e: {  	v58 =	vld [tilespmem:s26+$0xC650];
	v57 =	vperm.xlane v53, v5  }
0x28f: {  	v0 =	vmul.f32 v0, v55;
	v1 =	vmul.f32 v1, v55;
	v55 =	vld [tilespmem:s26+$0xC660]  }
0x290: {  	v60 =	vld [tilespmem:s26+$0xC670];
	v59 =	vperm.xlane v53, v6;
	v3 =	vmul.f32 v3, v57  }
0x291: {  	v54 =	vmul.f32 v54, v57;
	v57 =	vld [tilespmem:s26+$0xCA00];
	v0 =	vadd.f32 $0.0e+00, v0;
	v1 =	vadd.f32 $0.0e+00, v1  }
0x292: {  	v62 =	vld [tilespmem:s26+$0xCA10];
	v61 =	vperm.xlane v53, v7;
	v56 =	vmul.f32 v56, v59  }
0x293: {  	v0 =	vadd.f32 v3, v0;
	v1 =	vadd.f32 v54, v1;
	v3 =	vmul.f32 v58, v59;
	v54 =	vld [tilespmem:s26+$0xCA20]  }
0x294: {  	v58 =	vperm.xlane v53, v8;
	v59 =	vld [tilespmem:s26+$0xCA30];
	v55 =	vmul.f32 v55, v61  }
0x295: {  	v0 =	vadd.f32 v56, v0;
	v1 =	vadd.f32 v3, v1;
	v3 =	vmul.f32 v60, v61;
	v56 =	vld [tilespmem:s26+$0xCA40]  }
0x296: {  	v57 =	vmul.f32 v57, v58;
	v60 =	vperm.xlane v53, v9;
	v61 =	vld [tilespmem:s26+$0xCA50]  }
0x297: {  	v0 =	vadd.f32 v55, v0;
	v1 =	vadd.f32 v3, v1;
	v3 =	vmul.f32 v62, v58;
	v55 =	vld [tilespmem:s26+$0xCA60]  }
0x298: {  	v58 =	vperm.xlane v53, v10;
	v62 =	vld [tilespmem:s26+$0xCA70];
	v54 =	vmul.f32 v54, v60  }
0x299: {  	v0 =	vadd.f32 v57, v0;
	v1 =	vadd.f32 v3, v1;
	v3 =	vmul.f32 v59, v60;
	v57 =	vld [tilespmem:s26+$0xCE00]  }
0x29a: {  	v59 =	vperm.xlane v53, v11;
	v60 =	vld [tilespmem:s26+$0xCE10];
	v56 =	vmul.f32 v56, v58  }
0x29b: {  	v0 =	vadd.f32 v54, v0;
	v1 =	vadd.f32 v3, v1;
	v3 =	vmul.f32 v61, v58;
	v54 =	vld [tilespmem:s26+$0xCE20]  }
0x29c: {  	v58 =	vperm.xlane v53, v12;
	v61 =	vld [tilespmem:s26+$0xCE30];
	v55 =	vmul.f32 v55, v59  }
0x29d: {  	v0 =	vadd.f32 v56, v0;
	v1 =	vadd.f32 v3, v1;
	v3 =	vmul.f32 v62, v59;
	v56 =	vld [tilespmem:s26+$0xCE40]  }
0x29e: {  	v59 =	vperm.xlane v53, v13;
	v62 =	vld [tilespmem:s26+$0xCE50];
	v57 =	vmul.f32 v57, v58  }
0x29f: {  	v0 =	vadd.f32 v55, v0;
	v1 =	vadd.f32 v3, v1;
	v3 =	vmul.f32 v60, v58;
	v55 =	vld [tilespmem:s26+$0xCE60]  }
0x2a0: {  	v58 =	vperm.xlane v53, v14;
	v60 =	vld [tilespmem:s26+$0xCE70];
	v54 =	vmul.f32 v54, v59  }
0x2a1: {  	v0 =	vadd.f32 v57, v0;
	v1 =	vadd.f32 v3, v1;
	v3 =	vmul.f32 v61, v59;
	v57 =	vld [tilespmem:s26+$0xD200]  }
0x2a2: {  	v59 =	vperm.xlane v53, v15;
	v61 =	vld [tilespmem:s26+$0xD210];
	v56 =	vmul.f32 v56, v58  }
0x2a3: {  	v0 =	vadd.f32 v54, v0;
	v1 =	vadd.f32 v3, v1;
	v3 =	vmul.f32 v62, v58;
	v58 =	vld [tilespmem:s26+$0xD220]  }
0x2a4: {  	v63 =	vld [tilespmem:s26+$0xD230];
	v62 =	vperm.xlane v53, v16;
	v55 =	vmul.f32 v55, v59  }
0x2a5: {  	v0 =	vadd.f32 v56, v0;
	v1 =	vadd.f32 v3, v1;
	v3 =	vmul.f32 v60, v59;
	v56 =	vld [tilespmem:s26+$0xD240]  }
0x2a6: {  	v59 =	vperm.xlane v53, v17;
	v60 =	vld [tilespmem:s26+$0xD250];
	v57 =	vmul.f32 v57, v62  }
0x2a7: {  	v54 =	vld [tilespmem:s28+$0x0];
	v0 =	vadd.f32 v55, v0;
	v1 =	vadd.f32 v3, v1;
	v3 =	vmul.f32 v61, v62  }
0x2a8: {  	v61 =	vld [tilespmem:s26+$0xD270];
	v55 =	vmul.f32 v58, v59;
	v58 =	vperm.xlane v53, v18  }
0x2a9: {  	v0 =	vadd.f32 v57, v0;
	v1 =	vadd.f32 v3, v1;
	v3 =	vmul.f32 v63, v59;
	v57 =	vld [tilespmem:s26+$0xD600]  }
0x2aa: {  	v53 =	vperm.xlane v53, v19;
	v59 =	vld [tilespmem:s26+$0xD610];
	v56 =	vmul.f32 v56, v58  }
0x2ab: {  	v0 =	vadd.f32 v55, v0;
	v1 =	vadd.f32 v3, v1;
	v3 =	vmul.f32 v60, v58;
	v55 =	vld [tilespmem:s26+$0xD620]  }
0x2ac: {  	v52 =	vmul.f32 v52, v53;
	v58 =	vperm.xlane v54, v4;
	v60 =	vld [tilespmem:s26+$0xD630]  }
0x2ad: {  	v0 =	vadd.f32 v56, v0;
	v1 =	vadd.f32 v3, v1;
	v3 =	vmul.f32 v61, v53;
	v53 =	vld [tilespmem:s26+$0xD640]  }
0x2ae: {  	v61 =	vld [tilespmem:s26+$0xD650];
	v56 =	vmul.f32 v57, v58;
	v57 =	vperm.xlane v54, v5  }
0x2af: {  	v0 =	vadd.f32 v52, v0;
	v1 =	vadd.f32 v3, v1;
	v3 =	vmul.f32 v59, v58;
	v52 =	vld [tilespmem:s26+$0xD660]  }
0x2b0: {  	v58 =	vperm.xlane v54, v6;
	v59 =	vld [tilespmem:s26+$0xD670];
	v55 =	vmul.f32 v55, v57  }
0x2b1: {  	v0 =	vadd.f32 v56, v0;
	v1 =	vadd.f32 v3, v1;
	v3 =	vmul.f32 v60, v57;
	v56 =	vld [tilespmem:s26+$0xDA00]  }
0x2b2: {  	v57 =	vperm.xlane v54, v7;
	v60 =	vld [tilespmem:s26+$0xDA10];
	v53 =	vmul.f32 v53, v58  }
0x2b3: {  	v0 =	vadd.f32 v55, v0;
	v1 =	vadd.f32 v3, v1;
	v3 =	vmul.f32 v61, v58;
	v55 =	vld [tilespmem:s26+$0xDA20]  }
0x2b4: {  	v58 =	vperm.xlane v54, v8;
	v61 =	vld [tilespmem:s26+$0xDA30];
	v52 =	vmul.f32 v52, v57  }
0x2b5: {  	v0 =	vadd.f32 v53, v0;
	v1 =	vadd.f32 v3, v1;
	v3 =	vmul.f32 v59, v57;
	v53 =	vld [tilespmem:s26+$0xDA40]  }
0x2b6: {  	v57 =	vperm.xlane v54, v9;
	v59 =	vld [tilespmem:s26+$0xDA50];
	v56 =	vmul.f32 v56, v58  }
0x2b7: {  	v0 =	vadd.f32 v52, v0;
	v1 =	vadd.f32 v3, v1;
	v3 =	vmul.f32 v60, v58;
	v52 =	vld [tilespmem:s26+$0xDA60]  }
0x2b8: {  	v58 =	vperm.xlane v54, v10;
	v60 =	vld [tilespmem:s26+$0xDA70];
	v55 =	vmul.f32 v55, v57  }
0x2b9: {  	v0 =	vadd.f32 v56, v0;
	v1 =	vadd.f32 v3, v1;
	v3 =	vmul.f32 v61, v57;
	v56 =	vld [tilespmem:s26+$0xDE00]  }
0x2ba: {  	v57 =	vperm.xlane v54, v11;
	v61 =	vld [tilespmem:s26+$0xDE10];
	v53 =	vmul.f32 v53, v58  }
0x2bb: {  	v0 =	vadd.f32 v55, v0;
	v1 =	vadd.f32 v3, v1;
	v3 =	vmul.f32 v59, v58;
	v55 =	vld [tilespmem:s26+$0xDE20]  }
0x2bc: {  	s22 =	sadd.s32 $0x1, s22;
	v58 =	vperm.xlane v54, v12;
	v59 =	vld [tilespmem:s26+$0xDE30];
	v52 =	vmul.f32 v52, v57  }
0x2bd: {  	s22 =	sand.u32 $0x7, s22;
	v0 =	vadd.f32 v53, v0;
	v1 =	vadd.f32 v3, v1;
	v3 =	vmul.f32 v60, v57;
	v53 =	vld [tilespmem:s26+$0xDE40]  }
0x2be: {  	s22 =	sshll.u32 s22, $0x7;
	v57 =	vperm.xlane v54, v13;
	v60 =	vld [tilespmem:s26+$0xDE50];
	v56 =	vmul.f32 v56, v58  }
0x2bf: {  	s22 =	sadd.s32 s22, s25;
	v0 =	vadd.f32 v52, v0;
	v1 =	vadd.f32 v3, v1;
	v3 =	vmul.f32 v61, v58;
	v52 =	vld [tilespmem:s26+$0xDE60]  }
0x2c0: {  	s25 =	sor.u32 $0x1C00, s22;
	v58 =	vperm.xlane v54, v14;
	v61 =	vld [tilespmem:s26+$0xDE70];
	v55 =	vmul.f32 v55, v57  }
0x2c1: {  	s29 =	sor.u32 $0x1C10, s22;
	v0 =	vadd.f32 v56, v0;
	v1 =	vadd.f32 v3, v1;
	v3 =	vmul.f32 v59, v57;
	v56 =	vld [tilespmem:s25+$0xC600]  }
0x2c2: {  	s30 =	sor.u32 $0x1C20, s22;
	v57 =	vperm.xlane v54, v15;
	v59 =	vld [tilespmem:s29+$0xC600];
	v53 =	vmul.f32 v53, v58  }
0x2c3: {  	s31 =	sor.u32 $0x1C30, s22;
	v0 =	vadd.f32 v55, v0;
	v1 =	vadd.f32 v3, v1;
	v3 =	vmul.f32 v60, v58;
	v55 =	vld [tilespmem:s30+$0xC600]  }
0x2c4: {  	s26 =	sor.u32 $0x1C40, s22;
	v58 =	vperm.xlane v54, v16;
	v60 =	vld [tilespmem:s31+$0xC600];
	v52 =	vmul.f32 v52, v57  }
0x2c5: {  	s28 =	sor.u32 $0x1C50, s22;
	v0 =	vadd.f32 v53, v0;
	v1 =	vadd.f32 v3, v1;
	v3 =	vmul.f32 v61, v57;
	v53 =	vld [tilespmem:s26+$0xC600]  }
0x2c6: {  	s29 =	sor.u32 $0x1C60, s22;
	v57 =	vperm.xlane v54, v17;
	v61 =	vld [tilespmem:s28+$0xC600];
	v56 =	vmul.f32 v56, v58  }
0x2c7: {  	s22 =	sor.u32 $0x1C70, s22;
	v0 =	vadd.f32 v52, v0;
	v1 =	vadd.f32 v3, v1;
	v3 =	vmul.f32 v59, v58;
	v52 =	vld [tilespmem:s29+$0xC600]  }
0x2c8: {  	v63 =	vperm.xlane v54, v18;
	v59 =	vld [tilespmem:s22+$0xC600];
	v55 =	vmul.f32 v55, v57  }
0x2c9: {  	v0 =	vadd.f32 v56, v0;
	v1 =	vadd.f32 v3, v1;
	v3 =	vmul.f32 v60, v57  }
0x2ca: {  	s30 =	sadd.s32 $0x80, s23;
	v54 =	vperm.xlane v54, v19;
	v53 =	vmul.f32 v53, v63  }
0x2cb: {  	v62 =	vld [tilespmem:s30+$0xFFFFFFF0];
	v0 =	vadd.f32 v55, v0;
	v1 =	vadd.f32 v3, v1;
	v3 =	vmul.f32 v61, v63  }
0x2cc: {  	v63 =	vld [tilespmem:s30+$0x0];
	v52 =	vmul.f32 v52, v54  }
0x2cd: {  	v0 =	vadd.f32 v53, v0;
	v1 =	vadd.f32 v3, v1;
	v3 =	vmul.f32 v59, v54;
	_ =	sdelay $0x1  }
0x2ce: {  	v0 =	vadd.f32 v52, v0;
	v1 =	vadd.f32 v3, v1;
	_ =	sdelay $0x1  }
0x2cf: {  	v0 =	vmul.f32 v0, v62;
	v1 =	vmul.f32 v1, v63;
	_ =	sdelay $0x1  }
0x2d0: {  	v0 =	vadd.f32 v1, v0  }
0x2d1: {  	s31 =	sadd.s32 $0x80, s24  }
0x2d2: {  	[tilespmem:s31+$0x0] =	vst v0  }
0x2d3: {  	v0 =	vld.idx.msk [tilespmem:v20+s14+$0x0], $0xffff;
	_ =	sdelay $0x1  }
0x2d4: {  	v1 =	vld.idx.msk [tilespmem:v21+s14+$0x0], $0xffff;
	_ =	sdelay $0x1  }
0x2d5: {  	v3 =	vld.idx.msk [tilespmem:v22+s14+$0x0], $0xffff  }
0x2d6: {  	v0 =	vadd.f32 $0.0e+00, v0  }
0x2d7: {  	v20 =	vld.idx.msk [tilespmem:v23+s14+$0x0], $0xffff  }
0x2d8: {  	v0 =	vadd.f32 v1, v0  }
0x2d9: {  	v1 =	vld.idx.msk [tilespmem:v24+s14+$0x0], $0xffff  }
0x2da: {  	v0 =	vadd.f32 v3, v0  }
0x2db: {  	v3 =	vld.idx.msk [tilespmem:v25+s14+$0x0], $0xffff  }
0x2dc: {  	v0 =	vadd.f32 v20, v0  }
0x2dd: {  	v20 =	vld.idx.msk [tilespmem:v26+s14+$0x0], $0xffff  }
0x2de: {  	v0 =	vadd.f32 v1, v0  }
0x2df: {  	v1 =	vld.idx.msk [tilespmem:v27+s14+$0x0], $0xffff  }
0x2e0: {  	v0 =	vadd.f32 v3, v0  }
0x2e1: {  	v3 =	vld.idx.msk [tilespmem:v28+s14+$0x0], $0xffff  }
0x2e2: {  	v0 =	vadd.f32 v20, v0  }
0x2e3: {  	v20 =	vld.idx.msk [tilespmem:v29+s14+$0x0], $0xffff  }
0x2e4: {  	v0 =	vadd.f32 v1, v0  }
0x2e5: {  	v1 =	vld.idx.msk [tilespmem:v30+s14+$0x0], $0xffff  }
0x2e6: {  	v0 =	vadd.f32 v3, v0  }
0x2e7: {  	v3 =	vld.idx.msk [tilespmem:v31+s14+$0x0], $0xffff  }
0x2e8: {  	v0 =	vadd.f32 v20, v0  }
0x2e9: {  	v20 =	vld.idx.msk [tilespmem:v32+s14+$0x0], $0xffff  }
0x2ea: {  	v0 =	vadd.f32 v1, v0  }
0x2eb: {  	v1 =	vld.idx.msk [tilespmem:v33+s14+$0x0], $0xffff  }
0x2ec: {  	v0 =	vadd.f32 v3, v0  }
0x2ed: {  	v3 =	vld.idx.msk [tilespmem:v34+s14+$0x0], $0xffff  }
0x2ee: {  	v0 =	vadd.f32 v20, v0  }
0x2ef: {  	v20 =	vld.idx.msk [tilespmem:v35+s14+$0x0], $0xffff  }
0x2f0: {  	v0 =	vadd.f32 v1, v0;
	_ =	sdelay $0x1  }
0x2f1: {  	v0 =	vadd.f32 v3, v0;
	_ =	sdelay $0x1  }
0x2f2: {  	v0 =	vadd.f32 v20, v0;
	_ =	sdelay $0x1  }
0x2f3: {  	[tilespmem:s21+$0x15600] =	vst v0  }
0x2f4: {  	v0 =	vld.idx.msk [tilespmem:v36+s14+$0x0], $0xffff;
	_ =	sdelay $0x1  }
0x2f5: {  	v1 =	vld.idx.msk [tilespmem:v37+s14+$0x0], $0xffff;
	_ =	sdelay $0x1  }
0x2f6: {  	v3 =	vld.idx.msk [tilespmem:v38+s14+$0x0], $0xffff  }
0x2f7: {  	v0 =	vadd.f32 $0.0e+00, v0  }
0x2f8: {  	v20 =	vld.idx.msk [tilespmem:v39+s14+$0x0], $0xffff  }
0x2f9: {  	v0 =	vadd.f32 v1, v0  }
0x2fa: {  	v1 =	vld.idx.msk [tilespmem:v40+s14+$0x0], $0xffff  }
0x2fb: {  	v0 =	vadd.f32 v3, v0  }
0x2fc: {  	v3 =	vld.idx.msk [tilespmem:v41+s14+$0x0], $0xffff  }
0x2fd: {  	v0 =	vadd.f32 v20, v0  }
0x2fe: {  	v20 =	vld.idx.msk [tilespmem:v42+s14+$0x0], $0xffff  }
0x2ff: {  	v0 =	vadd.f32 v1, v0  }
0x300: {  	v1 =	vld.idx.msk [tilespmem:v43+s14+$0x0], $0xffff  }
0x301: {  	v0 =	vadd.f32 v3, v0  }
0x302: {  	v3 =	vld.idx.msk [tilespmem:v44+s14+$0x0], $0xffff  }
0x303: {  	v0 =	vadd.f32 v20, v0  }
0x304: {  	v20 =	vld.idx.msk [tilespmem:v45+s14+$0x0], $0xffff  }
0x305: {  	v0 =	vadd.f32 v1, v0  }
0x306: {  	v1 =	vld.idx.msk [tilespmem:v46+s14+$0x0], $0xffff  }
0x307: {  	v0 =	vadd.f32 v3, v0  }
0x308: {  	v3 =	vld.idx.msk [tilespmem:v47+s14+$0x0], $0xffff  }
0x309: {  	v0 =	vadd.f32 v20, v0  }
0x30a: {  	v20 =	vld.idx.msk [tilespmem:v48+s14+$0x0], $0xffff  }
0x30b: {  	v0 =	vadd.f32 v1, v0  }
0x30c: {  	v1 =	vld.idx.msk [tilespmem:v49+s14+$0x0], $0xffff  }
0x30d: {  	v0 =	vadd.f32 v3, v0  }
0x30e: {  	v3 =	vld.idx.msk [tilespmem:v50+s14+$0x0], $0xffff  }
0x30f: {  	v0 =	vadd.f32 v20, v0  }
0x310: {  	v20 =	vld.idx.msk [tilespmem:v51+s14+$0x0], $0xffff  }
0x311: {  	s5 =	sadd.s32 $0x1, s5;
	v0 =	vadd.f32 v1, v0  }
0x312: {  	p0 =	sne.s32 s5, $0x8  }
.Ltmp2:
0x313: {  	v0 =	vadd.f32 v3, v0;
	(pc) =	sbr.rel @p0 .LBB2_2-.Ltmp2, $3  }
0x314: {  	_ = 	snop  }
0x315: {  	v0 =	vadd.f32 v20, v0;
	_ =	sdelay $0x1  }
0x316: {  	[tilespmem:s21+$0x15610] =	vst v0  }
0x317: {  	s21 =	simm.s32 $0x0  }
0x318: {  	s5 =	rddreg [dreg:$0xb];
	s22 =	simm.s32 $0x15600;
	s24 =	simm.s32 $0x5  }
0x319: {  	[hbm4b:s5+s21] =	stream.linear.scatter [tilespmem:s22], [sflag:$0x5], $0x200, $0x38;
	[tilespmem:$0x15800] =	vst v63  }
0x31a: {  	_ =	swait.ge [sflag:s24], $0x200  }
0x31b: {  	s30 =	rddreg [dreg:$0xd]  }
0x31c: {  	s31 =	rddreg [dreg:$0xc];
	s22 =	sadd.s32 $0x1, s30  }
0x31d: {  	p0 =	sne.s32 s22, s31  }
.Ltmp3:
0x31e: {  	_ = 	snop;
	(pc) =	sbr.rel @p0 .LBB2_1-.Ltmp3, $3  }
0x31f: {  	_ =	sdelay $0x1  }
0x320: {  	[sflag:s24] =	ssyncset.done $0x0  }
0x321: {  	[sflag:s24] =	ssyncadd.s32 $0xFFFFFE00  }
0x322: {  	_ =	sfence.sel $0x180000  }
0x323: {  	[bflag:$0x0] =	sbarrier.arrive $0xFFFF  }
0x324: {  	_ =	strace $0x90000047  }
0x325: {  	s0 =	stileid.u32;
	[bflag:$0x2] =	sbarrier.arrive $0xFFFF  }
0x326: {  	p0 =	sne.s32 s0, $0x0;
	s0 =	rddreg [dreg:$0x7]  }
0x327: {  	s0 =	sadd.s32 @!p0 $0x100000, s0  }
0x328: {  	[sflag:s0] =	ssyncadd.tile.s32 @!p0 $0x1;
	_ =	shalt  }
.Lfunc_end2:
_tile_overlayer_lowered:
.L_overlay_start_2:
0x329: {  	(tag) =	ssettag $0x2  }
0x32a: {  	s0 =	rddreg [dreg:$0x0];
	s2 =	stileid.u32  }
0x32b: {  	s1 =	rddreg [dreg:$0x1];
	p0 =	sne.s32 s2, $0x0  }
0x32c: {  	s3 =	rddreg [dreg:$0x2];
	[bflag:$0x3] =	sbarrier.arrive $0xFFFF;
	s2 =	simm.s32 @!p0 $0x1C05  }
0x32d: {  	[timem:s3], [sflag:s2] =	dma.local @!p0 [hbm:s0], s1  }
0x32e: {  	s0 =	simm.s32 @!p0 $0x5  }
0x32f: {  	_ =	swait.ge @!p0 [sflag:s0], s1  }
0x330: {  	s1 =	ssub.s32 @!p0 $0x0, s1;
	[sflag:s0] =	ssyncset.done @!p0 $0x0  }
0x331: {  	[sflag:s0] =	ssyncadd.s32 @!p0 s1  }
0x332: {  	[bflag:$0x3] =	sbarrier.arrive $0xFFFF  }
0x333: {  	_ =	shalt  }

</sc_bundles>
